<compile_context>
chip_gen: v7x
topology: tpu7x:2x2x1
jax: 0.10.2.dev20260603
libtpu: 0.0.44.dev20260713+nightly
codegen_flags: <defaults>
</compile_context>

<pallas_src>
import functools

import jax
import jax.numpy as jnp
from jax import lax
from jax.experimental import pallas as pl
from jax.experimental.pallas import tpu as pltpu
from jax.experimental.pallas import tpu_sc as plsc

MM = 10000
KK = 16
NC = 2
NS = 16
NW = NC * NS
GPW = (MM * KK) // NW

CR = 1
CW = CR * 128
NCH = 40
TAIL = GPW - (NCH - 1) * CW

BB = 400
GRID = MM // BB


def _mm(a, b):
    return jnp.dot(a, b, preferred_element_type=jnp.float32)


def _elu(v):
    return jnp.where(v > 0, v, jnp.exp(jnp.minimum(v, 0.0)) - 1.0)


def _make_sc_gather(dtype):
    mesh = plsc.VectorSubcoreMesh(core_axis_name="c", subcore_axis_name="s")

    @functools.partial(
        pl.kernel,
        out_type=jax.ShapeDtypeStruct((MM * KK, 128), dtype),
        mesh=mesh,
        scratch_types=[
            pltpu.VMEM((NCH, CW), jnp.int32),
            pltpu.VMEM((CW, 128), dtype),
            pltpu.VMEM((CW, 128), dtype),
            pltpu.VMEM((CW, 128), dtype),
            pltpu.SemaphoreType.DMA,
            pltpu.SemaphoreType.DMA,
            pltpu.SemaphoreType.DMA,
            pltpu.SemaphoreType.DMA,
            pltpu.SemaphoreType.DMA,
            pltpu.SemaphoreType.DMA,
        ],
    )
    def gk(table_hbm, idx_hbm, out_hbm, idx_v,
           buf0, buf1, buf2, g0, g1, g2, s0, s1, s2):
        wid = lax.axis_index("s") * NC + lax.axis_index("c")
        base = wid * GPW
        pltpu.sync_copy(idx_hbm.at[wid], idx_v)
        bufs, gsems, ssems = (buf0, buf1, buf2), (g0, g1, g2), (s0, s1, s2)

        pltpu.async_copy(table_hbm.at[idx_v.at[0]], buf0, g0)
        pltpu.async_copy(table_hbm.at[idx_v.at[1]], buf1, g1)
        pltpu.async_copy(table_hbm.at[idx_v.at[2]], buf2, g2)

        def process(c, b, dyn_next):
            buf, gs, ss = bufs[b], gsems[b], ssems[b]
            pltpu.make_async_copy(table_hbm.at[idx_v.at[c]], buf, gs).wait()
            pltpu.async_copy(
                buf, out_hbm.at[pl.ds(base + c * CW, CW)], ss).wait()
            if dyn_next:
                @pl.when(c + 3 < NCH)
                def _():
                    pltpu.async_copy(table_hbm.at[idx_v.at[c + 3]], buf, gs)
            elif c + 3 < NCH:
                pltpu.async_copy(table_hbm.at[idx_v.at[c + 3]], buf, gs)

        n_triples = (NCH - 1) // 3

        def triple(p, carry):
            for b in range(3):
                process(3 * p + b, b, True)
            return carry

        lax.fori_loop(0, n_triples, triple, 0)
        for c in range(3 * n_triples, NCH - 1):
            process(c, c % 3, False)
        b = (NCH - 1) % 3
        pltpu.make_async_copy(
            table_hbm.at[idx_v.at[NCH - 1]], bufs[b], gsems[b]).wait()
        pltpu.async_copy(
            bufs[b].at[pl.ds(0, TAIL)],
            out_hbm.at[pl.ds(base + (NCH - 1) * CW, TAIL)], ssems[b]).wait()

    return gk


def _gather128(table, idx4):
    return _make_sc_gather(jnp.float32)(table, idx4)


def _gatherpk(table, idx4):
    return _make_sc_gather(jnp.int32)(table, idx4)


def _pack_bf16(y):

    def q(v):
        u = jax.lax.bitcast_convert_type(v, jnp.int32)
        r = jax.lax.shift_right_logical(u, 16) & 1
        return jax.lax.shift_right_logical(u + 0x7FFF + r, 16)

    return q(y[:, :128]) | jax.lax.shift_left(q(y[:, 128:]), 16)


def _unpack_bf16(w):
    lo = jax.lax.bitcast_convert_type(jax.lax.shift_left(w, 16), jnp.float32)
    hi = jax.lax.bitcast_convert_type(w & jnp.int32(-65536), jnp.float32)
    return lo, hi


def _geo(pos, x8):
    pos3 = pos.reshape(BB, KK, 16)
    sub = (pos3 - x8[:, None, :]).reshape(BB * KK, 16)
    dist = jnp.abs(sub)
    return sub, dist


def _stage0_body(x_ref, pos_ref, a_ref, s_ref, d_ref, b0_ref, w1_ref, b1_ref,
                 w2_ref, b2_ref, wf_ref, f_ref, y_ref, p16_ref):
    pos = pos_ref[:, 0:16]
    p16_ref[...] = pos
    sub, dist = _geo(pos, x_ref[...])
    h = _mm(pos, a_ref[...]) + _mm(sub, s_ref[...]) + _mm(dist, d_ref[...])
    h = jnp.maximum(h + b0_ref[...], 0.0)
    h = jnp.maximum(_mm(h, w1_ref[...]) + b1_ref[...], 0.0)
    h = jnp.maximum(_mm(h, w2_ref[...]) + b2_ref[...], 0.0)
    f = _elu(jnp.sum(h.reshape(BB, KK, 256), axis=1))
    f_ref[...] = f
    y_ref[...] = _pack_bf16(_mm(f, wf_ref[...]))


def _stage_body(has_next, yg_ref, pos_ref, x_ref, cur_ref, a_ref, s_ref,
                d_ref, b_ref, *rest):
    if has_next:
        wf_ref, f_ref, y_ref = rest
    else:
        wf_ref = None
        (f_ref,) = rest
    pos = pos_ref[...]
    sub, dist = _geo(pos, x_ref[...])
    g = _mm(pos, a_ref[...]) + _mm(sub, s_ref[...]) + _mm(dist, d_ref[...])
    g = g + b_ref[...]
    ylo, yhi = _unpack_bf16(yg_ref[...])
    tlo = jnp.maximum(ylo + g[:, :128], 0.0)
    thi = jnp.maximum(yhi + g[:, 128:], 0.0)
    s = jnp.concatenate(
        [jnp.sum(tlo.reshape(BB, KK, 128), axis=1),
         jnp.sum(thi.reshape(BB, KK, 128), axis=1)], axis=1)
    f = _elu(s) + cur_ref[...]
    f_ref[...] = f
    if has_next:
        y_ref[...] = _pack_bf16(_mm(f, wf_ref[...]))


def _final_body(f1_ref, f2_ref, f3_ref, f4_ref, wa_ref, wb_ref, wc_ref,
                wd_ref, bo0_ref, w1_ref, bo1_ref, w2_ref, bo2_ref, o_ref):
    h = (_mm(f1_ref[...], wa_ref[...]) + _mm(f2_ref[...], wb_ref[...])
         + _mm(f3_ref[...], wc_ref[...]) + _mm(f4_ref[...], wd_ref[...]))
    h = jnp.maximum(h + bo0_ref[...], 0.0)
    h = jnp.maximum(_mm(h, w1_ref[...]) + bo1_ref[...], 0.0)
    o_ref[...] = _mm(h, w2_ref[...]) + bo2_ref[...]


def _node_spec(n):
    return pl.BlockSpec((BB, n), lambda b: (b, 0))


def _edge_spec(n):
    return pl.BlockSpec((BB * KK, n), lambda b: (b, 0))


def _full_spec(shape):
    return pl.BlockSpec(shape, lambda b: (0, 0))


def _f32(shape):
    return jax.ShapeDtypeStruct(shape, jnp.float32)


def kernel(x, knn_idx_list, W0_0, b0_0, W0_1, b0_1, W0_2, b0_2,
           W1_0, b1_0, W2_0, b2_0, W3_0, b3_0,
           Wo0, bo0, Wo1, bo1, Wo2, bo2):
    xf = x[0]
    xpad = jnp.concatenate(
        [xf, jnp.zeros((MM, 13), jnp.float32)], axis=1)
    idx2 = knn_idx_list[0].reshape(NW, GPW)
    idx4 = jnp.pad(idx2, ((0, 0), (0, NCH * CW - GPW))).reshape(NW, NCH, CW)

    def pad16(w3):
        return jnp.pad(w3.T, ((0, 13), (0, 0)))

    A0 = pad16(W0_0[:, 0:3] + W0_0[:, 3:6])
    S0 = pad16(W0_0[:, 6:9])
    D0 = pad16(W0_0[:, 9:12])
    geo_ops = []
    for W in (W1_0, W2_0, W3_0):
        geo_ops.append((pad16(W[:, 256:259]), pad16(W[:, 259:262]),
                        pad16(W[:, 262:265])))
    Wf = [W[:, :256].T for W in (W1_0, W2_0, W3_0)]
    row = lambda v: v.reshape(1, -1)

    xpad128 = jnp.concatenate(
        [xf, jnp.zeros((MM, 125), jnp.float32)], axis=1)
    posg128 = _gather128(xpad128, idx4)

    wspecs0 = [_full_spec(s) for s in
               ((16, 64), (16, 64), (16, 64), (1, 64), (64, 128), (1, 128),
                (128, 256), (1, 256), (256, 256))]
    _ybf = jax.ShapeDtypeStruct((MM, 128), jnp.int32)
    f1, y1, posg = pl.pallas_call(
        _stage0_body,
        grid=(GRID,),
        in_specs=[_node_spec(16), _edge_spec(128)] + wspecs0,
        out_specs=[_node_spec(256), _node_spec(128), _edge_spec(16)],
        out_shape=[_f32((MM, 256)), _ybf, _f32((MM * KK, 16))],
    )(xpad, posg128, A0, S0, D0, row(b0_0), W0_1.T, row(b0_1),
      W0_2.T, row(b0_2), Wf[0])

    feats = [f1]
    cur, y = f1, y1
    for i in (1, 2, 3):
        yg = _gatherpk(y, idx4)
        has_next = i < 3
        a, s, d = geo_ops[i - 1]
        b = row((b1_0, b2_0, b3_0)[i - 1])
        wspecs = [_full_spec((16, 256))] * 3 + [_full_spec((1, 256))]
        outs = [_f32((MM, 256))]
        ospecs = [_node_spec(256)]
        ins = [yg, posg, xpad, cur, a, s, d, b]
        in_specs = [_edge_spec(128), _edge_spec(16), _node_spec(16),
                    _node_spec(256)] + wspecs
        if has_next:
            ins.append(Wf[i])
            in_specs.append(_full_spec((256, 256)))
            outs.append(_ybf)
            ospecs.append(_node_spec(128))
        res = pl.pallas_call(
            functools.partial(_stage_body, has_next),
            grid=(GRID,),
            in_specs=in_specs,
            out_specs=ospecs,
            out_shape=outs,
        )(*ins)
        if has_next:
            cur, y = res
        else:
            (cur,) = res
        feats.append(cur)

    out = pl.pallas_call(
        _final_body,
        grid=(GRID,),
        in_specs=[_node_spec(256)] * 4 + [
            _full_spec((256, 256)), _full_spec((256, 256)),
            _full_spec((256, 256)), _full_spec((256, 256)),
            _full_spec((1, 256)), _full_spec((256, 256)), _full_spec((1, 256)),
            _full_spec((256, 256)), _full_spec((1, 256))],
        out_specs=_node_spec(256),
        out_shape=_f32((MM, 256)),
    )(feats[0], feats[1], feats[2], feats[3],
      Wo0[:, 0:256].T, Wo0[:, 256:512].T, Wo0[:, 512:768].T, Wo0[:, 768:1024].T,
      row(bo0), Wo1.T, row(bo1), Wo2.T, row(bo2))
    return out[None]

# --- scband reference (transcript-rebuilt; emitter-appended) ---
"""Pipeline reference for scband-residual-encoder-49349174231433 (READ-ONLY COPY).

The authoritative reference and input builder live on the scoring server;
editing this copy changes nothing except your own understanding.
"""

import jax, jax.numpy as jnp
import numpy as np

M = 10000
K = 16


def knn_gather(x, idx):
    # x: (1, M, C), idx: (1, M, K) -> (1, M, K, C)
    return x[0][idx[0]][None]


def local_block(points, layers):
    for W, b, r in layers:
        points = points @ W.T + b
        if r:
            points = jax.nn.relu(points)
    points = jnp.sum(points, axis=-2)
    return jax.nn.elu(points)


def _forward(x, knn_idx_list, params):
    (W0_0, b0_0, W0_1, b0_1, W0_2, b0_2,
     W1_0, b1_0, W2_0, b2_0, W3_0, b3_0,
     Wo0, bo0, Wo1, bo1, Wo2, bo2) = params
    blocks = [
        [(W0_0, b0_0, True), (W0_1, b0_1, True), (W0_2, b0_2, True)],
        [(W1_0, b1_0, True)],
        [(W2_0, b2_0, True)],
        [(W3_0, b3_0, True)],
    ]
    xyz = x
    cur = x
    feature_list = []
    for i in range(4):
        feature = knn_gather(cur, knn_idx_list)
        position = knn_gather(xyz, knn_idx_list)
        substract = position - xyz[:, :, None, :]
        distance = jnp.sqrt(substract * substract)
        feature = jnp.concatenate([feature, position, substract, distance], axis=-1)
        h = local_block(feature, blocks[i])
        cur = h if i == 0 else h + cur
        feature_list.append(cur)
    feature = jnp.concatenate(feature_list, axis=-1)
    h = jax.nn.relu(feature @ Wo0.T + bo0)
    h = jax.nn.relu(h @ Wo1.T + bo1)
    return h @ Wo2.T + bo2


def setup_inputs(seed: int = 0):
    key = jax.random.key(seed)
    ks = jax.random.split(key, 3)
    x = jax.random.normal(ks[0], (1, M, 3), dtype=jnp.float32)
    idx = jax.random.randint(ks[1], (1, M, K), 0, M, dtype=jnp.int32)
    ar = jnp.arange(M, dtype=jnp.int32).reshape(1, M, 1)
    # avoid self-neighbors so sqrt(s*s) never sits exactly at 0 (degenerate grad)
    idx = jnp.where(idx == ar, (idx + 1) % M, idx)
    inp = {"x": x, "knn_idx_list": idx}
    wkeys = list(jax.random.split(ks[2], 20))
    kit = iter(wkeys)

    def lin(o, i):
        return jax.random.normal(next(kit), (o, i), dtype=jnp.float32) * 0.05

    inp["W0_0"] = lin(64, 12);   inp["b0_0"] = jnp.zeros((64,), jnp.float32)
    inp["W0_1"] = lin(128, 64);  inp["b0_1"] = jnp.zeros((128,), jnp.float32)
    inp["W0_2"] = lin(256, 128); inp["b0_2"] = jnp.zeros((256,), jnp.float32)
    for i in (1, 2, 3):
        inp[f"W{i}_0"] = lin(256, 265)
        inp[f"b{i}_0"] = jnp.zeros((256,), jnp.float32)
    inp["Wo0"] = lin(256, 1024); inp["bo0"] = jnp.zeros((256,), jnp.float32)
    inp["Wo1"] = lin(256, 256);  inp["bo1"] = jnp.zeros((256,), jnp.float32)
    inp["Wo2"] = lin(256, 256);  inp["bo2"] = jnp.zeros((256,), jnp.float32)
    return inp


def reference(x, knn_idx_list, W0_0, b0_0, W0_1, b0_1, W0_2, b0_2,
              W1_0, b1_0, W2_0, b2_0, W3_0, b3_0,
              Wo0, bo0, Wo1, bo1, Wo2, bo2):
    params = (W0_0, b0_0, W0_1, b0_1, W0_2, b0_2,
              W1_0, b1_0, W2_0, b2_0, W3_0, b3_0,
              Wo0, bo0, Wo1, bo1, Wo2, bo2)
    return _forward(x, knn_idx_list, params)

if __name__ == "__main__":
    import jax
    _d = setup_inputs()
    print(jax.jit(kernel)(*tuple(_d.values())))

</pallas_src>

<mosaic_0001>
#map = affine_map<(d0, d1) -> (0, 0)>
#map1 = affine_map<(d0, d1) -> (0, 0, 0)>
module attributes {stable_mosaic.version = 14 : i64} {
  func.func @gk(%arg0: i32, %arg1: i32, %arg2: memref<10000x128xf32, #tpu.memory_space<hbm>>, %arg3: memref<32x40x128xi32, #tpu.memory_space<hbm>>, %arg4: memref<160000x128xf32, #tpu.memory_space<hbm>>, %arg5: memref<40x128xi32, #tpu.memory_space<vmem>>, %arg6: memref<128x128xf32, #tpu.memory_space<vmem>>, %arg7: memref<128x128xf32, #tpu.memory_space<vmem>>, %arg8: memref<128x128xf32, #tpu.memory_space<vmem>>, %arg9: memref<!tpu.dma_semaphore, #tpu.memory_space<semaphore_mem>>, %arg10: memref<!tpu.dma_semaphore, #tpu.memory_space<semaphore_mem>>, %arg11: memref<!tpu.dma_semaphore, #tpu.memory_space<semaphore_mem>>, %arg12: memref<!tpu.dma_semaphore, #tpu.memory_space<semaphore_mem>>, %arg13: memref<!tpu.dma_semaphore, #tpu.memory_space<semaphore_mem>>, %arg14: memref<!tpu.dma_semaphore, #tpu.memory_space<semaphore_mem>>) attributes {dimension_semantics = [#tpu.dimension_semantics<core_parallel>, #tpu.dimension_semantics<subcore_parallel>], iteration_bounds = array<i64: 2, 16>, scalar_prefetch = 0 : i64, scratch_operands = 10 : i64, tpu.core_type = #tpu.core_type<sc_vector_subcore>, window_params = [{transform_indices = #map}, {transform_indices = #map1}, {transform_indices = #map}]} {
    %mul3A = arith.constant 2 : i32
    %mul3A_0 = arith.muli %arg1, %mul3A : i32
    %add3A = arith.addi %mul3A_0, %arg0 : i32
    %mul3A_1 = arith.constant 5000 : i32
    %mul3A_2 = arith.muli %add3A, %mul3A_1 : i32
    "tpu.region"() ({
      %run_scoped3A = tpu.sem_alloc : memref<!tpu.dma_semaphore, #tpu.memory_space<semaphore_mem>>
      %dma_start3A_56 = arith.constant 0 : i32
      %dma_start3A_57 = arith.constant 0 : i32
      %dma_start3A_58 = tpu.memref_slice %arg3[%add3A, %dma_start3A_56, %dma_start3A_57] : memref<32x40x128xi32, #tpu.memory_space<hbm>> -> memref<1x40x128xi32, #tpu.memory_space<hbm>>
      %dma_start3A_59 = tpu.memref_squeeze %dma_start3A_58 : memref<1x40x128xi32, #tpu.memory_space<hbm>> -> memref<40x128xi32, #tpu.memory_space<hbm>>
      %dma_start3A_60 = arith.constant 0 : i32
      %dma_start3A_61 = arith.constant 0 : i32
      %dma_start3A_62 = tpu.memref_slice %arg3[%add3A, %dma_start3A_60, %dma_start3A_61] : memref<32x40x128xi32, #tpu.memory_space<hbm>> -> memref<1x40x128xi32, #tpu.memory_space<hbm>>
      %dma_start3A_63 = tpu.memref_squeeze %dma_start3A_62 : memref<1x40x128xi32, #tpu.memory_space<hbm>> -> memref<40x128xi32, #tpu.memory_space<hbm>>
      tpu.enqueue_dma source(%dma_start3A_63 : memref<40x128xi32, #tpu.memory_space<hbm>>) target(%arg5 : memref<40x128xi32, #tpu.memory_space<vmem>>) target_semaphore(%run_scoped3A : memref<!tpu.dma_semaphore, #tpu.memory_space<semaphore_mem>>)
      %dma_wait3A_64 = arith.constant 0 : i32
      %dma_wait3A_65 = arith.constant 0 : i32
      %dma_wait3A_66 = tpu.memref_slice %arg3[%add3A, %dma_wait3A_64, %dma_wait3A_65] : memref<32x40x128xi32, #tpu.memory_space<hbm>> -> memref<1x40x128xi32, #tpu.memory_space<hbm>>
      %dma_wait3A_67 = tpu.memref_squeeze %dma_wait3A_66 : memref<1x40x128xi32, #tpu.memory_space<hbm>> -> memref<40x128xi32, #tpu.memory_space<hbm>>
      %dma_wait3A_68 = arith.constant 0 : i32
      %dma_wait3A_69 = arith.constant 0 : i32
      %dma_wait3A_70 = tpu.memref_slice %arg3[%add3A, %dma_wait3A_68, %dma_wait3A_69] : memref<32x40x128xi32, #tpu.memory_space<hbm>> -> memref<1x40x128xi32, #tpu.memory_space<hbm>>
      %dma_wait3A_71 = tpu.memref_squeeze %dma_wait3A_70 : memref<1x40x128xi32, #tpu.memory_space<hbm>> -> memref<40x128xi32, #tpu.memory_space<hbm>>
      tpu.wait_dma2 semaphore(%run_scoped3A : memref<!tpu.dma_semaphore, #tpu.memory_space<semaphore_mem>>) src(%dma_wait3A_71 : memref<40x128xi32, #tpu.memory_space<hbm>>) dst(%arg5 : memref<40x128xi32, #tpu.memory_space<vmem>>)
      tpu.yield
    }) : () -> ()
    %dma_start3A = arith.constant 0 : i32
    %dma_start3A_3 = arith.constant 0 : i32
    %dma_start3A_4 = tpu.memref_slice %arg5[%dma_start3A, %dma_start3A_3] : memref<40x128xi32, #tpu.memory_space<vmem>> -> memref<1x128xi32, #tpu.memory_space<vmem>>
    %dma_start3A_5 = tpu.memref_squeeze %dma_start3A_4 : memref<1x128xi32, #tpu.memory_space<vmem>> -> memref<128xi32, #tpu.memory_space<vmem>>
    %dma_start3A_6 = arith.constant 0 : i32
    %dma_start3A_7 = arith.constant 0 : i32
    %dma_start3A_8 = tpu.memref_slice %arg2[%dma_start3A_6, %dma_start3A_7] : memref<10000x128xf32, #tpu.memory_space<hbm>> -> memref<10000x128xf32, #tpu.memory_space<hbm>>
    tpu.enqueue_indirect_dma source(%dma_start3A_8 : memref<10000x128xf32, #tpu.memory_space<hbm>>) target(%arg6 : memref<128x128xf32, #tpu.memory_space<vmem>>) offsets(%dma_start3A_5 : memref<128xi32, #tpu.memory_space<vmem>>) semaphore(%arg9 : memref<!tpu.dma_semaphore, #tpu.memory_space<semaphore_mem>>)
    %dma_start3A_9 = arith.constant 1 : i32
    %dma_start3A_10 = arith.constant 0 : i32
    %dma_start3A_11 = tpu.memref_slice %arg5[%dma_start3A_9, %dma_start3A_10] : memref<40x128xi32, #tpu.memory_space<vmem>> -> memref<1x128xi32, #tpu.memory_space<vmem>>
    %dma_start3A_12 = tpu.memref_squeeze %dma_start3A_11 : memref<1x128xi32, #tpu.memory_space<vmem>> -> memref<128xi32, #tpu.memory_space<vmem>>
    %dma_start3A_13 = arith.constant 0 : i32
    %dma_start3A_14 = arith.constant 0 : i32
    %dma_start3A_15 = tpu.memref_slice %arg2[%dma_start3A_13, %dma_start3A_14] : memref<10000x128xf32, #tpu.memory_space<hbm>> -> memref<10000x128xf32, #tpu.memory_space<hbm>>
    tpu.enqueue_indirect_dma source(%dma_start3A_15 : memref<10000x128xf32, #tpu.memory_space<hbm>>) target(%arg7 : memref<128x128xf32, #tpu.memory_space<vmem>>) offsets(%dma_start3A_12 : memref<128xi32, #tpu.memory_space<vmem>>) semaphore(%arg10 : memref<!tpu.dma_semaphore, #tpu.memory_space<semaphore_mem>>)
    %dma_start3A_16 = arith.constant 2 : i32
    %dma_start3A_17 = arith.constant 0 : i32
    %dma_start3A_18 = tpu.memref_slice %arg5[%dma_start3A_16, %dma_start3A_17] : memref<40x128xi32, #tpu.memory_space<vmem>> -> memref<1x128xi32, #tpu.memory_space<vmem>>
    %dma_start3A_19 = tpu.memref_squeeze %dma_start3A_18 : memref<1x128xi32, #tpu.memory_space<vmem>> -> memref<128xi32, #tpu.memory_space<vmem>>
    %dma_start3A_20 = arith.constant 0 : i32
    %dma_start3A_21 = arith.constant 0 : i32
    %dma_start3A_22 = tpu.memref_slice %arg2[%dma_start3A_20, %dma_start3A_21] : memref<10000x128xf32, #tpu.memory_space<hbm>> -> memref<10000x128xf32, #tpu.memory_space<hbm>>
    tpu.enqueue_indirect_dma source(%dma_start3A_22 : memref<10000x128xf32, #tpu.memory_space<hbm>>) target(%arg8 : memref<128x128xf32, #tpu.memory_space<vmem>>) offsets(%dma_start3A_19 : memref<128xi32, #tpu.memory_space<vmem>>) semaphore(%arg11 : memref<!tpu.dma_semaphore, #tpu.memory_space<semaphore_mem>>)
    %scan3A = arith.constant 0 : i32
    %scan3A_23 = arith.constant 0 : i32
    %scan3A_24 = arith.constant 13 : i32
    %scan3A_25 = arith.addi %scan3A_23, %scan3A_24 : i32
    %scan3A_26 = arith.constant 1 : i32
    scf.for %scan3A_56 = %scan3A_23 to %scan3A_25 step %scan3A_26  : i32 {
      %mul3A_57 = arith.constant 3 : i32
      %mul3A_58 = arith.muli %mul3A_57, %scan3A_56 : i32
      %add3A_59 = arith.constant 0 : i32
      %add3A_60 = arith.addi %mul3A_58, %add3A_59 : i32
      %dma_wait3A_61 = arith.constant 0 : i32
      %dma_wait3A_62 = tpu.memref_slice %arg5[%add3A_60, %dma_wait3A_61] : memref<40x128xi32, #tpu.memory_space<vmem>> -> memref<1x128xi32, #tpu.memory_space<vmem>>
      %dma_wait3A_63 = tpu.memref_squeeze %dma_wait3A_62 : memref<1x128xi32, #tpu.memory_space<vmem>> -> memref<128xi32, #tpu.memory_space<vmem>>
      %dma_wait3A_64 = arith.constant 0 : i32
      %dma_wait3A_65 = arith.constant 0 : i32
      %dma_wait3A_66 = tpu.memref_slice %arg2[%dma_wait3A_64, %dma_wait3A_65] : memref<10000x128xf32, #tpu.memory_space<hbm>> -> memref<10000x128xf32, #tpu.memory_space<hbm>>
      tpu.wait_indirect_dma semaphore(%arg9 : memref<!tpu.dma_semaphore, #tpu.memory_space<semaphore_mem>>) src(%dma_wait3A_66 : memref<10000x128xf32, #tpu.memory_space<hbm>>) dst(%arg6 : memref<128x128xf32, #tpu.memory_space<vmem>>)
      %mul3A_67 = arith.constant 128 : i32
      %mul3A_68 = arith.muli %add3A_60, %mul3A_67 : i32
      %add3A_69 = arith.addi %mul3A_2, %mul3A_68 : i32
      %dma_start3A_70 = arith.constant 0 : i32
      %dma_start3A_71 = tpu.memref_slice %arg4[%add3A_69, %dma_start3A_70] : memref<160000x128xf32, #tpu.memory_space<hbm>> -> memref<128x128xf32, #tpu.memory_space<hbm>>
      %dma_start3A_72 = arith.constant 0 : i32
      %dma_start3A_73 = tpu.memref_slice %arg4[%add3A_69, %dma_start3A_72] : memref<160000x128xf32, #tpu.memory_space<hbm>> -> memref<128x128xf32, #tpu.memory_space<hbm>>
      tpu.enqueue_dma source(%arg6 : memref<128x128xf32, #tpu.memory_space<vmem>>) target(%dma_start3A_73 : memref<128x128xf32, #tpu.memory_space<hbm>>) target_semaphore(%arg12 : memref<!tpu.dma_semaphore, #tpu.memory_space<semaphore_mem>>)
      %dma_wait3A_74 = arith.constant 0 : i32
      %dma_wait3A_75 = tpu.memref_slice %arg4[%add3A_69, %dma_wait3A_74] : memref<160000x128xf32, #tpu.memory_space<hbm>> -> memref<128x128xf32, #tpu.memory_space<hbm>>
      %dma_wait3A_76 = arith.constant 0 : i32
      %dma_wait3A_77 = tpu.memref_slice %arg4[%add3A_69, %dma_wait3A_76] : memref<160000x128xf32, #tpu.memory_space<hbm>> -> memref<128x128xf32, #tpu.memory_space<hbm>>
      tpu.wait_dma2 semaphore(%arg12 : memref<!tpu.dma_semaphore, #tpu.memory_space<semaphore_mem>>) src(%arg6 : memref<128x128xf32, #tpu.memory_space<vmem>>) dst(%dma_wait3A_77 : memref<128x128xf32, #tpu.memory_space<hbm>>)
      %add3A_78 = arith.constant 3 : i32
      %add3A_79 = arith.addi %add3A_60, %add3A_78 : i32
      %lt3A = arith.constant 40 : i32
      %lt3A_80 = arith.cmpi slt, %add3A_79, %lt3A : i32
      %convert_element_type3A = arith.extui %lt3A_80 : i1 to i32
      %cond3A = arith.constant 0 : i32
      %cond3A_81 = arith.cmpi ne, %convert_element_type3A, %cond3A : i32
      scf.if %cond3A_81 {
        %add3A_138 = arith.constant 3 : i32
        %add3A_139 = arith.addi %add3A_60, %add3A_138 : i32
        %dma_start3A_140 = arith.constant 0 : i32
        %dma_start3A_141 = tpu.memref_slice %arg5[%add3A_139, %dma_start3A_140] : memref<40x128xi32, #tpu.memory_space<vmem>> -> memref<1x128xi32, #tpu.memory_space<vmem>>
        %dma_start3A_142 = tpu.memref_squeeze %dma_start3A_141 : memref<1x128xi32, #tpu.memory_space<vmem>> -> memref<128xi32, #tpu.memory_space<vmem>>
        %dma_start3A_143 = arith.constant 0 : i32
        %dma_start3A_144 = arith.constant 0 : i32
        %dma_start3A_145 = tpu.memref_slice %arg2[%dma_start3A_143, %dma_start3A_144] : memref<10000x128xf32, #tpu.memory_space<hbm>> -> memref<10000x128xf32, #tpu.memory_space<hbm>>
        tpu.enqueue_indirect_dma source(%dma_start3A_145 : memref<10000x128xf32, #tpu.memory_space<hbm>>) target(%arg6 : memref<128x128xf32, #tpu.memory_space<vmem>>) offsets(%dma_start3A_142 : memref<128xi32, #tpu.memory_space<vmem>>) semaphore(%arg9 : memref<!tpu.dma_semaphore, #tpu.memory_space<semaphore_mem>>)
      } else {
      }
      %mul3A_82 = arith.constant 3 : i32
      %mul3A_83 = arith.muli %mul3A_82, %scan3A_56 : i32
      %add3A_84 = arith.constant 1 : i32
      %add3A_85 = arith.addi %mul3A_83, %add3A_84 : i32
      %dma_wait3A_86 = arith.constant 0 : i32
      %dma_wait3A_87 = tpu.memref_slice %arg5[%add3A_85, %dma_wait3A_86] : memref<40x128xi32, #tpu.memory_space<vmem>> -> memref<1x128xi32, #tpu.memory_space<vmem>>
      %dma_wait3A_88 = tpu.memref_squeeze %dma_wait3A_87 : memref<1x128xi32, #tpu.memory_space<vmem>> -> memref<128xi32, #tpu.memory_space<vmem>>
      %dma_wait3A_89 = arith.constant 0 : i32
      %dma_wait3A_90 = arith.constant 0 : i32
      %dma_wait3A_91 = tpu.memref_slice %arg2[%dma_wait3A_89, %dma_wait3A_90] : memref<10000x128xf32, #tpu.memory_space<hbm>> -> memref<10000x128xf32, #tpu.memory_space<hbm>>
      tpu.wait_indirect_dma semaphore(%arg10 : memref<!tpu.dma_semaphore, #tpu.memory_space<semaphore_mem>>) src(%dma_wait3A_91 : memref<10000x128xf32, #tpu.memory_space<hbm>>) dst(%arg7 : memref<128x128xf32, #tpu.memory_space<vmem>>)
      %mul3A_92 = arith.constant 128 : i32
      %mul3A_93 = arith.muli %add3A_85, %mul3A_92 : i32
      %add3A_94 = arith.addi %mul3A_2, %mul3A_93 : i32
      %dma_start3A_95 = arith.constant 0 : i32
      %dma_start3A_96 = tpu.memref_slice %arg4[%add3A_94, %dma_start3A_95] : memref<160000x128xf32, #tpu.memory_space<hbm>> -> memref<128x128xf32, #tpu.memory_space<hbm>>
      %dma_start3A_97 = arith.constant 0 : i32
      %dma_start3A_98 = tpu.memref_slice %arg4[%add3A_94, %dma_start3A_97] : memref<160000x128xf32, #tpu.memory_space<hbm>> -> memref<128x128xf32, #tpu.memory_space<hbm>>
      tpu.enqueue_dma source(%arg7 : memref<128x128xf32, #tpu.memory_space<vmem>>) target(%dma_start3A_98 : memref<128x128xf32, #tpu.memory_space<hbm>>) target_semaphore(%arg13 : memref<!tpu.dma_semaphore, #tpu.memory_space<semaphore_mem>>)
      %dma_wait3A_99 = arith.constant 0 : i32
      %dma_wait3A_100 = tpu.memref_slice %arg4[%add3A_94, %dma_wait3A_99] : memref<160000x128xf32, #tpu.memory_space<hbm>> -> memref<128x128xf32, #tpu.memory_space<hbm>>
      %dma_wait3A_101 = arith.constant 0 : i32
      %dma_wait3A_102 = tpu.memref_slice %arg4[%add3A_94, %dma_wait3A_101] : memref<160000x128xf32, #tpu.memory_space<hbm>> -> memref<128x128xf32, #tpu.memory_space<hbm>>
      tpu.wait_dma2 semaphore(%arg13 : memref<!tpu.dma_semaphore, #tpu.memory_space<semaphore_mem>>) src(%arg7 : memref<128x128xf32, #tpu.memory_space<vmem>>) dst(%dma_wait3A_102 : memref<128x128xf32, #tpu.memory_space<hbm>>)
      %add3A_103 = arith.constant 3 : i32
      %add3A_104 = arith.addi %add3A_85, %add3A_103 : i32
      %lt3A_105 = arith.constant 40 : i32
      %lt3A_106 = arith.cmpi slt, %add3A_104, %lt3A_105 : i32
      %convert_element_type3A_107 = arith.extui %lt3A_106 : i1 to i32
      %cond3A_108 = arith.constant 0 : i32
      %cond3A_109 = arith.cmpi ne, %convert_element_type3A_107, %cond3A_108 : i32
      scf.if %cond3A_109 {
        %add3A_138 = arith.constant 3 : i32
        %add3A_139 = arith.addi %add3A_85, %add3A_138 : i32
        %dma_start3A_140 = arith.constant 0 : i32
        %dma_start3A_141 = tpu.memref_slice %arg5[%add3A_139, %dma_start3A_140] : memref<40x128xi32, #tpu.memory_space<vmem>> -> memref<1x128xi32, #tpu.memory_space<vmem>>
        %dma_start3A_142 = tpu.memref_squeeze %dma_start3A_141 : memref<1x128xi32, #tpu.memory_space<vmem>> -> memref<128xi32, #tpu.memory_space<vmem>>
        %dma_start3A_143 = arith.constant 0 : i32
        %dma_start3A_144 = arith.constant 0 : i32
        %dma_start3A_145 = tpu.memref_slice %arg2[%dma_start3A_143, %dma_start3A_144] : memref<10000x128xf32, #tpu.memory_space<hbm>> -> memref<10000x128xf32, #tpu.memory_space<hbm>>
        tpu.enqueue_indirect_dma source(%dma_start3A_145 : memref<10000x128xf32, #tpu.memory_space<hbm>>) target(%arg7 : memref<128x128xf32, #tpu.memory_space<vmem>>) offsets(%dma_start3A_142 : memref<128xi32, #tpu.memory_space<vmem>>) semaphore(%arg10 : memref<!tpu.dma_semaphore, #tpu.memory_space<semaphore_mem>>)
      } else {
      }
      %mul3A_110 = arith.constant 3 : i32
      %mul3A_111 = arith.muli %mul3A_110, %scan3A_56 : i32
      %add3A_112 = arith.constant 2 : i32
      %add3A_113 = arith.addi %mul3A_111, %add3A_112 : i32
      %dma_wait3A_114 = arith.constant 0 : i32
      %dma_wait3A_115 = tpu.memref_slice %arg5[%add3A_113, %dma_wait3A_114] : memref<40x128xi32, #tpu.memory_space<vmem>> -> memref<1x128xi32, #tpu.memory_space<vmem>>
      %dma_wait3A_116 = tpu.memref_squeeze %dma_wait3A_115 : memref<1x128xi32, #tpu.memory_space<vmem>> -> memref<128xi32, #tpu.memory_space<vmem>>
      %dma_wait3A_117 = arith.constant 0 : i32
      %dma_wait3A_118 = arith.constant 0 : i32
      %dma_wait3A_119 = tpu.memref_slice %arg2[%dma_wait3A_117, %dma_wait3A_118] : memref<10000x128xf32, #tpu.memory_space<hbm>> -> memref<10000x128xf32, #tpu.memory_space<hbm>>
      tpu.wait_indirect_dma semaphore(%arg11 : memref<!tpu.dma_semaphore, #tpu.memory_space<semaphore_mem>>) src(%dma_wait3A_119 : memref<10000x128xf32, #tpu.memory_space<hbm>>) dst(%arg8 : memref<128x128xf32, #tpu.memory_space<vmem>>)
      %mul3A_120 = arith.constant 128 : i32
      %mul3A_121 = arith.muli %add3A_113, %mul3A_120 : i32
      %add3A_122 = arith.addi %mul3A_2, %mul3A_121 : i32
      %dma_start3A_123 = arith.constant 0 : i32
      %dma_start3A_124 = tpu.memref_slice %arg4[%add3A_122, %dma_start3A_123] : memref<160000x128xf32, #tpu.memory_space<hbm>> -> memref<128x128xf32, #tpu.memory_space<hbm>>
      %dma_start3A_125 = arith.constant 0 : i32
      %dma_start3A_126 = tpu.memref_slice %arg4[%add3A_122, %dma_start3A_125] : memref<160000x128xf32, #tpu.memory_space<hbm>> -> memref<128x128xf32, #tpu.memory_space<hbm>>
      tpu.enqueue_dma source(%arg8 : memref<128x128xf32, #tpu.memory_space<vmem>>) target(%dma_start3A_126 : memref<128x128xf32, #tpu.memory_space<hbm>>) target_semaphore(%arg14 : memref<!tpu.dma_semaphore, #tpu.memory_space<semaphore_mem>>)
      %dma_wait3A_127 = arith.constant 0 : i32
      %dma_wait3A_128 = tpu.memref_slice %arg4[%add3A_122, %dma_wait3A_127] : memref<160000x128xf32, #tpu.memory_space<hbm>> -> memref<128x128xf32, #tpu.memory_space<hbm>>
      %dma_wait3A_129 = arith.constant 0 : i32
      %dma_wait3A_130 = tpu.memref_slice %arg4[%add3A_122, %dma_wait3A_129] : memref<160000x128xf32, #tpu.memory_space<hbm>> -> memref<128x128xf32, #tpu.memory_space<hbm>>
      tpu.wait_dma2 semaphore(%arg14 : memref<!tpu.dma_semaphore, #tpu.memory_space<semaphore_mem>>) src(%arg8 : memref<128x128xf32, #tpu.memory_space<vmem>>) dst(%dma_wait3A_130 : memref<128x128xf32, #tpu.memory_space<hbm>>)
      %add3A_131 = arith.constant 3 : i32
      %add3A_132 = arith.addi %add3A_113, %add3A_131 : i32
      %lt3A_133 = arith.constant 40 : i32
      %lt3A_134 = arith.cmpi slt, %add3A_132, %lt3A_133 : i32
      %convert_element_type3A_135 = arith.extui %lt3A_134 : i1 to i32
      %cond3A_136 = arith.constant 0 : i32
      %cond3A_137 = arith.cmpi ne, %convert_element_type3A_135, %cond3A_136 : i32
      scf.if %cond3A_137 {
        %add3A_138 = arith.constant 3 : i32
        %add3A_139 = arith.addi %add3A_113, %add3A_138 : i32
        %dma_start3A_140 = arith.constant 0 : i32
        %dma_start3A_141 = tpu.memref_slice %arg5[%add3A_139, %dma_start3A_140] : memref<40x128xi32, #tpu.memory_space<vmem>> -> memref<1x128xi32, #tpu.memory_space<vmem>>
        %dma_start3A_142 = tpu.memref_squeeze %dma_start3A_141 : memref<1x128xi32, #tpu.memory_space<vmem>> -> memref<128xi32, #tpu.memory_space<vmem>>
        %dma_start3A_143 = arith.constant 0 : i32
        %dma_start3A_144 = arith.constant 0 : i32
        %dma_start3A_145 = tpu.memref_slice %arg2[%dma_start3A_143, %dma_start3A_144] : memref<10000x128xf32, #tpu.memory_space<hbm>> -> memref<10000x128xf32, #tpu.memory_space<hbm>>
        tpu.enqueue_indirect_dma source(%dma_start3A_145 : memref<10000x128xf32, #tpu.memory_space<hbm>>) target(%arg8 : memref<128x128xf32, #tpu.memory_space<vmem>>) offsets(%dma_start3A_142 : memref<128xi32, #tpu.memory_space<vmem>>) semaphore(%arg11 : memref<!tpu.dma_semaphore, #tpu.memory_space<semaphore_mem>>)
      } else {
      }
    }
    %scan3A_27 = arith.constant 13 : i32
    %dma_wait3A = arith.constant 39 : i32
    %dma_wait3A_28 = arith.constant 0 : i32
    %dma_wait3A_29 = tpu.memref_slice %arg5[%dma_wait3A, %dma_wait3A_28] : memref<40x128xi32, #tpu.memory_space<vmem>> -> memref<1x128xi32, #tpu.memory_space<vmem>>
    %dma_wait3A_30 = tpu.memref_squeeze %dma_wait3A_29 : memref<1x128xi32, #tpu.memory_space<vmem>> -> memref<128xi32, #tpu.memory_space<vmem>>
    %dma_wait3A_31 = arith.constant 0 : i32
    %dma_wait3A_32 = arith.constant 0 : i32
    %dma_wait3A_33 = tpu.memref_slice %arg2[%dma_wait3A_31, %dma_wait3A_32] : memref<10000x128xf32, #tpu.memory_space<hbm>> -> memref<10000x128xf32, #tpu.memory_space<hbm>>
    tpu.wait_indirect_dma semaphore(%arg9 : memref<!tpu.dma_semaphore, #tpu.memory_space<semaphore_mem>>) src(%dma_wait3A_33 : memref<10000x128xf32, #tpu.memory_space<hbm>>) dst(%arg6 : memref<128x128xf32, #tpu.memory_space<vmem>>)
    %add3A_34 = arith.constant 4992 : i32
    %add3A_35 = arith.addi %mul3A_2, %add3A_34 : i32
    %dma_start3A_36 = arith.constant 0 : i32
    %dma_start3A_37 = arith.constant 0 : i32
    %dma_start3A_38 = tpu.memref_slice %arg6[%dma_start3A_36, %dma_start3A_37] : memref<128x128xf32, #tpu.memory_space<vmem>> -> memref<8x128xf32, #tpu.memory_space<vmem>>
    %dma_start3A_39 = arith.constant 0 : i32
    %dma_start3A_40 = tpu.memref_slice %arg4[%add3A_35, %dma_start3A_39] : memref<160000x128xf32, #tpu.memory_space<hbm>> -> memref<8x128xf32, #tpu.memory_space<hbm>>
    %dma_start3A_41 = arith.constant 0 : i32
    %dma_start3A_42 = tpu.memref_slice %arg4[%add3A_35, %dma_start3A_41] : memref<160000x128xf32, #tpu.memory_space<hbm>> -> memref<8x128xf32, #tpu.memory_space<hbm>>
    %dma_start3A_43 = arith.constant 0 : i32
    %dma_start3A_44 = arith.constant 0 : i32
    %dma_start3A_45 = tpu.memref_slice %arg6[%dma_start3A_43, %dma_start3A_44] : memref<128x128xf32, #tpu.memory_space<vmem>> -> memref<8x128xf32, #tpu.memory_space<vmem>>
    tpu.enqueue_dma source(%dma_start3A_45 : memref<8x128xf32, #tpu.memory_space<vmem>>) target(%dma_start3A_42 : memref<8x128xf32, #tpu.memory_space<hbm>>) target_semaphore(%arg12 : memref<!tpu.dma_semaphore, #tpu.memory_space<semaphore_mem>>)
    %dma_wait3A_46 = arith.constant 0 : i32
    %dma_wait3A_47 = arith.constant 0 : i32
    %dma_wait3A_48 = tpu.memref_slice %arg6[%dma_wait3A_46, %dma_wait3A_47] : memref<128x128xf32, #tpu.memory_space<vmem>> -> memref<8x128xf32, #tpu.memory_space<vmem>>
    %dma_wait3A_49 = arith.constant 0 : i32
    %dma_wait3A_50 = tpu.memref_slice %arg4[%add3A_35, %dma_wait3A_49] : memref<160000x128xf32, #tpu.memory_space<hbm>> -> memref<8x128xf32, #tpu.memory_space<hbm>>
    %dma_wait3A_51 = arith.constant 0 : i32
    %dma_wait3A_52 = tpu.memref_slice %arg4[%add3A_35, %dma_wait3A_51] : memref<160000x128xf32, #tpu.memory_space<hbm>> -> memref<8x128xf32, #tpu.memory_space<hbm>>
    %dma_wait3A_53 = arith.constant 0 : i32
    %dma_wait3A_54 = arith.constant 0 : i32
    %dma_wait3A_55 = tpu.memref_slice %arg6[%dma_wait3A_53, %dma_wait3A_54] : memref<128x128xf32, #tpu.memory_space<vmem>> -> memref<8x128xf32, #tpu.memory_space<vmem>>
    tpu.wait_dma2 semaphore(%arg12 : memref<!tpu.dma_semaphore, #tpu.memory_space<semaphore_mem>>) src(%dma_wait3A_55 : memref<8x128xf32, #tpu.memory_space<vmem>>) dst(%dma_wait3A_52 : memref<8x128xf32, #tpu.memory_space<hbm>>)
    return
  }
}

#map = affine_map<(d0, d1) -> (0, 0)>
#map1 = affine_map<(d0, d1) -> (0, 0, 0)>
module attributes {stable_mosaic.version = 14 : i64} {
  func.func @gk(%arg0: i32, %arg1: i32, %arg2: memref<10000x128xi32, #tpu.memory_space<hbm>>, %arg3: memref<32x40x128xi32, #tpu.memory_space<hbm>>, %arg4: memref<160000x128xi32, #tpu.memory_space<hbm>>, %arg5: memref<40x128xi32, #tpu.memory_space<vmem>>, %arg6: memref<128x128xi32, #tpu.memory_space<vmem>>, %arg7: memref<128x128xi32, #tpu.memory_space<vmem>>, %arg8: memref<128x128xi32, #tpu.memory_space<vmem>>, %arg9: memref<!tpu.dma_semaphore, #tpu.memory_space<semaphore_mem>>, %arg10: memref<!tpu.dma_semaphore, #tpu.memory_space<semaphore_mem>>, %arg11: memref<!tpu.dma_semaphore, #tpu.memory_space<semaphore_mem>>, %arg12: memref<!tpu.dma_semaphore, #tpu.memory_space<semaphore_mem>>, %arg13: memref<!tpu.dma_semaphore, #tpu.memory_space<semaphore_mem>>, %arg14: memref<!tpu.dma_semaphore, #tpu.memory_space<semaphore_mem>>) attributes {dimension_semantics = [#tpu.dimension_semantics<core_parallel>, #tpu.dimension_semantics<subcore_parallel>], iteration_bounds = array<i64: 2, 16>, scalar_prefetch = 0 : i64, scratch_operands = 10 : i64, tpu.core_type = #tpu.core_type<sc_vector_subcore>, window_params = [{transform_indices = #map}, {transform_indices = #map1}, {transform_indices = #map}]} {
    %mul3A = arith.constant 2 : i32
    %mul3A_0 = arith.muli %arg1, %mul3A : i32
    %add3A = arith.addi %mul3A_0, %arg0 : i32
    %mul3A_1 = arith.constant 5000 : i32
    %mul3A_2 = arith.muli %add3A, %mul3A_1 : i32
    "tpu.region"() ({
      %run_scoped3A = tpu.sem_alloc : memref<!tpu.dma_semaphore, #tpu.memory_space<semaphore_mem>>
      %dma_start3A_56 = arith.constant 0 : i32
      %dma_start3A_57 = arith.constant 0 : i32
      %dma_start3A_58 = tpu.memref_slice %arg3[%add3A, %dma_start3A_56, %dma_start3A_57] : memref<32x40x128xi32, #tpu.memory_space<hbm>> -> memref<1x40x128xi32, #tpu.memory_space<hbm>>
      %dma_start3A_59 = tpu.memref_squeeze %dma_start3A_58 : memref<1x40x128xi32, #tpu.memory_space<hbm>> -> memref<40x128xi32, #tpu.memory_space<hbm>>
      %dma_start3A_60 = arith.constant 0 : i32
      %dma_start3A_61 = arith.constant 0 : i32
      %dma_start3A_62 = tpu.memref_slice %arg3[%add3A, %dma_start3A_60, %dma_start3A_61] : memref<32x40x128xi32, #tpu.memory_space<hbm>> -> memref<1x40x128xi32, #tpu.memory_space<hbm>>
      %dma_start3A_63 = tpu.memref_squeeze %dma_start3A_62 : memref<1x40x128xi32, #tpu.memory_space<hbm>> -> memref<40x128xi32, #tpu.memory_space<hbm>>
      tpu.enqueue_dma source(%dma_start3A_63 : memref<40x128xi32, #tpu.memory_space<hbm>>) target(%arg5 : memref<40x128xi32, #tpu.memory_space<vmem>>) target_semaphore(%run_scoped3A : memref<!tpu.dma_semaphore, #tpu.memory_space<semaphore_mem>>)
      %dma_wait3A_64 = arith.constant 0 : i32
      %dma_wait3A_65 = arith.constant 0 : i32
      %dma_wait3A_66 = tpu.memref_slice %arg3[%add3A, %dma_wait3A_64, %dma_wait3A_65] : memref<32x40x128xi32, #tpu.memory_space<hbm>> -> memref<1x40x128xi32, #tpu.memory_space<hbm>>
      %dma_wait3A_67 = tpu.memref_squeeze %dma_wait3A_66 : memref<1x40x128xi32, #tpu.memory_space<hbm>> -> memref<40x128xi32, #tpu.memory_space<hbm>>
      %dma_wait3A_68 = arith.constant 0 : i32
      %dma_wait3A_69 = arith.constant 0 : i32
      %dma_wait3A_70 = tpu.memref_slice %arg3[%add3A, %dma_wait3A_68, %dma_wait3A_69] : memref<32x40x128xi32, #tpu.memory_space<hbm>> -> memref<1x40x128xi32, #tpu.memory_space<hbm>>
      %dma_wait3A_71 = tpu.memref_squeeze %dma_wait3A_70 : memref<1x40x128xi32, #tpu.memory_space<hbm>> -> memref<40x128xi32, #tpu.memory_space<hbm>>
      tpu.wait_dma2 semaphore(%run_scoped3A : memref<!tpu.dma_semaphore, #tpu.memory_space<semaphore_mem>>) src(%dma_wait3A_71 : memref<40x128xi32, #tpu.memory_space<hbm>>) dst(%arg5 : memref<40x128xi32, #tpu.memory_space<vmem>>)
      tpu.yield
    }) : () -> ()
    %dma_start3A = arith.constant 0 : i32
    %dma_start3A_3 = arith.constant 0 : i32
    %dma_start3A_4 = tpu.memref_slice %arg5[%dma_start3A, %dma_start3A_3] : memref<40x128xi32, #tpu.memory_space<vmem>> -> memref<1x128xi32, #tpu.memory_space<vmem>>
    %dma_start3A_5 = tpu.memref_squeeze %dma_start3A_4 : memref<1x128xi32, #tpu.memory_space<vmem>> -> memref<128xi32, #tpu.memory_space<vmem>>
    %dma_start3A_6 = arith.constant 0 : i32
    %dma_start3A_7 = arith.constant 0 : i32
    %dma_start3A_8 = tpu.memref_slice %arg2[%dma_start3A_6, %dma_start3A_7] : memref<10000x128xi32, #tpu.memory_space<hbm>> -> memref<10000x128xi32, #tpu.memory_space<hbm>>
    tpu.enqueue_indirect_dma source(%dma_start3A_8 : memref<10000x128xi32, #tpu.memory_space<hbm>>) target(%arg6 : memref<128x128xi32, #tpu.memory_space<vmem>>) offsets(%dma_start3A_5 : memref<128xi32, #tpu.memory_space<vmem>>) semaphore(%arg9 : memref<!tpu.dma_semaphore, #tpu.memory_space<semaphore_mem>>)
    %dma_start3A_9 = arith.constant 1 : i32
    %dma_start3A_10 = arith.constant 0 : i32
    %dma_start3A_11 = tpu.memref_slice %arg5[%dma_start3A_9, %dma_start3A_10] : memref<40x128xi32, #tpu.memory_space<vmem>> -> memref<1x128xi32, #tpu.memory_space<vmem>>
    %dma_start3A_12 = tpu.memref_squeeze %dma_start3A_11 : memref<1x128xi32, #tpu.memory_space<vmem>> -> memref<128xi32, #tpu.memory_space<vmem>>
    %dma_start3A_13 = arith.constant 0 : i32
    %dma_start3A_14 = arith.constant 0 : i32
    %dma_start3A_15 = tpu.memref_slice %arg2[%dma_start3A_13, %dma_start3A_14] : memref<10000x128xi32, #tpu.memory_space<hbm>> -> memref<10000x128xi32, #tpu.memory_space<hbm>>
    tpu.enqueue_indirect_dma source(%dma_start3A_15 : memref<10000x128xi32, #tpu.memory_space<hbm>>) target(%arg7 : memref<128x128xi32, #tpu.memory_space<vmem>>) offsets(%dma_start3A_12 : memref<128xi32, #tpu.memory_space<vmem>>) semaphore(%arg10 : memref<!tpu.dma_semaphore, #tpu.memory_space<semaphore_mem>>)
    %dma_start3A_16 = arith.constant 2 : i32
    %dma_start3A_17 = arith.constant 0 : i32
    %dma_start3A_18 = tpu.memref_slice %arg5[%dma_start3A_16, %dma_start3A_17] : memref<40x128xi32, #tpu.memory_space<vmem>> -> memref<1x128xi32, #tpu.memory_space<vmem>>
    %dma_start3A_19 = tpu.memref_squeeze %dma_start3A_18 : memref<1x128xi32, #tpu.memory_space<vmem>> -> memref<128xi32, #tpu.memory_space<vmem>>
    %dma_start3A_20 = arith.constant 0 : i32
    %dma_start3A_21 = arith.constant 0 : i32
    %dma_start3A_22 = tpu.memref_slice %arg2[%dma_start3A_20, %dma_start3A_21] : memref<10000x128xi32, #tpu.memory_space<hbm>> -> memref<10000x128xi32, #tpu.memory_space<hbm>>
    tpu.enqueue_indirect_dma source(%dma_start3A_22 : memref<10000x128xi32, #tpu.memory_space<hbm>>) target(%arg8 : memref<128x128xi32, #tpu.memory_space<vmem>>) offsets(%dma_start3A_19 : memref<128xi32, #tpu.memory_space<vmem>>) semaphore(%arg11 : memref<!tpu.dma_semaphore, #tpu.memory_space<semaphore_mem>>)
    %scan3A = arith.constant 0 : i32
    %scan3A_23 = arith.constant 0 : i32
    %scan3A_24 = arith.constant 13 : i32
    %scan3A_25 = arith.addi %scan3A_23, %scan3A_24 : i32
    %scan3A_26 = arith.constant 1 : i32
    scf.for %scan3A_56 = %scan3A_23 to %scan3A_25 step %scan3A_26  : i32 {
      %mul3A_57 = arith.constant 3 : i32
      %mul3A_58 = arith.muli %mul3A_57, %scan3A_56 : i32
      %add3A_59 = arith.constant 0 : i32
      %add3A_60 = arith.addi %mul3A_58, %add3A_59 : i32
      %dma_wait3A_61 = arith.constant 0 : i32
      %dma_wait3A_62 = tpu.memref_slice %arg5[%add3A_60, %dma_wait3A_61] : memref<40x128xi32, #tpu.memory_space<vmem>> -> memref<1x128xi32, #tpu.memory_space<vmem>>
      %dma_wait3A_63 = tpu.memref_squeeze %dma_wait3A_62 : memref<1x128xi32, #tpu.memory_space<vmem>> -> memref<128xi32, #tpu.memory_space<vmem>>
      %dma_wait3A_64 = arith.constant 0 : i32
      %dma_wait3A_65 = arith.constant 0 : i32
      %dma_wait3A_66 = tpu.memref_slice %arg2[%dma_wait3A_64, %dma_wait3A_65] : memref<10000x128xi32, #tpu.memory_space<hbm>> -> memref<10000x128xi32, #tpu.memory_space<hbm>>
      tpu.wait_indirect_dma semaphore(%arg9 : memref<!tpu.dma_semaphore, #tpu.memory_space<semaphore_mem>>) src(%dma_wait3A_66 : memref<10000x128xi32, #tpu.memory_space<hbm>>) dst(%arg6 : memref<128x128xi32, #tpu.memory_space<vmem>>)
      %mul3A_67 = arith.constant 128 : i32
      %mul3A_68 = arith.muli %add3A_60, %mul3A_67 : i32
      %add3A_69 = arith.addi %mul3A_2, %mul3A_68 : i32
      %dma_start3A_70 = arith.constant 0 : i32
      %dma_start3A_71 = tpu.memref_slice %arg4[%add3A_69, %dma_start3A_70] : memref<160000x128xi32, #tpu.memory_space<hbm>> -> memref<128x128xi32, #tpu.memory_space<hbm>>
      %dma_start3A_72 = arith.constant 0 : i32
      %dma_start3A_73 = tpu.memref_slice %arg4[%add3A_69, %dma_start3A_72] : memref<160000x128xi32, #tpu.memory_space<hbm>> -> memref<128x128xi32, #tpu.memory_space<hbm>>
      tpu.enqueue_dma source(%arg6 : memref<128x128xi32, #tpu.memory_space<vmem>>) target(%dma_start3A_73 : memref<128x128xi32, #tpu.memory_space<hbm>>) target_semaphore(%arg12 : memref<!tpu.dma_semaphore, #tpu.memory_space<semaphore_mem>>)
      %dma_wait3A_74 = arith.constant 0 : i32
      %dma_wait3A_75 = tpu.memref_slice %arg4[%add3A_69, %dma_wait3A_74] : memref<160000x128xi32, #tpu.memory_space<hbm>> -> memref<128x128xi32, #tpu.memory_space<hbm>>
      %dma_wait3A_76 = arith.constant 0 : i32
      %dma_wait3A_77 = tpu.memref_slice %arg4[%add3A_69, %dma_wait3A_76] : memref<160000x128xi32, #tpu.memory_space<hbm>> -> memref<128x128xi32, #tpu.memory_space<hbm>>
      tpu.wait_dma2 semaphore(%arg12 : memref<!tpu.dma_semaphore, #tpu.memory_space<semaphore_mem>>) src(%arg6 : memref<128x128xi32, #tpu.memory_space<vmem>>) dst(%dma_wait3A_77 : memref<128x128xi32, #tpu.memory_space<hbm>>)
      %add3A_78 = arith.constant 3 : i32
      %add3A_79 = arith.addi %add3A_60, %add3A_78 : i32
      %lt3A = arith.constant 40 : i32
      %lt3A_80 = arith.cmpi slt, %add3A_79, %lt3A : i32
      %convert_element_type3A = arith.extui %lt3A_80 : i1 to i32
      %cond3A = arith.constant 0 : i32
      %cond3A_81 = arith.cmpi ne, %convert_element_type3A, %cond3A : i32
      scf.if %cond3A_81 {
        %add3A_138 = arith.constant 3 : i32
        %add3A_139 = arith.addi %add3A_60, %add3A_138 : i32
        %dma_start3A_140 = arith.constant 0 : i32
        %dma_start3A_141 = tpu.memref_slice %arg5[%add3A_139, %dma_start3A_140] : memref<40x128xi32, #tpu.memory_space<vmem>> -> memref<1x128xi32, #tpu.memory_space<vmem>>
        %dma_start3A_142 = tpu.memref_squeeze %dma_start3A_141 : memref<1x128xi32, #tpu.memory_space<vmem>> -> memref<128xi32, #tpu.memory_space<vmem>>
        %dma_start3A_143 = arith.constant 0 : i32
        %dma_start3A_144 = arith.constant 0 : i32
        %dma_start3A_145 = tpu.memref_slice %arg2[%dma_start3A_143, %dma_start3A_144] : memref<10000x128xi32, #tpu.memory_space<hbm>> -> memref<10000x128xi32, #tpu.memory_space<hbm>>
        tpu.enqueue_indirect_dma source(%dma_start3A_145 : memref<10000x128xi32, #tpu.memory_space<hbm>>) target(%arg6 : memref<128x128xi32, #tpu.memory_space<vmem>>) offsets(%dma_start3A_142 : memref<128xi32, #tpu.memory_space<vmem>>) semaphore(%arg9 : memref<!tpu.dma_semaphore, #tpu.memory_space<semaphore_mem>>)
      } else {
      }
      %mul3A_82 = arith.constant 3 : i32
      %mul3A_83 = arith.muli %mul3A_82, %scan3A_56 : i32
      %add3A_84 = arith.constant 1 : i32
      %add3A_85 = arith.addi %mul3A_83, %add3A_84 : i32
      %dma_wait3A_86 = arith.constant 0 : i32
      %dma_wait3A_87 = tpu.memref_slice %arg5[%add3A_85, %dma_wait3A_86] : memref<40x128xi32, #tpu.memory_space<vmem>> -> memref<1x128xi32, #tpu.memory_space<vmem>>
      %dma_wait3A_88 = tpu.memref_squeeze %dma_wait3A_87 : memref<1x128xi32, #tpu.memory_space<vmem>> -> memref<128xi32, #tpu.memory_space<vmem>>
      %dma_wait3A_89 = arith.constant 0 : i32
      %dma_wait3A_90 = arith.constant 0 : i32
      %dma_wait3A_91 = tpu.memref_slice %arg2[%dma_wait3A_89, %dma_wait3A_90] : memref<10000x128xi32, #tpu.memory_space<hbm>> -> memref<10000x128xi32, #tpu.memory_space<hbm>>
      tpu.wait_indirect_dma semaphore(%arg10 : memref<!tpu.dma_semaphore, #tpu.memory_space<semaphore_mem>>) src(%dma_wait3A_91 : memref<10000x128xi32, #tpu.memory_space<hbm>>) dst(%arg7 : memref<128x128xi32, #tpu.memory_space<vmem>>)
      %mul3A_92 = arith.constant 128 : i32
      %mul3A_93 = arith.muli %add3A_85, %mul3A_92 : i32
      %add3A_94 = arith.addi %mul3A_2, %mul3A_93 : i32
      %dma_start3A_95 = arith.constant 0 : i32
      %dma_start3A_96 = tpu.memref_slice %arg4[%add3A_94, %dma_start3A_95] : memref<160000x128xi32, #tpu.memory_space<hbm>> -> memref<128x128xi32, #tpu.memory_space<hbm>>
      %dma_start3A_97 = arith.constant 0 : i32
      %dma_start3A_98 = tpu.memref_slice %arg4[%add3A_94, %dma_start3A_97] : memref<160000x128xi32, #tpu.memory_space<hbm>> -> memref<128x128xi32, #tpu.memory_space<hbm>>
      tpu.enqueue_dma source(%arg7 : memref<128x128xi32, #tpu.memory_space<vmem>>) target(%dma_start3A_98 : memref<128x128xi32, #tpu.memory_space<hbm>>) target_semaphore(%arg13 : memref<!tpu.dma_semaphore, #tpu.memory_space<semaphore_mem>>)
      %dma_wait3A_99 = arith.constant 0 : i32
      %dma_wait3A_100 = tpu.memref_slice %arg4[%add3A_94, %dma_wait3A_99] : memref<160000x128xi32, #tpu.memory_space<hbm>> -> memref<128x128xi32, #tpu.memory_space<hbm>>
      %dma_wait3A_101 = arith.constant 0 : i32
      %dma_wait3A_102 = tpu.memref_slice %arg4[%add3A_94, %dma_wait3A_101] : memref<160000x128xi32, #tpu.memory_space<hbm>> -> memref<128x128xi32, #tpu.memory_space<hbm>>
      tpu.wait_dma2 semaphore(%arg13 : memref<!tpu.dma_semaphore, #tpu.memory_space<semaphore_mem>>) src(%arg7 : memref<128x128xi32, #tpu.memory_space<vmem>>) dst(%dma_wait3A_102 : memref<128x128xi32, #tpu.memory_space<hbm>>)
      %add3A_103 = arith.constant 3 : i32
      %add3A_104 = arith.addi %add3A_85, %add3A_103 : i32
      %lt3A_105 = arith.constant 40 : i32
      %lt3A_106 = arith.cmpi slt, %add3A_104, %lt3A_105 : i32
      %convert_element_type3A_107 = arith.extui %lt3A_106 : i1 to i32
      %cond3A_108 = arith.constant 0 : i32
      %cond3A_109 = arith.cmpi ne, %convert_element_type3A_107, %cond3A_108 : i32
      scf.if %cond3A_109 {
        %add3A_138 = arith.constant 3 : i32
        %add3A_139 = arith.addi %add3A_85, %add3A_138 : i32
        %dma_start3A_140 = arith.constant 0 : i32
        %dma_start3A_141 = tpu.memref_slice %arg5[%add3A_139, %dma_start3A_140] : memref<40x128xi32, #tpu.memory_space<vmem>> -> memref<1x128xi32, #tpu.memory_space<vmem>>
        %dma_start3A_142 = tpu.memref_squeeze %dma_start3A_141 : memref<1x128xi32, #tpu.memory_space<vmem>> -> memref<128xi32, #tpu.memory_space<vmem>>
        %dma_start3A_143 = arith.constant 0 : i32
        %dma_start3A_144 = arith.constant 0 : i32
        %dma_start3A_145 = tpu.memref_slice %arg2[%dma_start3A_143, %dma_start3A_144] : memref<10000x128xi32, #tpu.memory_space<hbm>> -> memref<10000x128xi32, #tpu.memory_space<hbm>>
        tpu.enqueue_indirect_dma source(%dma_start3A_145 : memref<10000x128xi32, #tpu.memory_space<hbm>>) target(%arg7 : memref<128x128xi32, #tpu.memory_space<vmem>>) offsets(%dma_start3A_142 : memref<128xi32, #tpu.memory_space<vmem>>) semaphore(%arg10 : memref<!tpu.dma_semaphore, #tpu.memory_space<semaphore_mem>>)
      } else {
      }
      %mul3A_110 = arith.constant 3 : i32
      %mul3A_111 = arith.muli %mul3A_110, %scan3A_56 : i32
      %add3A_112 = arith.constant 2 : i32
      %add3A_113 = arith.addi %mul3A_111, %add3A_112 : i32
      %dma_wait3A_114 = arith.constant 0 : i32
      %dma_wait3A_115 = tpu.memref_slice %arg5[%add3A_113, %dma_wait3A_114] : memref<40x128xi32, #tpu.memory_space<vmem>> -> memref<1x128xi32, #tpu.memory_space<vmem>>
      %dma_wait3A_116 = tpu.memref_squeeze %dma_wait3A_115 : memref<1x128xi32, #tpu.memory_space<vmem>> -> memref<128xi32, #tpu.memory_space<vmem>>
      %dma_wait3A_117 = arith.constant 0 : i32
      %dma_wait3A_118 = arith.constant 0 : i32
      %dma_wait3A_119 = tpu.memref_slice %arg2[%dma_wait3A_117, %dma_wait3A_118] : memref<10000x128xi32, #tpu.memory_space<hbm>> -> memref<10000x128xi32, #tpu.memory_space<hbm>>
      tpu.wait_indirect_dma semaphore(%arg11 : memref<!tpu.dma_semaphore, #tpu.memory_space<semaphore_mem>>) src(%dma_wait3A_119 : memref<10000x128xi32, #tpu.memory_space<hbm>>) dst(%arg8 : memref<128x128xi32, #tpu.memory_space<vmem>>)
      %mul3A_120 = arith.constant 128 : i32
      %mul3A_121 = arith.muli %add3A_113, %mul3A_120 : i32
      %add3A_122 = arith.addi %mul3A_2, %mul3A_121 : i32
      %dma_start3A_123 = arith.constant 0 : i32
      %dma_start3A_124 = tpu.memref_slice %arg4[%add3A_122, %dma_start3A_123] : memref<160000x128xi32, #tpu.memory_space<hbm>> -> memref<128x128xi32, #tpu.memory_space<hbm>>
      %dma_start3A_125 = arith.constant 0 : i32
      %dma_start3A_126 = tpu.memref_slice %arg4[%add3A_122, %dma_start3A_125] : memref<160000x128xi32, #tpu.memory_space<hbm>> -> memref<128x128xi32, #tpu.memory_space<hbm>>
      tpu.enqueue_dma source(%arg8 : memref<128x128xi32, #tpu.memory_space<vmem>>) target(%dma_start3A_126 : memref<128x128xi32, #tpu.memory_space<hbm>>) target_semaphore(%arg14 : memref<!tpu.dma_semaphore, #tpu.memory_space<semaphore_mem>>)
      %dma_wait3A_127 = arith.constant 0 : i32
      %dma_wait3A_128 = tpu.memref_slice %arg4[%add3A_122, %dma_wait3A_127] : memref<160000x128xi32, #tpu.memory_space<hbm>> -> memref<128x128xi32, #tpu.memory_space<hbm>>
      %dma_wait3A_129 = arith.constant 0 : i32
      %dma_wait3A_130 = tpu.memref_slice %arg4[%add3A_122, %dma_wait3A_129] : memref<160000x128xi32, #tpu.memory_space<hbm>> -> memref<128x128xi32, #tpu.memory_space<hbm>>
      tpu.wait_dma2 semaphore(%arg14 : memref<!tpu.dma_semaphore, #tpu.memory_space<semaphore_mem>>) src(%arg8 : memref<128x128xi32, #tpu.memory_space<vmem>>) dst(%dma_wait3A_130 : memref<128x128xi32, #tpu.memory_space<hbm>>)
      %add3A_131 = arith.constant 3 : i32
      %add3A_132 = arith.addi %add3A_113, %add3A_131 : i32
      %lt3A_133 = arith.constant 40 : i32
      %lt3A_134 = arith.cmpi slt, %add3A_132, %lt3A_133 : i32
      %convert_element_type3A_135 = arith.extui %lt3A_134 : i1 to i32
      %cond3A_136 = arith.constant 0 : i32
      %cond3A_137 = arith.cmpi ne, %convert_element_type3A_135, %cond3A_136 : i32
      scf.if %cond3A_137 {
        %add3A_138 = arith.constant 3 : i32
        %add3A_139 = arith.addi %add3A_113, %add3A_138 : i32
        %dma_start3A_140 = arith.constant 0 : i32
        %dma_start3A_141 = tpu.memref_slice %arg5[%add3A_139, %dma_start3A_140] : memref<40x128xi32, #tpu.memory_space<vmem>> -> memref<1x128xi32, #tpu.memory_space<vmem>>
        %dma_start3A_142 = tpu.memref_squeeze %dma_start3A_141 : memref<1x128xi32, #tpu.memory_space<vmem>> -> memref<128xi32, #tpu.memory_space<vmem>>
        %dma_start3A_143 = arith.constant 0 : i32
        %dma_start3A_144 = arith.constant 0 : i32
        %dma_start3A_145 = tpu.memref_slice %arg2[%dma_start3A_143, %dma_start3A_144] : memref<10000x128xi32, #tpu.memory_space<hbm>> -> memref<10000x128xi32, #tpu.memory_space<hbm>>
        tpu.enqueue_indirect_dma source(%dma_start3A_145 : memref<10000x128xi32, #tpu.memory_space<hbm>>) target(%arg8 : memref<128x128xi32, #tpu.memory_space<vmem>>) offsets(%dma_start3A_142 : memref<128xi32, #tpu.memory_space<vmem>>) semaphore(%arg11 : memref<!tpu.dma_semaphore, #tpu.memory_space<semaphore_mem>>)
      } else {
      }
    }
    %scan3A_27 = arith.constant 13 : i32
    %dma_wait3A = arith.constant 39 : i32
    %dma_wait3A_28 = arith.constant 0 : i32
    %dma_wait3A_29 = tpu.memref_slice %arg5[%dma_wait3A, %dma_wait3A_28] : memref<40x128xi32, #tpu.memory_space<vmem>> -> memref<1x128xi32, #tpu.memory_space<vmem>>
    %dma_wait3A_30 = tpu.memref_squeeze %dma_wait3A_29 : memref<1x128xi32, #tpu.memory_space<vmem>> -> memref<128xi32, #tpu.memory_space<vmem>>
    %dma_wait3A_31 = arith.constant 0 : i32
    %dma_wait3A_32 = arith.constant 0 : i32
    %dma_wait3A_33 = tpu.memref_slice %arg2[%dma_wait3A_31, %dma_wait3A_32] : memref<10000x128xi32, #tpu.memory_space<hbm>> -> memref<10000x128xi32, #tpu.memory_space<hbm>>
    tpu.wait_indirect_dma semaphore(%arg9 : memref<!tpu.dma_semaphore, #tpu.memory_space<semaphore_mem>>) src(%dma_wait3A_33 : memref<10000x128xi32, #tpu.memory_space<hbm>>) dst(%arg6 : memref<128x128xi32, #tpu.memory_space<vmem>>)
    %add3A_34 = arith.constant 4992 : i32
    %add3A_35 = arith.addi %mul3A_2, %add3A_34 : i32
    %dma_start3A_36 = arith.constant 0 : i32
    %dma_start3A_37 = arith.constant 0 : i32
    %dma_start3A_38 = tpu.memref_slice %arg6[%dma_start3A_36, %dma_start3A_37] : memref<128x128xi32, #tpu.memory_space<vmem>> -> memref<8x128xi32, #tpu.memory_space<vmem>>
    %dma_start3A_39 = arith.constant 0 : i32
    %dma_start3A_40 = tpu.memref_slice %arg4[%add3A_35, %dma_start3A_39] : memref<160000x128xi32, #tpu.memory_space<hbm>> -> memref<8x128xi32, #tpu.memory_space<hbm>>
    %dma_start3A_41 = arith.constant 0 : i32
    %dma_start3A_42 = tpu.memref_slice %arg4[%add3A_35, %dma_start3A_41] : memref<160000x128xi32, #tpu.memory_space<hbm>> -> memref<8x128xi32, #tpu.memory_space<hbm>>
    %dma_start3A_43 = arith.constant 0 : i32
    %dma_start3A_44 = arith.constant 0 : i32
    %dma_start3A_45 = tpu.memref_slice %arg6[%dma_start3A_43, %dma_start3A_44] : memref<128x128xi32, #tpu.memory_space<vmem>> -> memref<8x128xi32, #tpu.memory_space<vmem>>
    tpu.enqueue_dma source(%dma_start3A_45 : memref<8x128xi32, #tpu.memory_space<vmem>>) target(%dma_start3A_42 : memref<8x128xi32, #tpu.memory_space<hbm>>) target_semaphore(%arg12 : memref<!tpu.dma_semaphore, #tpu.memory_space<semaphore_mem>>)
    %dma_wait3A_46 = arith.constant 0 : i32
    %dma_wait3A_47 = arith.constant 0 : i32
    %dma_wait3A_48 = tpu.memref_slice %arg6[%dma_wait3A_46, %dma_wait3A_47] : memref<128x128xi32, #tpu.memory_space<vmem>> -> memref<8x128xi32, #tpu.memory_space<vmem>>
    %dma_wait3A_49 = arith.constant 0 : i32
    %dma_wait3A_50 = tpu.memref_slice %arg4[%add3A_35, %dma_wait3A_49] : memref<160000x128xi32, #tpu.memory_space<hbm>> -> memref<8x128xi32, #tpu.memory_space<hbm>>
    %dma_wait3A_51 = arith.constant 0 : i32
    %dma_wait3A_52 = tpu.memref_slice %arg4[%add3A_35, %dma_wait3A_51] : memref<160000x128xi32, #tpu.memory_space<hbm>> -> memref<8x128xi32, #tpu.memory_space<hbm>>
    %dma_wait3A_53 = arith.constant 0 : i32
    %dma_wait3A_54 = arith.constant 0 : i32
    %dma_wait3A_55 = tpu.memref_slice %arg6[%dma_wait3A_53, %dma_wait3A_54] : memref<128x128xi32, #tpu.memory_space<vmem>> -> memref<8x128xi32, #tpu.memory_space<vmem>>
    tpu.wait_dma2 semaphore(%arg12 : memref<!tpu.dma_semaphore, #tpu.memory_space<semaphore_mem>>) src(%dma_wait3A_55 : memref<8x128xi32, #tpu.memory_space<vmem>>) dst(%dma_wait3A_52 : memref<8x128xi32, #tpu.memory_space<hbm>>)
    return
  }
}

#map = affine_map<(d0, d1) -> (0, 0)>
#map1 = affine_map<(d0, d1) -> (0, 0, 0)>
module attributes {stable_mosaic.version = 14 : i64} {
  func.func @gk(%arg0: i32, %arg1: i32, %arg2: memref<10000x128xi32, #tpu.memory_space<hbm>>, %arg3: memref<32x40x128xi32, #tpu.memory_space<hbm>>, %arg4: memref<160000x128xi32, #tpu.memory_space<hbm>>, %arg5: memref<40x128xi32, #tpu.memory_space<vmem>>, %arg6: memref<128x128xi32, #tpu.memory_space<vmem>>, %arg7: memref<128x128xi32, #tpu.memory_space<vmem>>, %arg8: memref<128x128xi32, #tpu.memory_space<vmem>>, %arg9: memref<!tpu.dma_semaphore, #tpu.memory_space<semaphore_mem>>, %arg10: memref<!tpu.dma_semaphore, #tpu.memory_space<semaphore_mem>>, %arg11: memref<!tpu.dma_semaphore, #tpu.memory_space<semaphore_mem>>, %arg12: memref<!tpu.dma_semaphore, #tpu.memory_space<semaphore_mem>>, %arg13: memref<!tpu.dma_semaphore, #tpu.memory_space<semaphore_mem>>, %arg14: memref<!tpu.dma_semaphore, #tpu.memory_space<semaphore_mem>>) attributes {dimension_semantics = [#tpu.dimension_semantics<core_parallel>, #tpu.dimension_semantics<subcore_parallel>], iteration_bounds = array<i64: 2, 16>, scalar_prefetch = 0 : i64, scratch_operands = 10 : i64, tpu.core_type = #tpu.core_type<sc_vector_subcore>, window_params = [{transform_indices = #map}, {transform_indices = #map1}, {transform_indices = #map}]} {
    %mul3A = arith.constant 2 : i32
    %mul3A_0 = arith.muli %arg1, %mul3A : i32
    %add3A = arith.addi %mul3A_0, %arg0 : i32
    %mul3A_1 = arith.constant 5000 : i32
    %mul3A_2 = arith.muli %add3A, %mul3A_1 : i32
    "tpu.region"() ({
      %run_scoped3A = tpu.sem_alloc : memref<!tpu.dma_semaphore, #tpu.memory_space<semaphore_mem>>
      %dma_start3A_56 = arith.constant 0 : i32
      %dma_start3A_57 = arith.constant 0 : i32
      %dma_start3A_58 = tpu.memref_slice %arg3[%add3A, %dma_start3A_56, %dma_start3A_57] : memref<32x40x128xi32, #tpu.memory_space<hbm>> -> memref<1x40x128xi32, #tpu.memory_space<hbm>>
      %dma_start3A_59 = tpu.memref_squeeze %dma_start3A_58 : memref<1x40x128xi32, #tpu.memory_space<hbm>> -> memref<40x128xi32, #tpu.memory_space<hbm>>
      %dma_start3A_60 = arith.constant 0 : i32
      %dma_start3A_61 = arith.constant 0 : i32
      %dma_start3A_62 = tpu.memref_slice %arg3[%add3A, %dma_start3A_60, %dma_start3A_61] : memref<32x40x128xi32, #tpu.memory_space<hbm>> -> memref<1x40x128xi32, #tpu.memory_space<hbm>>
      %dma_start3A_63 = tpu.memref_squeeze %dma_start3A_62 : memref<1x40x128xi32, #tpu.memory_space<hbm>> -> memref<40x128xi32, #tpu.memory_space<hbm>>
      tpu.enqueue_dma source(%dma_start3A_63 : memref<40x128xi32, #tpu.memory_space<hbm>>) target(%arg5 : memref<40x128xi32, #tpu.memory_space<vmem>>) target_semaphore(%run_scoped3A : memref<!tpu.dma_semaphore, #tpu.memory_space<semaphore_mem>>)
      %dma_wait3A_64 = arith.constant 0 : i32
      %dma_wait3A_65 = arith.constant 0 : i32
      %dma_wait3A_66 = tpu.memref_slice %arg3[%add3A, %dma_wait3A_64, %dma_wait3A_65] : memref<32x40x128xi32, #tpu.memory_space<hbm>> -> memref<1x40x128xi32, #tpu.memory_space<hbm>>
      %dma_wait3A_67 = tpu.memref_squeeze %dma_wait3A_66 : memref<1x40x128xi32, #tpu.memory_space<hbm>> -> memref<40x128xi32, #tpu.memory_space<hbm>>
      %dma_wait3A_68 = arith.constant 0 : i32
      %dma_wait3A_69 = arith.constant 0 : i32
      %dma_wait3A_70 = tpu.memref_slice %arg3[%add3A, %dma_wait3A_68, %dma_wait3A_69] : memref<32x40x128xi32, #tpu.memory_space<hbm>> -> memref<1x40x128xi32, #tpu.memory_space<hbm>>
      %dma_wait3A_71 = tpu.memref_squeeze %dma_wait3A_70 : memref<1x40x128xi32, #tpu.memory_space<hbm>> -> memref<40x128xi32, #tpu.memory_space<hbm>>
      tpu.wait_dma2 semaphore(%run_scoped3A : memref<!tpu.dma_semaphore, #tpu.memory_space<semaphore_mem>>) src(%dma_wait3A_71 : memref<40x128xi32, #tpu.memory_space<hbm>>) dst(%arg5 : memref<40x128xi32, #tpu.memory_space<vmem>>)
      tpu.yield
    }) : () -> ()
    %dma_start3A = arith.constant 0 : i32
    %dma_start3A_3 = arith.constant 0 : i32
    %dma_start3A_4 = tpu.memref_slice %arg5[%dma_start3A, %dma_start3A_3] : memref<40x128xi32, #tpu.memory_space<vmem>> -> memref<1x128xi32, #tpu.memory_space<vmem>>
    %dma_start3A_5 = tpu.memref_squeeze %dma_start3A_4 : memref<1x128xi32, #tpu.memory_space<vmem>> -> memref<128xi32, #tpu.memory_space<vmem>>
    %dma_start3A_6 = arith.constant 0 : i32
    %dma_start3A_7 = arith.constant 0 : i32
    %dma_start3A_8 = tpu.memref_slice %arg2[%dma_start3A_6, %dma_start3A_7] : memref<10000x128xi32, #tpu.memory_space<hbm>> -> memref<10000x128xi32, #tpu.memory_space<hbm>>
    tpu.enqueue_indirect_dma source(%dma_start3A_8 : memref<10000x128xi32, #tpu.memory_space<hbm>>) target(%arg6 : memref<128x128xi32, #tpu.memory_space<vmem>>) offsets(%dma_start3A_5 : memref<128xi32, #tpu.memory_space<vmem>>) semaphore(%arg9 : memref<!tpu.dma_semaphore, #tpu.memory_space<semaphore_mem>>)
    %dma_start3A_9 = arith.constant 1 : i32
    %dma_start3A_10 = arith.constant 0 : i32
    %dma_start3A_11 = tpu.memref_slice %arg5[%dma_start3A_9, %dma_start3A_10] : memref<40x128xi32, #tpu.memory_space<vmem>> -> memref<1x128xi32, #tpu.memory_space<vmem>>
    %dma_start3A_12 = tpu.memref_squeeze %dma_start3A_11 : memref<1x128xi32, #tpu.memory_space<vmem>> -> memref<128xi32, #tpu.memory_space<vmem>>
    %dma_start3A_13 = arith.constant 0 : i32
    %dma_start3A_14 = arith.constant 0 : i32
    %dma_start3A_15 = tpu.memref_slice %arg2[%dma_start3A_13, %dma_start3A_14] : memref<10000x128xi32, #tpu.memory_space<hbm>> -> memref<10000x128xi32, #tpu.memory_space<hbm>>
    tpu.enqueue_indirect_dma source(%dma_start3A_15 : memref<10000x128xi32, #tpu.memory_space<hbm>>) target(%arg7 : memref<128x128xi32, #tpu.memory_space<vmem>>) offsets(%dma_start3A_12 : memref<128xi32, #tpu.memory_space<vmem>>) semaphore(%arg10 : memref<!tpu.dma_semaphore, #tpu.memory_space<semaphore_mem>>)
    %dma_start3A_16 = arith.constant 2 : i32
    %dma_start3A_17 = arith.constant 0 : i32
    %dma_start3A_18 = tpu.memref_slice %arg5[%dma_start3A_16, %dma_start3A_17] : memref<40x128xi32, #tpu.memory_space<vmem>> -> memref<1x128xi32, #tpu.memory_space<vmem>>
    %dma_start3A_19 = tpu.memref_squeeze %dma_start3A_18 : memref<1x128xi32, #tpu.memory_space<vmem>> -> memref<128xi32, #tpu.memory_space<vmem>>
    %dma_start3A_20 = arith.constant 0 : i32
    %dma_start3A_21 = arith.constant 0 : i32
    %dma_start3A_22 = tpu.memref_slice %arg2[%dma_start3A_20, %dma_start3A_21] : memref<10000x128xi32, #tpu.memory_space<hbm>> -> memref<10000x128xi32, #tpu.memory_space<hbm>>
    tpu.enqueue_indirect_dma source(%dma_start3A_22 : memref<10000x128xi32, #tpu.memory_space<hbm>>) target(%arg8 : memref<128x128xi32, #tpu.memory_space<vmem>>) offsets(%dma_start3A_19 : memref<128xi32, #tpu.memory_space<vmem>>) semaphore(%arg11 : memref<!tpu.dma_semaphore, #tpu.memory_space<semaphore_mem>>)
    %scan3A = arith.constant 0 : i32
    %scan3A_23 = arith.constant 0 : i32
    %scan3A_24 = arith.constant 13 : i32
    %scan3A_25 = arith.addi %scan3A_23, %scan3A_24 : i32
    %scan3A_26 = arith.constant 1 : i32
    scf.for %scan3A_56 = %scan3A_23 to %scan3A_25 step %scan3A_26  : i32 {
      %mul3A_57 = arith.constant 3 : i32
      %mul3A_58 = arith.muli %mul3A_57, %scan3A_56 : i32
      %add3A_59 = arith.constant 0 : i32
      %add3A_60 = arith.addi %mul3A_58, %add3A_59 : i32
      %dma_wait3A_61 = arith.constant 0 : i32
      %dma_wait3A_62 = tpu.memref_slice %arg5[%add3A_60, %dma_wait3A_61] : memref<40x128xi32, #tpu.memory_space<vmem>> -> memref<1x128xi32, #tpu.memory_space<vmem>>
      %dma_wait3A_63 = tpu.memref_squeeze %dma_wait3A_62 : memref<1x128xi32, #tpu.memory_space<vmem>> -> memref<128xi32, #tpu.memory_space<vmem>>
      %dma_wait3A_64 = arith.constant 0 : i32
      %dma_wait3A_65 = arith.constant 0 : i32
      %dma_wait3A_66 = tpu.memref_slice %arg2[%dma_wait3A_64, %dma_wait3A_65] : memref<10000x128xi32, #tpu.memory_space<hbm>> -> memref<10000x128xi32, #tpu.memory_space<hbm>>
      tpu.wait_indirect_dma semaphore(%arg9 : memref<!tpu.dma_semaphore, #tpu.memory_space<semaphore_mem>>) src(%dma_wait3A_66 : memref<10000x128xi32, #tpu.memory_space<hbm>>) dst(%arg6 : memref<128x128xi32, #tpu.memory_space<vmem>>)
      %mul3A_67 = arith.constant 128 : i32
      %mul3A_68 = arith.muli %add3A_60, %mul3A_67 : i32
      %add3A_69 = arith.addi %mul3A_2, %mul3A_68 : i32
      %dma_start3A_70 = arith.constant 0 : i32
      %dma_start3A_71 = tpu.memref_slice %arg4[%add3A_69, %dma_start3A_70] : memref<160000x128xi32, #tpu.memory_space<hbm>> -> memref<128x128xi32, #tpu.memory_space<hbm>>
      %dma_start3A_72 = arith.constant 0 : i32
      %dma_start3A_73 = tpu.memref_slice %arg4[%add3A_69, %dma_start3A_72] : memref<160000x128xi32, #tpu.memory_space<hbm>> -> memref<128x128xi32, #tpu.memory_space<hbm>>
      tpu.enqueue_dma source(%arg6 : memref<128x128xi32, #tpu.memory_space<vmem>>) target(%dma_start3A_73 : memref<128x128xi32, #tpu.memory_space<hbm>>) target_semaphore(%arg12 : memref<!tpu.dma_semaphore, #tpu.memory_space<semaphore_mem>>)
      %dma_wait3A_74 = arith.constant 0 : i32
      %dma_wait3A_75 = tpu.memref_slice %arg4[%add3A_69, %dma_wait3A_74] : memref<160000x128xi32, #tpu.memory_space<hbm>> -> memref<128x128xi32, #tpu.memory_space<hbm>>
      %dma_wait3A_76 = arith.constant 0 : i32
      %dma_wait3A_77 = tpu.memref_slice %arg4[%add3A_69, %dma_wait3A_76] : memref<160000x128xi32, #tpu.memory_space<hbm>> -> memref<128x128xi32, #tpu.memory_space<hbm>>
      tpu.wait_dma2 semaphore(%arg12 : memref<!tpu.dma_semaphore, #tpu.memory_space<semaphore_mem>>) src(%arg6 : memref<128x128xi32, #tpu.memory_space<vmem>>) dst(%dma_wait3A_77 : memref<128x128xi32, #tpu.memory_space<hbm>>)
      %add3A_78 = arith.constant 3 : i32
      %add3A_79 = arith.addi %add3A_60, %add3A_78 : i32
      %lt3A = arith.constant 40 : i32
      %lt3A_80 = arith.cmpi slt, %add3A_79, %lt3A : i32
      %convert_element_type3A = arith.extui %lt3A_80 : i1 to i32
      %cond3A = arith.constant 0 : i32
      %cond3A_81 = arith.cmpi ne, %convert_element_type3A, %cond3A : i32
      scf.if %cond3A_81 {
        %add3A_138 = arith.constant 3 : i32
        %add3A_139 = arith.addi %add3A_60, %add3A_138 : i32
        %dma_start3A_140 = arith.constant 0 : i32
        %dma_start3A_141 = tpu.memref_slice %arg5[%add3A_139, %dma_start3A_140] : memref<40x128xi32, #tpu.memory_space<vmem>> -> memref<1x128xi32, #tpu.memory_space<vmem>>
        %dma_start3A_142 = tpu.memref_squeeze %dma_start3A_141 : memref<1x128xi32, #tpu.memory_space<vmem>> -> memref<128xi32, #tpu.memory_space<vmem>>
        %dma_start3A_143 = arith.constant 0 : i32
        %dma_start3A_144 = arith.constant 0 : i32
        %dma_start3A_145 = tpu.memref_slice %arg2[%dma_start3A_143, %dma_start3A_144] : memref<10000x128xi32, #tpu.memory_space<hbm>> -> memref<10000x128xi32, #tpu.memory_space<hbm>>
        tpu.enqueue_indirect_dma source(%dma_start3A_145 : memref<10000x128xi32, #tpu.memory_space<hbm>>) target(%arg6 : memref<128x128xi32, #tpu.memory_space<vmem>>) offsets(%dma_start3A_142 : memref<128xi32, #tpu.memory_space<vmem>>) semaphore(%arg9 : memref<!tpu.dma_semaphore, #tpu.memory_space<semaphore_mem>>)
      } else {
      }
      %mul3A_82 = arith.constant 3 : i32
      %mul3A_83 = arith.muli %mul3A_82, %scan3A_56 : i32
      %add3A_84 = arith.constant 1 : i32
      %add3A_85 = arith.addi %mul3A_83, %add3A_84 : i32
      %dma_wait3A_86 = arith.constant 0 : i32
      %dma_wait3A_87 = tpu.memref_slice %arg5[%add3A_85, %dma_wait3A_86] : memref<40x128xi32, #tpu.memory_space<vmem>> -> memref<1x128xi32, #tpu.memory_space<vmem>>
      %dma_wait3A_88 = tpu.memref_squeeze %dma_wait3A_87 : memref<1x128xi32, #tpu.memory_space<vmem>> -> memref<128xi32, #tpu.memory_space<vmem>>
      %dma_wait3A_89 = arith.constant 0 : i32
      %dma_wait3A_90 = arith.constant 0 : i32
      %dma_wait3A_91 = tpu.memref_slice %arg2[%dma_wait3A_89, %dma_wait3A_90] : memref<10000x128xi32, #tpu.memory_space<hbm>> -> memref<10000x128xi32, #tpu.memory_space<hbm>>
      tpu.wait_indirect_dma semaphore(%arg10 : memref<!tpu.dma_semaphore, #tpu.memory_space<semaphore_mem>>) src(%dma_wait3A_91 : memref<10000x128xi32, #tpu.memory_space<hbm>>) dst(%arg7 : memref<128x128xi32, #tpu.memory_space<vmem>>)
      %mul3A_92 = arith.constant 128 : i32
      %mul3A_93 = arith.muli %add3A_85, %mul3A_92 : i32
      %add3A_94 = arith.addi %mul3A_2, %mul3A_93 : i32
      %dma_start3A_95 = arith.constant 0 : i32
      %dma_start3A_96 = tpu.memref_slice %arg4[%add3A_94, %dma_start3A_95] : memref<160000x128xi32, #tpu.memory_space<hbm>> -> memref<128x128xi32, #tpu.memory_space<hbm>>
      %dma_start3A_97 = arith.constant 0 : i32
      %dma_start3A_98 = tpu.memref_slice %arg4[%add3A_94, %dma_start3A_97] : memref<160000x128xi32, #tpu.memory_space<hbm>> -> memref<128x128xi32, #tpu.memory_space<hbm>>
      tpu.enqueue_dma source(%arg7 : memref<128x128xi32, #tpu.memory_space<vmem>>) target(%dma_start3A_98 : memref<128x128xi32, #tpu.memory_space<hbm>>) target_semaphore(%arg13 : memref<!tpu.dma_semaphore, #tpu.memory_space<semaphore_mem>>)
      %dma_wait3A_99 = arith.constant 0 : i32
      %dma_wait3A_100 = tpu.memref_slice %arg4[%add3A_94, %dma_wait3A_99] : memref<160000x128xi32, #tpu.memory_space<hbm>> -> memref<128x128xi32, #tpu.memory_space<hbm>>
      %dma_wait3A_101 = arith.constant 0 : i32
      %dma_wait3A_102 = tpu.memref_slice %arg4[%add3A_94, %dma_wait3A_101] : memref<160000x128xi32, #tpu.memory_space<hbm>> -> memref<128x128xi32, #tpu.memory_space<hbm>>
      tpu.wait_dma2 semaphore(%arg13 : memref<!tpu.dma_semaphore, #tpu.memory_space<semaphore_mem>>) src(%arg7 : memref<128x128xi32, #tpu.memory_space<vmem>>) dst(%dma_wait3A_102 : memref<128x128xi32, #tpu.memory_space<hbm>>)
      %add3A_103 = arith.constant 3 : i32
      %add3A_104 = arith.addi %add3A_85, %add3A_103 : i32
      %lt3A_105 = arith.constant 40 : i32
      %lt3A_106 = arith.cmpi slt, %add3A_104, %lt3A_105 : i32
      %convert_element_type3A_107 = arith.extui %lt3A_106 : i1 to i32
      %cond3A_108 = arith.constant 0 : i32
      %cond3A_109 = arith.cmpi ne, %convert_element_type3A_107, %cond3A_108 : i32
      scf.if %cond3A_109 {
        %add3A_138 = arith.constant 3 : i32
        %add3A_139 = arith.addi %add3A_85, %add3A_138 : i32
        %dma_start3A_140 = arith.constant 0 : i32
        %dma_start3A_141 = tpu.memref_slice %arg5[%add3A_139, %dma_start3A_140] : memref<40x128xi32, #tpu.memory_space<vmem>> -> memref<1x128xi32, #tpu.memory_space<vmem>>
        %dma_start3A_142 = tpu.memref_squeeze %dma_start3A_141 : memref<1x128xi32, #tpu.memory_space<vmem>> -> memref<128xi32, #tpu.memory_space<vmem>>
        %dma_start3A_143 = arith.constant 0 : i32
        %dma_start3A_144 = arith.constant 0 : i32
        %dma_start3A_145 = tpu.memref_slice %arg2[%dma_start3A_143, %dma_start3A_144] : memref<10000x128xi32, #tpu.memory_space<hbm>> -> memref<10000x128xi32, #tpu.memory_space<hbm>>
        tpu.enqueue_indirect_dma source(%dma_start3A_145 : memref<10000x128xi32, #tpu.memory_space<hbm>>) target(%arg7 : memref<128x128xi32, #tpu.memory_space<vmem>>) offsets(%dma_start3A_142 : memref<128xi32, #tpu.memory_space<vmem>>) semaphore(%arg10 : memref<!tpu.dma_semaphore, #tpu.memory_space<semaphore_mem>>)
      } else {
      }
      %mul3A_110 = arith.constant 3 : i32
      %mul3A_111 = arith.muli %mul3A_110, %scan3A_56 : i32
      %add3A_112 = arith.constant 2 : i32
      %add3A_113 = arith.addi %mul3A_111, %add3A_112 : i32
      %dma_wait3A_114 = arith.constant 0 : i32
      %dma_wait3A_115 = tpu.memref_slice %arg5[%add3A_113, %dma_wait3A_114] : memref<40x128xi32, #tpu.memory_space<vmem>> -> memref<1x128xi32, #tpu.memory_space<vmem>>
      %dma_wait3A_116 = tpu.memref_squeeze %dma_wait3A_115 : memref<1x128xi32, #tpu.memory_space<vmem>> -> memref<128xi32, #tpu.memory_space<vmem>>
      %dma_wait3A_117 = arith.constant 0 : i32
      %dma_wait3A_118 = arith.constant 0 : i32
      %dma_wait3A_119 = tpu.memref_slice %arg2[%dma_wait3A_117, %dma_wait3A_118] : memref<10000x128xi32, #tpu.memory_space<hbm>> -> memref<10000x128xi32, #tpu.memory_space<hbm>>
      tpu.wait_indirect_dma semaphore(%arg11 : memref<!tpu.dma_semaphore, #tpu.memory_space<semaphore_mem>>) src(%dma_wait3A_119 : memref<10000x128xi32, #tpu.memory_space<hbm>>) dst(%arg8 : memref<128x128xi32, #tpu.memory_space<vmem>>)
      %mul3A_120 = arith.constant 128 : i32
      %mul3A_121 = arith.muli %add3A_113, %mul3A_120 : i32
      %add3A_122 = arith.addi %mul3A_2, %mul3A_121 : i32
      %dma_start3A_123 = arith.constant 0 : i32
      %dma_start3A_124 = tpu.memref_slice %arg4[%add3A_122, %dma_start3A_123] : memref<160000x128xi32, #tpu.memory_space<hbm>> -> memref<128x128xi32, #tpu.memory_space<hbm>>
      %dma_start3A_125 = arith.constant 0 : i32
      %dma_start3A_126 = tpu.memref_slice %arg4[%add3A_122, %dma_start3A_125] : memref<160000x128xi32, #tpu.memory_space<hbm>> -> memref<128x128xi32, #tpu.memory_space<hbm>>
      tpu.enqueue_dma source(%arg8 : memref<128x128xi32, #tpu.memory_space<vmem>>) target(%dma_start3A_126 : memref<128x128xi32, #tpu.memory_space<hbm>>) target_semaphore(%arg14 : memref<!tpu.dma_semaphore, #tpu.memory_space<semaphore_mem>>)
      %dma_wait3A_127 = arith.constant 0 : i32
      %dma_wait3A_128 = tpu.memref_slice %arg4[%add3A_122, %dma_wait3A_127] : memref<160000x128xi32, #tpu.memory_space<hbm>> -> memref<128x128xi32, #tpu.memory_space<hbm>>
      %dma_wait3A_129 = arith.constant 0 : i32
      %dma_wait3A_130 = tpu.memref_slice %arg4[%add3A_122, %dma_wait3A_129] : memref<160000x128xi32, #tpu.memory_space<hbm>> -> memref<128x128xi32, #tpu.memory_space<hbm>>
      tpu.wait_dma2 semaphore(%arg14 : memref<!tpu.dma_semaphore, #tpu.memory_space<semaphore_mem>>) src(%arg8 : memref<128x128xi32, #tpu.memory_space<vmem>>) dst(%dma_wait3A_130 : memref<128x128xi32, #tpu.memory_space<hbm>>)
      %add3A_131 = arith.constant 3 : i32
      %add3A_132 = arith.addi %add3A_113, %add3A_131 : i32
      %lt3A_133 = arith.constant 40 : i32
      %lt3A_134 = arith.cmpi slt, %add3A_132, %lt3A_133 : i32
      %convert_element_type3A_135 = arith.extui %lt3A_134 : i1 to i32
      %cond3A_136 = arith.constant 0 : i32
      %cond3A_137 = arith.cmpi ne, %convert_element_type3A_135, %cond3A_136 : i32
      scf.if %cond3A_137 {
        %add3A_138 = arith.constant 3 : i32
        %add3A_139 = arith.addi %add3A_113, %add3A_138 : i32
        %dma_start3A_140 = arith.constant 0 : i32
        %dma_start3A_141 = tpu.memref_slice %arg5[%add3A_139, %dma_start3A_140] : memref<40x128xi32, #tpu.memory_space<vmem>> -> memref<1x128xi32, #tpu.memory_space<vmem>>
        %dma_start3A_142 = tpu.memref_squeeze %dma_start3A_141 : memref<1x128xi32, #tpu.memory_space<vmem>> -> memref<128xi32, #tpu.memory_space<vmem>>
        %dma_start3A_143 = arith.constant 0 : i32
        %dma_start3A_144 = arith.constant 0 : i32
        %dma_start3A_145 = tpu.memref_slice %arg2[%dma_start3A_143, %dma_start3A_144] : memref<10000x128xi32, #tpu.memory_space<hbm>> -> memref<10000x128xi32, #tpu.memory_space<hbm>>
        tpu.enqueue_indirect_dma source(%dma_start3A_145 : memref<10000x128xi32, #tpu.memory_space<hbm>>) target(%arg8 : memref<128x128xi32, #tpu.memory_space<vmem>>) offsets(%dma_start3A_142 : memref<128xi32, #tpu.memory_space<vmem>>) semaphore(%arg11 : memref<!tpu.dma_semaphore, #tpu.memory_space<semaphore_mem>>)
      } else {
      }
    }
    %scan3A_27 = arith.constant 13 : i32
    %dma_wait3A = arith.constant 39 : i32
    %dma_wait3A_28 = arith.constant 0 : i32
    %dma_wait3A_29 = tpu.memref_slice %arg5[%dma_wait3A, %dma_wait3A_28] : memref<40x128xi32, #tpu.memory_space<vmem>> -> memref<1x128xi32, #tpu.memory_space<vmem>>
    %dma_wait3A_30 = tpu.memref_squeeze %dma_wait3A_29 : memref<1x128xi32, #tpu.memory_space<vmem>> -> memref<128xi32, #tpu.memory_space<vmem>>
    %dma_wait3A_31 = arith.constant 0 : i32
    %dma_wait3A_32 = arith.constant 0 : i32
    %dma_wait3A_33 = tpu.memref_slice %arg2[%dma_wait3A_31, %dma_wait3A_32] : memref<10000x128xi32, #tpu.memory_space<hbm>> -> memref<10000x128xi32, #tpu.memory_space<hbm>>
    tpu.wait_indirect_dma semaphore(%arg9 : memref<!tpu.dma_semaphore, #tpu.memory_space<semaphore_mem>>) src(%dma_wait3A_33 : memref<10000x128xi32, #tpu.memory_space<hbm>>) dst(%arg6 : memref<128x128xi32, #tpu.memory_space<vmem>>)
    %add3A_34 = arith.constant 4992 : i32
    %add3A_35 = arith.addi %mul3A_2, %add3A_34 : i32
    %dma_start3A_36 = arith.constant 0 : i32
    %dma_start3A_37 = arith.constant 0 : i32
    %dma_start3A_38 = tpu.memref_slice %arg6[%dma_start3A_36, %dma_start3A_37] : memref<128x128xi32, #tpu.memory_space<vmem>> -> memref<8x128xi32, #tpu.memory_space<vmem>>
    %dma_start3A_39 = arith.constant 0 : i32
    %dma_start3A_40 = tpu.memref_slice %arg4[%add3A_35, %dma_start3A_39] : memref<160000x128xi32, #tpu.memory_space<hbm>> -> memref<8x128xi32, #tpu.memory_space<hbm>>
    %dma_start3A_41 = arith.constant 0 : i32
    %dma_start3A_42 = tpu.memref_slice %arg4[%add3A_35, %dma_start3A_41] : memref<160000x128xi32, #tpu.memory_space<hbm>> -> memref<8x128xi32, #tpu.memory_space<hbm>>
    %dma_start3A_43 = arith.constant 0 : i32
    %dma_start3A_44 = arith.constant 0 : i32
    %dma_start3A_45 = tpu.memref_slice %arg6[%dma_start3A_43, %dma_start3A_44] : memref<128x128xi32, #tpu.memory_space<vmem>> -> memref<8x128xi32, #tpu.memory_space<vmem>>
    tpu.enqueue_dma source(%dma_start3A_45 : memref<8x128xi32, #tpu.memory_space<vmem>>) target(%dma_start3A_42 : memref<8x128xi32, #tpu.memory_space<hbm>>) target_semaphore(%arg12 : memref<!tpu.dma_semaphore, #tpu.memory_space<semaphore_mem>>)
    %dma_wait3A_46 = arith.constant 0 : i32
    %dma_wait3A_47 = arith.constant 0 : i32
    %dma_wait3A_48 = tpu.memref_slice %arg6[%dma_wait3A_46, %dma_wait3A_47] : memref<128x128xi32, #tpu.memory_space<vmem>> -> memref<8x128xi32, #tpu.memory_space<vmem>>
    %dma_wait3A_49 = arith.constant 0 : i32
    %dma_wait3A_50 = tpu.memref_slice %arg4[%add3A_35, %dma_wait3A_49] : memref<160000x128xi32, #tpu.memory_space<hbm>> -> memref<8x128xi32, #tpu.memory_space<hbm>>
    %dma_wait3A_51 = arith.constant 0 : i32
    %dma_wait3A_52 = tpu.memref_slice %arg4[%add3A_35, %dma_wait3A_51] : memref<160000x128xi32, #tpu.memory_space<hbm>> -> memref<8x128xi32, #tpu.memory_space<hbm>>
    %dma_wait3A_53 = arith.constant 0 : i32
    %dma_wait3A_54 = arith.constant 0 : i32
    %dma_wait3A_55 = tpu.memref_slice %arg6[%dma_wait3A_53, %dma_wait3A_54] : memref<128x128xi32, #tpu.memory_space<vmem>> -> memref<8x128xi32, #tpu.memory_space<vmem>>
    tpu.wait_dma2 semaphore(%arg12 : memref<!tpu.dma_semaphore, #tpu.memory_space<semaphore_mem>>) src(%dma_wait3A_55 : memref<8x128xi32, #tpu.memory_space<vmem>>) dst(%dma_wait3A_52 : memref<8x128xi32, #tpu.memory_space<hbm>>)
    return
  }
}

#map = affine_map<(d0, d1) -> (0, 0)>
#map1 = affine_map<(d0, d1) -> (0, 0, 0)>
module attributes {stable_mosaic.version = 14 : i64} {
  func.func @gk(%arg0: i32, %arg1: i32, %arg2: memref<10000x128xi32, #tpu.memory_space<hbm>>, %arg3: memref<32x40x128xi32, #tpu.memory_space<hbm>>, %arg4: memref<160000x128xi32, #tpu.memory_space<hbm>>, %arg5: memref<40x128xi32, #tpu.memory_space<vmem>>, %arg6: memref<128x128xi32, #tpu.memory_space<vmem>>, %arg7: memref<128x128xi32, #tpu.memory_space<vmem>>, %arg8: memref<128x128xi32, #tpu.memory_space<vmem>>, %arg9: memref<!tpu.dma_semaphore, #tpu.memory_space<semaphore_mem>>, %arg10: memref<!tpu.dma_semaphore, #tpu.memory_space<semaphore_mem>>, %arg11: memref<!tpu.dma_semaphore, #tpu.memory_space<semaphore_mem>>, %arg12: memref<!tpu.dma_semaphore, #tpu.memory_space<semaphore_mem>>, %arg13: memref<!tpu.dma_semaphore, #tpu.memory_space<semaphore_mem>>, %arg14: memref<!tpu.dma_semaphore, #tpu.memory_space<semaphore_mem>>) attributes {dimension_semantics = [#tpu.dimension_semantics<core_parallel>, #tpu.dimension_semantics<subcore_parallel>], iteration_bounds = array<i64: 2, 16>, scalar_prefetch = 0 : i64, scratch_operands = 10 : i64, tpu.core_type = #tpu.core_type<sc_vector_subcore>, window_params = [{transform_indices = #map}, {transform_indices = #map1}, {transform_indices = #map}]} {
    %mul3A = arith.constant 2 : i32
    %mul3A_0 = arith.muli %arg1, %mul3A : i32
    %add3A = arith.addi %mul3A_0, %arg0 : i32
    %mul3A_1 = arith.constant 5000 : i32
    %mul3A_2 = arith.muli %add3A, %mul3A_1 : i32
    "tpu.region"() ({
      %run_scoped3A = tpu.sem_alloc : memref<!tpu.dma_semaphore, #tpu.memory_space<semaphore_mem>>
      %dma_start3A_56 = arith.constant 0 : i32
      %dma_start3A_57 = arith.constant 0 : i32
      %dma_start3A_58 = tpu.memref_slice %arg3[%add3A, %dma_start3A_56, %dma_start3A_57] : memref<32x40x128xi32, #tpu.memory_space<hbm>> -> memref<1x40x128xi32, #tpu.memory_space<hbm>>
      %dma_start3A_59 = tpu.memref_squeeze %dma_start3A_58 : memref<1x40x128xi32, #tpu.memory_space<hbm>> -> memref<40x128xi32, #tpu.memory_space<hbm>>
      %dma_start3A_60 = arith.constant 0 : i32
      %dma_start3A_61 = arith.constant 0 : i32
      %dma_start3A_62 = tpu.memref_slice %arg3[%add3A, %dma_start3A_60, %dma_start3A_61] : memref<32x40x128xi32, #tpu.memory_space<hbm>> -> memref<1x40x128xi32, #tpu.memory_space<hbm>>
      %dma_start3A_63 = tpu.memref_squeeze %dma_start3A_62 : memref<1x40x128xi32, #tpu.memory_space<hbm>> -> memref<40x128xi32, #tpu.memory_space<hbm>>
      tpu.enqueue_dma source(%dma_start3A_63 : memref<40x128xi32, #tpu.memory_space<hbm>>) target(%arg5 : memref<40x128xi32, #tpu.memory_space<vmem>>) target_semaphore(%run_scoped3A : memref<!tpu.dma_semaphore, #tpu.memory_space<semaphore_mem>>)
      %dma_wait3A_64 = arith.constant 0 : i32
      %dma_wait3A_65 = arith.constant 0 : i32
      %dma_wait3A_66 = tpu.memref_slice %arg3[%add3A, %dma_wait3A_64, %dma_wait3A_65] : memref<32x40x128xi32, #tpu.memory_space<hbm>> -> memref<1x40x128xi32, #tpu.memory_space<hbm>>
      %dma_wait3A_67 = tpu.memref_squeeze %dma_wait3A_66 : memref<1x40x128xi32, #tpu.memory_space<hbm>> -> memref<40x128xi32, #tpu.memory_space<hbm>>
      %dma_wait3A_68 = arith.constant 0 : i32
      %dma_wait3A_69 = arith.constant 0 : i32
      %dma_wait3A_70 = tpu.memref_slice %arg3[%add3A, %dma_wait3A_68, %dma_wait3A_69] : memref<32x40x128xi32, #tpu.memory_space<hbm>> -> memref<1x40x128xi32, #tpu.memory_space<hbm>>
      %dma_wait3A_71 = tpu.memref_squeeze %dma_wait3A_70 : memref<1x40x128xi32, #tpu.memory_space<hbm>> -> memref<40x128xi32, #tpu.memory_space<hbm>>
      tpu.wait_dma2 semaphore(%run_scoped3A : memref<!tpu.dma_semaphore, #tpu.memory_space<semaphore_mem>>) src(%dma_wait3A_71 : memref<40x128xi32, #tpu.memory_space<hbm>>) dst(%arg5 : memref<40x128xi32, #tpu.memory_space<vmem>>)
      tpu.yield
    }) : () -> ()
    %dma_start3A = arith.constant 0 : i32
    %dma_start3A_3 = arith.constant 0 : i32
    %dma_start3A_4 = tpu.memref_slice %arg5[%dma_start3A, %dma_start3A_3] : memref<40x128xi32, #tpu.memory_space<vmem>> -> memref<1x128xi32, #tpu.memory_space<vmem>>
    %dma_start3A_5 = tpu.memref_squeeze %dma_start3A_4 : memref<1x128xi32, #tpu.memory_space<vmem>> -> memref<128xi32, #tpu.memory_space<vmem>>
    %dma_start3A_6 = arith.constant 0 : i32
    %dma_start3A_7 = arith.constant 0 : i32
    %dma_start3A_8 = tpu.memref_slice %arg2[%dma_start3A_6, %dma_start3A_7] : memref<10000x128xi32, #tpu.memory_space<hbm>> -> memref<10000x128xi32, #tpu.memory_space<hbm>>
    tpu.enqueue_indirect_dma source(%dma_start3A_8 : memref<10000x128xi32, #tpu.memory_space<hbm>>) target(%arg6 : memref<128x128xi32, #tpu.memory_space<vmem>>) offsets(%dma_start3A_5 : memref<128xi32, #tpu.memory_space<vmem>>) semaphore(%arg9 : memref<!tpu.dma_semaphore, #tpu.memory_space<semaphore_mem>>)
    %dma_start3A_9 = arith.constant 1 : i32
    %dma_start3A_10 = arith.constant 0 : i32
    %dma_start3A_11 = tpu.memref_slice %arg5[%dma_start3A_9, %dma_start3A_10] : memref<40x128xi32, #tpu.memory_space<vmem>> -> memref<1x128xi32, #tpu.memory_space<vmem>>
    %dma_start3A_12 = tpu.memref_squeeze %dma_start3A_11 : memref<1x128xi32, #tpu.memory_space<vmem>> -> memref<128xi32, #tpu.memory_space<vmem>>
    %dma_start3A_13 = arith.constant 0 : i32
    %dma_start3A_14 = arith.constant 0 : i32
    %dma_start3A_15 = tpu.memref_slice %arg2[%dma_start3A_13, %dma_start3A_14] : memref<10000x128xi32, #tpu.memory_space<hbm>> -> memref<10000x128xi32, #tpu.memory_space<hbm>>
    tpu.enqueue_indirect_dma source(%dma_start3A_15 : memref<10000x128xi32, #tpu.memory_space<hbm>>) target(%arg7 : memref<128x128xi32, #tpu.memory_space<vmem>>) offsets(%dma_start3A_12 : memref<128xi32, #tpu.memory_space<vmem>>) semaphore(%arg10 : memref<!tpu.dma_semaphore, #tpu.memory_space<semaphore_mem>>)
    %dma_start3A_16 = arith.constant 2 : i32
    %dma_start3A_17 = arith.constant 0 : i32
    %dma_start3A_18 = tpu.memref_slice %arg5[%dma_start3A_16, %dma_start3A_17] : memref<40x128xi32, #tpu.memory_space<vmem>> -> memref<1x128xi32, #tpu.memory_space<vmem>>
    %dma_start3A_19 = tpu.memref_squeeze %dma_start3A_18 : memref<1x128xi32, #tpu.memory_space<vmem>> -> memref<128xi32, #tpu.memory_space<vmem>>
    %dma_start3A_20 = arith.constant 0 : i32
    %dma_start3A_21 = arith.constant 0 : i32
    %dma_start3A_22 = tpu.memref_slice %arg2[%dma_start3A_20, %dma_start3A_21] : memref<10000x128xi32, #tpu.memory_space<hbm>> -> memref<10000x128xi32, #tpu.memory_space<hbm>>
    tpu.enqueue_indirect_dma source(%dma_start3A_22 : memref<10000x128xi32, #tpu.memory_space<hbm>>) target(%arg8 : memref<128x128xi32, #tpu.memory_space<vmem>>) offsets(%dma_start3A_19 : memref<128xi32, #tpu.memory_space<vmem>>) semaphore(%arg11 : memref<!tpu.dma_semaphore, #tpu.memory_space<semaphore_mem>>)
    %scan3A = arith.constant 0 : i32
    %scan3A_23 = arith.constant 0 : i32
    %scan3A_24 = arith.constant 13 : i32
    %scan3A_25 = arith.addi %scan3A_23, %scan3A_24 : i32
    %scan3A_26 = arith.constant 1 : i32
    scf.for %scan3A_56 = %scan3A_23 to %scan3A_25 step %scan3A_26  : i32 {
      %mul3A_57 = arith.constant 3 : i32
      %mul3A_58 = arith.muli %mul3A_57, %scan3A_56 : i32
      %add3A_59 = arith.constant 0 : i32
      %add3A_60 = arith.addi %mul3A_58, %add3A_59 : i32
      %dma_wait3A_61 = arith.constant 0 : i32
      %dma_wait3A_62 = tpu.memref_slice %arg5[%add3A_60, %dma_wait3A_61] : memref<40x128xi32, #tpu.memory_space<vmem>> -> memref<1x128xi32, #tpu.memory_space<vmem>>
      %dma_wait3A_63 = tpu.memref_squeeze %dma_wait3A_62 : memref<1x128xi32, #tpu.memory_space<vmem>> -> memref<128xi32, #tpu.memory_space<vmem>>
      %dma_wait3A_64 = arith.constant 0 : i32
      %dma_wait3A_65 = arith.constant 0 : i32
      %dma_wait3A_66 = tpu.memref_slice %arg2[%dma_wait3A_64, %dma_wait3A_65] : memref<10000x128xi32, #tpu.memory_space<hbm>> -> memref<10000x128xi32, #tpu.memory_space<hbm>>
      tpu.wait_indirect_dma semaphore(%arg9 : memref<!tpu.dma_semaphore, #tpu.memory_space<semaphore_mem>>) src(%dma_wait3A_66 : memref<10000x128xi32, #tpu.memory_space<hbm>>) dst(%arg6 : memref<128x128xi32, #tpu.memory_space<vmem>>)
      %mul3A_67 = arith.constant 128 : i32
      %mul3A_68 = arith.muli %add3A_60, %mul3A_67 : i32
      %add3A_69 = arith.addi %mul3A_2, %mul3A_68 : i32
      %dma_start3A_70 = arith.constant 0 : i32
      %dma_start3A_71 = tpu.memref_slice %arg4[%add3A_69, %dma_start3A_70] : memref<160000x128xi32, #tpu.memory_space<hbm>> -> memref<128x128xi32, #tpu.memory_space<hbm>>
      %dma_start3A_72 = arith.constant 0 : i32
      %dma_start3A_73 = tpu.memref_slice %arg4[%add3A_69, %dma_start3A_72] : memref<160000x128xi32, #tpu.memory_space<hbm>> -> memref<128x128xi32, #tpu.memory_space<hbm>>
      tpu.enqueue_dma source(%arg6 : memref<128x128xi32, #tpu.memory_space<vmem>>) target(%dma_start3A_73 : memref<128x128xi32, #tpu.memory_space<hbm>>) target_semaphore(%arg12 : memref<!tpu.dma_semaphore, #tpu.memory_space<semaphore_mem>>)
      %dma_wait3A_74 = arith.constant 0 : i32
      %dma_wait3A_75 = tpu.memref_slice %arg4[%add3A_69, %dma_wait3A_74] : memref<160000x128xi32, #tpu.memory_space<hbm>> -> memref<128x128xi32, #tpu.memory_space<hbm>>
      %dma_wait3A_76 = arith.constant 0 : i32
      %dma_wait3A_77 = tpu.memref_slice %arg4[%add3A_69, %dma_wait3A_76] : memref<160000x128xi32, #tpu.memory_space<hbm>> -> memref<128x128xi32, #tpu.memory_space<hbm>>
      tpu.wait_dma2 semaphore(%arg12 : memref<!tpu.dma_semaphore, #tpu.memory_space<semaphore_mem>>) src(%arg6 : memref<128x128xi32, #tpu.memory_space<vmem>>) dst(%dma_wait3A_77 : memref<128x128xi32, #tpu.memory_space<hbm>>)
      %add3A_78 = arith.constant 3 : i32
      %add3A_79 = arith.addi %add3A_60, %add3A_78 : i32
      %lt3A = arith.constant 40 : i32
      %lt3A_80 = arith.cmpi slt, %add3A_79, %lt3A : i32
      %convert_element_type3A = arith.extui %lt3A_80 : i1 to i32
      %cond3A = arith.constant 0 : i32
      %cond3A_81 = arith.cmpi ne, %convert_element_type3A, %cond3A : i32
      scf.if %cond3A_81 {
        %add3A_138 = arith.constant 3 : i32
        %add3A_139 = arith.addi %add3A_60, %add3A_138 : i32
        %dma_start3A_140 = arith.constant 0 : i32
        %dma_start3A_141 = tpu.memref_slice %arg5[%add3A_139, %dma_start3A_140] : memref<40x128xi32, #tpu.memory_space<vmem>> -> memref<1x128xi32, #tpu.memory_space<vmem>>
        %dma_start3A_142 = tpu.memref_squeeze %dma_start3A_141 : memref<1x128xi32, #tpu.memory_space<vmem>> -> memref<128xi32, #tpu.memory_space<vmem>>
        %dma_start3A_143 = arith.constant 0 : i32
        %dma_start3A_144 = arith.constant 0 : i32
        %dma_start3A_145 = tpu.memref_slice %arg2[%dma_start3A_143, %dma_start3A_144] : memref<10000x128xi32, #tpu.memory_space<hbm>> -> memref<10000x128xi32, #tpu.memory_space<hbm>>
        tpu.enqueue_indirect_dma source(%dma_start3A_145 : memref<10000x128xi32, #tpu.memory_space<hbm>>) target(%arg6 : memref<128x128xi32, #tpu.memory_space<vmem>>) offsets(%dma_start3A_142 : memref<128xi32, #tpu.memory_space<vmem>>) semaphore(%arg9 : memref<!tpu.dma_semaphore, #tpu.memory_space<semaphore_mem>>)
      } else {
      }
      %mul3A_82 = arith.constant 3 : i32
      %mul3A_83 = arith.muli %mul3A_82, %scan3A_56 : i32
      %add3A_84 = arith.constant 1 : i32
      %add3A_85 = arith.addi %mul3A_83, %add3A_84 : i32
      %dma_wait3A_86 = arith.constant 0 : i32
      %dma_wait3A_87 = tpu.memref_slice %arg5[%add3A_85, %dma_wait3A_86] : memref<40x128xi32, #tpu.memory_space<vmem>> -> memref<1x128xi32, #tpu.memory_space<vmem>>
      %dma_wait3A_88 = tpu.memref_squeeze %dma_wait3A_87 : memref<1x128xi32, #tpu.memory_space<vmem>> -> memref<128xi32, #tpu.memory_space<vmem>>
      %dma_wait3A_89 = arith.constant 0 : i32
      %dma_wait3A_90 = arith.constant 0 : i32
      %dma_wait3A_91 = tpu.memref_slice %arg2[%dma_wait3A_89, %dma_wait3A_90] : memref<10000x128xi32, #tpu.memory_space<hbm>> -> memref<10000x128xi32, #tpu.memory_space<hbm>>
      tpu.wait_indirect_dma semaphore(%arg10 : memref<!tpu.dma_semaphore, #tpu.memory_space<semaphore_mem>>) src(%dma_wait3A_91 : memref<10000x128xi32, #tpu.memory_space<hbm>>) dst(%arg7 : memref<128x128xi32, #tpu.memory_space<vmem>>)
      %mul3A_92 = arith.constant 128 : i32
      %mul3A_93 = arith.muli %add3A_85, %mul3A_92 : i32
      %add3A_94 = arith.addi %mul3A_2, %mul3A_93 : i32
      %dma_start3A_95 = arith.constant 0 : i32
      %dma_start3A_96 = tpu.memref_slice %arg4[%add3A_94, %dma_start3A_95] : memref<160000x128xi32, #tpu.memory_space<hbm>> -> memref<128x128xi32, #tpu.memory_space<hbm>>
      %dma_start3A_97 = arith.constant 0 : i32
      %dma_start3A_98 = tpu.memref_slice %arg4[%add3A_94, %dma_start3A_97] : memref<160000x128xi32, #tpu.memory_space<hbm>> -> memref<128x128xi32, #tpu.memory_space<hbm>>
      tpu.enqueue_dma source(%arg7 : memref<128x128xi32, #tpu.memory_space<vmem>>) target(%dma_start3A_98 : memref<128x128xi32, #tpu.memory_space<hbm>>) target_semaphore(%arg13 : memref<!tpu.dma_semaphore, #tpu.memory_space<semaphore_mem>>)
      %dma_wait3A_99 = arith.constant 0 : i32
      %dma_wait3A_100 = tpu.memref_slice %arg4[%add3A_94, %dma_wait3A_99] : memref<160000x128xi32, #tpu.memory_space<hbm>> -> memref<128x128xi32, #tpu.memory_space<hbm>>
      %dma_wait3A_101 = arith.constant 0 : i32
      %dma_wait3A_102 = tpu.memref_slice %arg4[%add3A_94, %dma_wait3A_101] : memref<160000x128xi32, #tpu.memory_space<hbm>> -> memref<128x128xi32, #tpu.memory_space<hbm>>
      tpu.wait_dma2 semaphore(%arg13 : memref<!tpu.dma_semaphore, #tpu.memory_space<semaphore_mem>>) src(%arg7 : memref<128x128xi32, #tpu.memory_space<vmem>>) dst(%dma_wait3A_102 : memref<128x128xi32, #tpu.memory_space<hbm>>)
      %add3A_103 = arith.constant 3 : i32
      %add3A_104 = arith.addi %add3A_85, %add3A_103 : i32
      %lt3A_105 = arith.constant 40 : i32
      %lt3A_106 = arith.cmpi slt, %add3A_104, %lt3A_105 : i32
      %convert_element_type3A_107 = arith.extui %lt3A_106 : i1 to i32
      %cond3A_108 = arith.constant 0 : i32
      %cond3A_109 = arith.cmpi ne, %convert_element_type3A_107, %cond3A_108 : i32
      scf.if %cond3A_109 {
        %add3A_138 = arith.constant 3 : i32
        %add3A_139 = arith.addi %add3A_85, %add3A_138 : i32
        %dma_start3A_140 = arith.constant 0 : i32
        %dma_start3A_141 = tpu.memref_slice %arg5[%add3A_139, %dma_start3A_140] : memref<40x128xi32, #tpu.memory_space<vmem>> -> memref<1x128xi32, #tpu.memory_space<vmem>>
        %dma_start3A_142 = tpu.memref_squeeze %dma_start3A_141 : memref<1x128xi32, #tpu.memory_space<vmem>> -> memref<128xi32, #tpu.memory_space<vmem>>
        %dma_start3A_143 = arith.constant 0 : i32
        %dma_start3A_144 = arith.constant 0 : i32
        %dma_start3A_145 = tpu.memref_slice %arg2[%dma_start3A_143, %dma_start3A_144] : memref<10000x128xi32, #tpu.memory_space<hbm>> -> memref<10000x128xi32, #tpu.memory_space<hbm>>
        tpu.enqueue_indirect_dma source(%dma_start3A_145 : memref<10000x128xi32, #tpu.memory_space<hbm>>) target(%arg7 : memref<128x128xi32, #tpu.memory_space<vmem>>) offsets(%dma_start3A_142 : memref<128xi32, #tpu.memory_space<vmem>>) semaphore(%arg10 : memref<!tpu.dma_semaphore, #tpu.memory_space<semaphore_mem>>)
      } else {
      }
      %mul3A_110 = arith.constant 3 : i32
      %mul3A_111 = arith.muli %mul3A_110, %scan3A_56 : i32
      %add3A_112 = arith.constant 2 : i32
      %add3A_113 = arith.addi %mul3A_111, %add3A_112 : i32
      %dma_wait3A_114 = arith.constant 0 : i32
      %dma_wait3A_115 = tpu.memref_slice %arg5[%add3A_113, %dma_wait3A_114] : memref<40x128xi32, #tpu.memory_space<vmem>> -> memref<1x128xi32, #tpu.memory_space<vmem>>
      %dma_wait3A_116 = tpu.memref_squeeze %dma_wait3A_115 : memref<1x128xi32, #tpu.memory_space<vmem>> -> memref<128xi32, #tpu.memory_space<vmem>>
      %dma_wait3A_117 = arith.constant 0 : i32
      %dma_wait3A_118 = arith.constant 0 : i32
      %dma_wait3A_119 = tpu.memref_slice %arg2[%dma_wait3A_117, %dma_wait3A_118] : memref<10000x128xi32, #tpu.memory_space<hbm>> -> memref<10000x128xi32, #tpu.memory_space<hbm>>
      tpu.wait_indirect_dma semaphore(%arg11 : memref<!tpu.dma_semaphore, #tpu.memory_space<semaphore_mem>>) src(%dma_wait3A_119 : memref<10000x128xi32, #tpu.memory_space<hbm>>) dst(%arg8 : memref<128x128xi32, #tpu.memory_space<vmem>>)
      %mul3A_120 = arith.constant 128 : i32
      %mul3A_121 = arith.muli %add3A_113, %mul3A_120 : i32
      %add3A_122 = arith.addi %mul3A_2, %mul3A_121 : i32
      %dma_start3A_123 = arith.constant 0 : i32
      %dma_start3A_124 = tpu.memref_slice %arg4[%add3A_122, %dma_start3A_123] : memref<160000x128xi32, #tpu.memory_space<hbm>> -> memref<128x128xi32, #tpu.memory_space<hbm>>
      %dma_start3A_125 = arith.constant 0 : i32
      %dma_start3A_126 = tpu.memref_slice %arg4[%add3A_122, %dma_start3A_125] : memref<160000x128xi32, #tpu.memory_space<hbm>> -> memref<128x128xi32, #tpu.memory_space<hbm>>
      tpu.enqueue_dma source(%arg8 : memref<128x128xi32, #tpu.memory_space<vmem>>) target(%dma_start3A_126 : memref<128x128xi32, #tpu.memory_space<hbm>>) target_semaphore(%arg14 : memref<!tpu.dma_semaphore, #tpu.memory_space<semaphore_mem>>)
      %dma_wait3A_127 = arith.constant 0 : i32
      %dma_wait3A_128 = tpu.memref_slice %arg4[%add3A_122, %dma_wait3A_127] : memref<160000x128xi32, #tpu.memory_space<hbm>> -> memref<128x128xi32, #tpu.memory_space<hbm>>
      %dma_wait3A_129 = arith.constant 0 : i32
      %dma_wait3A_130 = tpu.memref_slice %arg4[%add3A_122, %dma_wait3A_129] : memref<160000x128xi32, #tpu.memory_space<hbm>> -> memref<128x128xi32, #tpu.memory_space<hbm>>
      tpu.wait_dma2 semaphore(%arg14 : memref<!tpu.dma_semaphore, #tpu.memory_space<semaphore_mem>>) src(%arg8 : memref<128x128xi32, #tpu.memory_space<vmem>>) dst(%dma_wait3A_130 : memref<128x128xi32, #tpu.memory_space<hbm>>)
      %add3A_131 = arith.constant 3 : i32
      %add3A_132 = arith.addi %add3A_113, %add3A_131 : i32
      %lt3A_133 = arith.constant 40 : i32
      %lt3A_134 = arith.cmpi slt, %add3A_132, %lt3A_133 : i32
      %convert_element_type3A_135 = arith.extui %lt3A_134 : i1 to i32
      %cond3A_136 = arith.constant 0 : i32
      %cond3A_137 = arith.cmpi ne, %convert_element_type3A_135, %cond3A_136 : i32
      scf.if %cond3A_137 {
        %add3A_138 = arith.constant 3 : i32
        %add3A_139 = arith.addi %add3A_113, %add3A_138 : i32
        %dma_start3A_140 = arith.constant 0 : i32
        %dma_start3A_141 = tpu.memref_slice %arg5[%add3A_139, %dma_start3A_140] : memref<40x128xi32, #tpu.memory_space<vmem>> -> memref<1x128xi32, #tpu.memory_space<vmem>>
        %dma_start3A_142 = tpu.memref_squeeze %dma_start3A_141 : memref<1x128xi32, #tpu.memory_space<vmem>> -> memref<128xi32, #tpu.memory_space<vmem>>
        %dma_start3A_143 = arith.constant 0 : i32
        %dma_start3A_144 = arith.constant 0 : i32
        %dma_start3A_145 = tpu.memref_slice %arg2[%dma_start3A_143, %dma_start3A_144] : memref<10000x128xi32, #tpu.memory_space<hbm>> -> memref<10000x128xi32, #tpu.memory_space<hbm>>
        tpu.enqueue_indirect_dma source(%dma_start3A_145 : memref<10000x128xi32, #tpu.memory_space<hbm>>) target(%arg8 : memref<128x128xi32, #tpu.memory_space<vmem>>) offsets(%dma_start3A_142 : memref<128xi32, #tpu.memory_space<vmem>>) semaphore(%arg11 : memref<!tpu.dma_semaphore, #tpu.memory_space<semaphore_mem>>)
      } else {
      }
    }
    %scan3A_27 = arith.constant 13 : i32
    %dma_wait3A = arith.constant 39 : i32
    %dma_wait3A_28 = arith.constant 0 : i32
    %dma_wait3A_29 = tpu.memref_slice %arg5[%dma_wait3A, %dma_wait3A_28] : memref<40x128xi32, #tpu.memory_space<vmem>> -> memref<1x128xi32, #tpu.memory_space<vmem>>
    %dma_wait3A_30 = tpu.memref_squeeze %dma_wait3A_29 : memref<1x128xi32, #tpu.memory_space<vmem>> -> memref<128xi32, #tpu.memory_space<vmem>>
    %dma_wait3A_31 = arith.constant 0 : i32
    %dma_wait3A_32 = arith.constant 0 : i32
    %dma_wait3A_33 = tpu.memref_slice %arg2[%dma_wait3A_31, %dma_wait3A_32] : memref<10000x128xi32, #tpu.memory_space<hbm>> -> memref<10000x128xi32, #tpu.memory_space<hbm>>
    tpu.wait_indirect_dma semaphore(%arg9 : memref<!tpu.dma_semaphore, #tpu.memory_space<semaphore_mem>>) src(%dma_wait3A_33 : memref<10000x128xi32, #tpu.memory_space<hbm>>) dst(%arg6 : memref<128x128xi32, #tpu.memory_space<vmem>>)
    %add3A_34 = arith.constant 4992 : i32
    %add3A_35 = arith.addi %mul3A_2, %add3A_34 : i32
    %dma_start3A_36 = arith.constant 0 : i32
    %dma_start3A_37 = arith.constant 0 : i32
    %dma_start3A_38 = tpu.memref_slice %arg6[%dma_start3A_36, %dma_start3A_37] : memref<128x128xi32, #tpu.memory_space<vmem>> -> memref<8x128xi32, #tpu.memory_space<vmem>>
    %dma_start3A_39 = arith.constant 0 : i32
    %dma_start3A_40 = tpu.memref_slice %arg4[%add3A_35, %dma_start3A_39] : memref<160000x128xi32, #tpu.memory_space<hbm>> -> memref<8x128xi32, #tpu.memory_space<hbm>>
    %dma_start3A_41 = arith.constant 0 : i32
    %dma_start3A_42 = tpu.memref_slice %arg4[%add3A_35, %dma_start3A_41] : memref<160000x128xi32, #tpu.memory_space<hbm>> -> memref<8x128xi32, #tpu.memory_space<hbm>>
    %dma_start3A_43 = arith.constant 0 : i32
    %dma_start3A_44 = arith.constant 0 : i32
    %dma_start3A_45 = tpu.memref_slice %arg6[%dma_start3A_43, %dma_start3A_44] : memref<128x128xi32, #tpu.memory_space<vmem>> -> memref<8x128xi32, #tpu.memory_space<vmem>>
    tpu.enqueue_dma source(%dma_start3A_45 : memref<8x128xi32, #tpu.memory_space<vmem>>) target(%dma_start3A_42 : memref<8x128xi32, #tpu.memory_space<hbm>>) target_semaphore(%arg12 : memref<!tpu.dma_semaphore, #tpu.memory_space<semaphore_mem>>)
    %dma_wait3A_46 = arith.constant 0 : i32
    %dma_wait3A_47 = arith.constant 0 : i32
    %dma_wait3A_48 = tpu.memref_slice %arg6[%dma_wait3A_46, %dma_wait3A_47] : memref<128x128xi32, #tpu.memory_space<vmem>> -> memref<8x128xi32, #tpu.memory_space<vmem>>
    %dma_wait3A_49 = arith.constant 0 : i32
    %dma_wait3A_50 = tpu.memref_slice %arg4[%add3A_35, %dma_wait3A_49] : memref<160000x128xi32, #tpu.memory_space<hbm>> -> memref<8x128xi32, #tpu.memory_space<hbm>>
    %dma_wait3A_51 = arith.constant 0 : i32
    %dma_wait3A_52 = tpu.memref_slice %arg4[%add3A_35, %dma_wait3A_51] : memref<160000x128xi32, #tpu.memory_space<hbm>> -> memref<8x128xi32, #tpu.memory_space<hbm>>
    %dma_wait3A_53 = arith.constant 0 : i32
    %dma_wait3A_54 = arith.constant 0 : i32
    %dma_wait3A_55 = tpu.memref_slice %arg6[%dma_wait3A_53, %dma_wait3A_54] : memref<128x128xi32, #tpu.memory_space<vmem>> -> memref<8x128xi32, #tpu.memory_space<vmem>>
    tpu.wait_dma2 semaphore(%arg12 : memref<!tpu.dma_semaphore, #tpu.memory_space<semaphore_mem>>) src(%dma_wait3A_55 : memref<8x128xi32, #tpu.memory_space<vmem>>) dst(%dma_wait3A_52 : memref<8x128xi32, #tpu.memory_space<hbm>>)
    return
  }
}

module attributes {stable_mosaic.version = 14 : i64} {
  func.func @_stage0_body(%arg0: i32, %arg1: memref<400x16xf32, #tpu.memory_space<vmem>>, %arg2: memref<6400x128xf32, #tpu.memory_space<vmem>>, %arg3: memref<16x64xf32, #tpu.memory_space<vmem>>, %arg4: memref<16x64xf32, #tpu.memory_space<vmem>>, %arg5: memref<16x64xf32, #tpu.memory_space<vmem>>, %arg6: memref<1x64xf32, #tpu.memory_space<vmem>>, %arg7: memref<64x128xf32, #tpu.memory_space<vmem>>, %arg8: memref<1x128xf32, #tpu.memory_space<vmem>>, %arg9: memref<128x256xf32, #tpu.memory_space<vmem>>, %arg10: memref<1x256xf32, #tpu.memory_space<vmem>>, %arg11: memref<256x256xf32, #tpu.memory_space<vmem>>, %arg12: memref<400x256xf32, #tpu.memory_space<vmem>>, %arg13: memref<400x128xi32, #tpu.memory_space<vmem>>, %arg14: memref<6400x16xf32, #tpu.memory_space<vmem>>) attributes {dimension_semantics = [#tpu.dimension_semantics<arbitrary>], iteration_bounds = array<i64: 25>, scalar_prefetch = 0 : i64, scratch_operands = 0 : i64, tpu.core_type = #tpu.core_type<tc>, window_params = [{transform_indices = @transform_0, window_bounds = array<i64: 400, 16>}, {transform_indices = @transform_1, window_bounds = array<i64: 6400, 128>}, {pipeline_mode = #tpu.pipeline_mode<synchronous>, transform_indices = @transform_2, window_bounds = array<i64: 16, 64>}, {pipeline_mode = #tpu.pipeline_mode<synchronous>, transform_indices = @transform_3, window_bounds = array<i64: 16, 64>}, {pipeline_mode = #tpu.pipeline_mode<synchronous>, transform_indices = @transform_4, window_bounds = array<i64: 16, 64>}, {pipeline_mode = #tpu.pipeline_mode<synchronous>, transform_indices = @transform_5, window_bounds = array<i64: 1, 64>}, {pipeline_mode = #tpu.pipeline_mode<synchronous>, transform_indices = @transform_6, window_bounds = array<i64: 64, 128>}, {pipeline_mode = #tpu.pipeline_mode<synchronous>, transform_indices = @transform_7, window_bounds = array<i64: 1, 128>}, {pipeline_mode = #tpu.pipeline_mode<synchronous>, transform_indices = @transform_8, window_bounds = array<i64: 128, 256>}, {pipeline_mode = #tpu.pipeline_mode<synchronous>, transform_indices = @transform_9, window_bounds = array<i64: 1, 256>}, {pipeline_mode = #tpu.pipeline_mode<synchronous>, transform_indices = @transform_10, window_bounds = array<i64: 256, 256>}, {transform_indices = @transform_11, window_bounds = array<i64: 400, 256>}, {transform_indices = @transform_12, window_bounds = array<i64: 400, 128>}, {transform_indices = @transform_13, window_bounds = array<i64: 6400, 16>}]} {
    %get3A = arith.constant 0 : index
    %get3A_0 = arith.constant 0 : index
    %get3A_1 = vector.load %arg2[%get3A, %get3A_0] : memref<6400x128xf32, #tpu.memory_space<vmem>>, vector<6400x16xf32>
    %swap3A = arith.constant 0 : index
    %swap3A_2 = arith.constant 0 : index
    %swap3A_3 = vector.load %arg14[%swap3A, %swap3A_2] : memref<6400x16xf32, #tpu.memory_space<vmem>>, vector<6400x16xf32>
    tpu.vector_store %arg14[%swap3A, %swap3A_2], %get3A_1 {strides = array<i32>} : memref<6400x16xf32, #tpu.memory_space<vmem>>, vector<6400x16xf32>,
    %get3A_4 = arith.constant 0 : index
    %get3A_5 = arith.constant 0 : index
    %get3A_6 = vector.load %arg1[%get3A_4, %get3A_5] : memref<400x16xf32, #tpu.memory_space<vmem>>, vector<400x16xf32>
    %reshape3A = vector.shape_cast %get3A_1 : vector<6400x16xf32> to vector<400x16x16xf32>
    %broadcast_in_dim3A = vector.shape_cast %get3A_6 : vector<400x16xf32> to vector<400x1x16xf32>
    %sub3A = vector.broadcast %broadcast_in_dim3A : vector<400x1x16xf32> to vector<400x16x16xf32>
    %sub3A_7 = arith.subf %reshape3A, %sub3A : vector<400x16x16xf32>
    %reshape3A_8 = vector.shape_cast %sub3A_7 : vector<400x16x16xf32> to vector<6400x16xf32>
    %abs3A = math.absf %reshape3A_8 : vector<6400x16xf32>
    %get3A_9 = arith.constant 0 : index
    %get3A_10 = arith.constant 0 : index
    %get3A_11 = vector.load %arg3[%get3A_9, %get3A_10] : memref<16x64xf32, #tpu.memory_space<vmem>>, vector<16x64xf32>
    %dot_general3A = arith.constant dense<0.000000e+00> : vector<6400x64xf32>
    %dot_general3A_12 = tpu.matmul %get3A_1, %get3A_11, %dot_general3A {dimension_numbers = #tpu.dot_dimension_numbers<[1], [0], [0], [1], [0, 0, 1, 1], [], []>, transpose_lhs_hint = false} : vector<6400x16xf32>, vector<16x64xf32>, vector<6400x64xf32> -> vector<6400x64xf32>
    %get3A_13 = arith.constant 0 : index
    %get3A_14 = arith.constant 0 : index
    %get3A_15 = vector.load %arg4[%get3A_13, %get3A_14] : memref<16x64xf32, #tpu.memory_space<vmem>>, vector<16x64xf32>
    %dot_general3A_16 = arith.constant dense<0.000000e+00> : vector<6400x64xf32>
    %dot_general3A_17 = tpu.matmul %reshape3A_8, %get3A_15, %dot_general3A_16 {dimension_numbers = #tpu.dot_dimension_numbers<[1], [0], [0], [1], [0, 0, 1, 1], [], []>, transpose_lhs_hint = false} : vector<6400x16xf32>, vector<16x64xf32>, vector<6400x64xf32> -> vector<6400x64xf32>
    %add3A = arith.addf %dot_general3A_12, %dot_general3A_17 : vector<6400x64xf32>
    %get3A_18 = arith.constant 0 : index
    %get3A_19 = arith.constant 0 : index
    %get3A_20 = vector.load %arg5[%get3A_18, %get3A_19] : memref<16x64xf32, #tpu.memory_space<vmem>>, vector<16x64xf32>
    %dot_general3A_21 = arith.constant dense<0.000000e+00> : vector<6400x64xf32>
    %dot_general3A_22 = tpu.matmul %abs3A, %get3A_20, %dot_general3A_21 {dimension_numbers = #tpu.dot_dimension_numbers<[1], [0], [0], [1], [0, 0, 1, 1], [], []>, transpose_lhs_hint = false} : vector<6400x16xf32>, vector<16x64xf32>, vector<6400x64xf32> -> vector<6400x64xf32>
    %add3A_23 = arith.addf %add3A, %dot_general3A_22 : vector<6400x64xf32>
    %get3A_24 = arith.constant 0 : index
    %get3A_25 = arith.constant 0 : index
    %get3A_26 = vector.load %arg6[%get3A_24, %get3A_25] : memref<1x64xf32, #tpu.memory_space<vmem>>, vector<1x64xf32>
    %add3A_27 = vector.broadcast %get3A_26 : vector<1x64xf32> to vector<6400x64xf32>
    %add3A_28 = arith.addf %add3A_23, %add3A_27 : vector<6400x64xf32>
    %max3A = arith.constant 0.000000e+00 : f32
    %max3A_29 = vector.broadcast %max3A : f32 to vector<6400x64xf32>
    %max3A_30 = arith.maximumf %add3A_28, %max3A_29 : vector<6400x64xf32>
    %get3A_31 = arith.constant 0 : index
    %get3A_32 = arith.constant 0 : index
    %get3A_33 = vector.load %arg7[%get3A_31, %get3A_32] : memref<64x128xf32, #tpu.memory_space<vmem>>, vector<64x128xf32>
    %dot_general3A_34 = arith.constant dense<0.000000e+00> : vector<6400x128xf32>
    %dot_general3A_35 = tpu.matmul %max3A_30, %get3A_33, %dot_general3A_34 {dimension_numbers = #tpu.dot_dimension_numbers<[1], [0], [0], [1], [0, 0, 1, 1], [], []>, transpose_lhs_hint = false} : vector<6400x64xf32>, vector<64x128xf32>, vector<6400x128xf32> -> vector<6400x128xf32>
    %get3A_36 = arith.constant 0 : index
    %get3A_37 = arith.constant 0 : index
    %get3A_38 = vector.load %arg8[%get3A_36, %get3A_37] : memref<1x128xf32, #tpu.memory_space<vmem>>, vector<1x128xf32>
    %add3A_39 = vector.broadcast %get3A_38 : vector<1x128xf32> to vector<6400x128xf32>
    %add3A_40 = arith.addf %dot_general3A_35, %add3A_39 : vector<6400x128xf32>
    %max3A_41 = arith.constant 0.000000e+00 : f32
    %max3A_42 = vector.broadcast %max3A_41 : f32 to vector<6400x128xf32>
    %max3A_43 = arith.maximumf %add3A_40, %max3A_42 : vector<6400x128xf32>
    %get3A_44 = arith.constant 0 : index
    %get3A_45 = arith.constant 0 : index
    %get3A_46 = vector.load %arg9[%get3A_44, %get3A_45] : memref<128x256xf32, #tpu.memory_space<vmem>>, vector<128x256xf32>
    %dot_general3A_47 = arith.constant dense<0.000000e+00> : vector<6400x256xf32>
    %dot_general3A_48 = tpu.matmul %max3A_43, %get3A_46, %dot_general3A_47 {dimension_numbers = #tpu.dot_dimension_numbers<[1], [0], [0], [1], [0, 0, 1, 1], [], []>, transpose_lhs_hint = false} : vector<6400x128xf32>, vector<128x256xf32>, vector<6400x256xf32> -> vector<6400x256xf32>
    %get3A_49 = arith.constant 0 : index
    %get3A_50 = arith.constant 0 : index
    %get3A_51 = vector.load %arg10[%get3A_49, %get3A_50] : memref<1x256xf32, #tpu.memory_space<vmem>>, vector<1x256xf32>
    %add3A_52 = vector.broadcast %get3A_51 : vector<1x256xf32> to vector<6400x256xf32>
    %add3A_53 = arith.addf %dot_general3A_48, %add3A_52 : vector<6400x256xf32>
    %max3A_54 = arith.constant 0.000000e+00 : f32
    %max3A_55 = vector.broadcast %max3A_54 : f32 to vector<6400x256xf32>
    %max3A_56 = arith.maximumf %add3A_53, %max3A_55 : vector<6400x256xf32>
    %reshape3A_57 = vector.shape_cast %max3A_56 : vector<6400x256xf32> to vector<400x16x256xf32>
    %reduce_sum3A = arith.constant dense<0.000000e+00> : vector<400x256xf32>
    %reduce_sum3A_58 = vector.multi_reduction <add>, %reshape3A_57, %reduce_sum3A [1] : vector<400x16x256xf32> to vector<400x256xf32>
    %gt3A = arith.constant 0.000000e+00 : f32
    %gt3A_59 = vector.broadcast %gt3A : f32 to vector<400x256xf32>
    %gt3A_60 = arith.cmpf ogt, %reduce_sum3A_58, %gt3A_59 : vector<400x256xf32>
    %min3A = arith.constant 0.000000e+00 : f32
    %min3A_61 = vector.broadcast %min3A : f32 to vector<400x256xf32>
    %min3A_62 = arith.minimumf %reduce_sum3A_58, %min3A_61 : vector<400x256xf32>
    %exp3A = math.exp %min3A_62 : vector<400x256xf32>
    %sub3A_63 = arith.constant 1.000000e+00 : f32
    %sub3A_64 = vector.broadcast %sub3A_63 : f32 to vector<400x256xf32>
    %sub3A_65 = arith.subf %exp3A, %sub3A_64 : vector<400x256xf32>
    %select_n3A = arith.select %gt3A_60, %reduce_sum3A_58, %sub3A_65 : vector<400x256xi1>, vector<400x256xf32>
    %swap3A_66 = arith.constant 0 : index
    %swap3A_67 = arith.constant 0 : index
    %swap3A_68 = vector.load %arg12[%swap3A_66, %swap3A_67] : memref<400x256xf32, #tpu.memory_space<vmem>>, vector<400x256xf32>
    tpu.vector_store %arg12[%swap3A_66, %swap3A_67], %select_n3A {strides = array<i32>} : memref<400x256xf32, #tpu.memory_space<vmem>>, vector<400x256xf32>,
    %get3A_69 = arith.constant 0 : index
    %get3A_70 = arith.constant 0 : index
    %get3A_71 = vector.load %arg11[%get3A_69, %get3A_70] : memref<256x256xf32, #tpu.memory_space<vmem>>, vector<256x256xf32>
    %dot_general3A_72 = arith.constant dense<0.000000e+00> : vector<400x256xf32>
    %dot_general3A_73 = tpu.matmul %select_n3A, %get3A_71, %dot_general3A_72 {dimension_numbers = #tpu.dot_dimension_numbers<[1], [0], [0], [1], [0, 0, 1, 1], [], []>, transpose_lhs_hint = false} : vector<400x256xf32>, vector<256x256xf32>, vector<400x256xf32> -> vector<400x256xf32>
    %slice3A = vector.extract_strided_slice %dot_general3A_73 {offsets = [0, 0], sizes = [400, 128], strides = [1, 1]} : vector<400x256xf32> to vector<400x128xf32>
    %bitcast_convert_type3A = tpu.bitcast %slice3A : vector<400x128xf32> -> vector<400x128xi32>
    %shift_right_logical3A = arith.constant 16 : i32
    %shift_right_logical3A_74 = vector.broadcast %shift_right_logical3A : i32 to vector<400x128xi32>
    %shift_right_logical3A_75 = arith.shrui %bitcast_convert_type3A, %shift_right_logical3A_74 : vector<400x128xi32>
    %and3A = arith.constant 1 : i32
    %and3A_76 = vector.broadcast %and3A : i32 to vector<400x128xi32>
    %and3A_77 = arith.andi %shift_right_logical3A_75, %and3A_76 : vector<400x128xi32>
    %add3A_78 = arith.constant 32767 : i32
    %add3A_79 = vector.broadcast %add3A_78 : i32 to vector<400x128xi32>
    %add3A_80 = arith.addi %bitcast_convert_type3A, %add3A_79 : vector<400x128xi32>
    %add3A_81 = arith.addi %add3A_80, %and3A_77 : vector<400x128xi32>
    %shift_right_logical3A_82 = arith.constant 16 : i32
    %shift_right_logical3A_83 = vector.broadcast %shift_right_logical3A_82 : i32 to vector<400x128xi32>
    %shift_right_logical3A_84 = arith.shrui %add3A_81, %shift_right_logical3A_83 : vector<400x128xi32>
    %slice3A_85 = vector.extract_strided_slice %dot_general3A_73 {offsets = [0, 128], sizes = [400, 128], strides = [1, 1]} : vector<400x256xf32> to vector<400x128xf32>
    %bitcast_convert_type3A_86 = tpu.bitcast %slice3A_85 : vector<400x128xf32> -> vector<400x128xi32>
    %shift_right_logical3A_87 = arith.constant 16 : i32
    %shift_right_logical3A_88 = vector.broadcast %shift_right_logical3A_87 : i32 to vector<400x128xi32>
    %shift_right_logical3A_89 = arith.shrui %bitcast_convert_type3A_86, %shift_right_logical3A_88 : vector<400x128xi32>
    %and3A_90 = arith.constant 1 : i32
    %and3A_91 = vector.broadcast %and3A_90 : i32 to vector<400x128xi32>
    %and3A_92 = arith.andi %shift_right_logical3A_89, %and3A_91 : vector<400x128xi32>
    %add3A_93 = arith.constant 32767 : i32
    %add3A_94 = vector.broadcast %add3A_93 : i32 to vector<400x128xi32>
    %add3A_95 = arith.addi %bitcast_convert_type3A_86, %add3A_94 : vector<400x128xi32>
    %add3A_96 = arith.addi %add3A_95, %and3A_92 : vector<400x128xi32>
    %shift_right_logical3A_97 = arith.constant 16 : i32
    %shift_right_logical3A_98 = vector.broadcast %shift_right_logical3A_97 : i32 to vector<400x128xi32>
    %shift_right_logical3A_99 = arith.shrui %add3A_96, %shift_right_logical3A_98 : vector<400x128xi32>
    %shift_left3A = arith.constant 16 : i32
    %shift_left3A_100 = vector.broadcast %shift_left3A : i32 to vector<400x128xi32>
    %shift_left3A_101 = arith.shli %shift_right_logical3A_99, %shift_left3A_100 : vector<400x128xi32>
    %or3A = arith.ori %shift_right_logical3A_84, %shift_left3A_101 : vector<400x128xi32>
    %swap3A_102 = arith.constant 0 : index
    %swap3A_103 = arith.constant 0 : index
    %swap3A_104 = vector.load %arg13[%swap3A_102, %swap3A_103] : memref<400x128xi32, #tpu.memory_space<vmem>>, vector<400x128xi32>
    tpu.vector_store %arg13[%swap3A_102, %swap3A_103], %or3A {strides = array<i32>} : memref<400x128xi32, #tpu.memory_space<vmem>>, vector<400x128xi32>,
    return
  }
  func.func @transform_0(%arg0: i32) -> (i32, i32) {
    %c0_i32 = arith.constant 0 : i32
    %c0_i32_0 = arith.constant 0 : i32
    return %arg0, %c0_i32 : i32, i32
  }
  func.func @transform_1(%arg0: i32) -> (i32, i32) {
    %c0_i32 = arith.constant 0 : i32
    %c0_i32_0 = arith.constant 0 : i32
    return %arg0, %c0_i32 : i32, i32
  }
  func.func @transform_2(%arg0: i32) -> (i32, i32) {
    %c0_i32 = arith.constant 0 : i32
    %c0_i32_0 = arith.constant 0 : i32
    %c0_i32_1 = arith.constant 0 : i32
    return %c0_i32, %c0_i32_0 : i32, i32
  }
  func.func @transform_3(%arg0: i32) -> (i32, i32) {
    %c0_i32 = arith.constant 0 : i32
    %c0_i32_0 = arith.constant 0 : i32
    %c0_i32_1 = arith.constant 0 : i32
    return %c0_i32, %c0_i32_0 : i32, i32
  }
  func.func @transform_4(%arg0: i32) -> (i32, i32) {
    %c0_i32 = arith.constant 0 : i32
    %c0_i32_0 = arith.constant 0 : i32
    %c0_i32_1 = arith.constant 0 : i32
    return %c0_i32, %c0_i32_0 : i32, i32
  }
  func.func @transform_5(%arg0: i32) -> (i32, i32) {
    %c0_i32 = arith.constant 0 : i32
    %c0_i32_0 = arith.constant 0 : i32
    %c0_i32_1 = arith.constant 0 : i32
    return %c0_i32, %c0_i32_0 : i32, i32
  }
  func.func @transform_6(%arg0: i32) -> (i32, i32) {
    %c0_i32 = arith.constant 0 : i32
    %c0_i32_0 = arith.constant 0 : i32
    %c0_i32_1 = arith.constant 0 : i32
    return %c0_i32, %c0_i32_0 : i32, i32
  }
  func.func @transform_7(%arg0: i32) -> (i32, i32) {
    %c0_i32 = arith.constant 0 : i32
    %c0_i32_0 = arith.constant 0 : i32
    %c0_i32_1 = arith.constant 0 : i32
    return %c0_i32, %c0_i32_0 : i32, i32
  }
  func.func @transform_8(%arg0: i32) -> (i32, i32) {
    %c0_i32 = arith.constant 0 : i32
    %c0_i32_0 = arith.constant 0 : i32
    %c0_i32_1 = arith.constant 0 : i32
    return %c0_i32, %c0_i32_0 : i32, i32
  }
  func.func @transform_9(%arg0: i32) -> (i32, i32) {
    %c0_i32 = arith.constant 0 : i32
    %c0_i32_0 = arith.constant 0 : i32
    %c0_i32_1 = arith.constant 0 : i32
    return %c0_i32, %c0_i32_0 : i32, i32
  }
  func.func @transform_10(%arg0: i32) -> (i32, i32) {
    %c0_i32 = arith.constant 0 : i32
    %c0_i32_0 = arith.constant 0 : i32
    %c0_i32_1 = arith.constant 0 : i32
    return %c0_i32, %c0_i32_0 : i32, i32
  }
  func.func @transform_11(%arg0: i32) -> (i32, i32) {
    %c0_i32 = arith.constant 0 : i32
    %c0_i32_0 = arith.constant 0 : i32
    return %arg0, %c0_i32 : i32, i32
  }
  func.func @transform_12(%arg0: i32) -> (i32, i32) {
    %c0_i32 = arith.constant 0 : i32
    %c0_i32_0 = arith.constant 0 : i32
    return %arg0, %c0_i32 : i32, i32
  }
  func.func @transform_13(%arg0: i32) -> (i32, i32) {
    %c0_i32 = arith.constant 0 : i32
    %c0_i32_0 = arith.constant 0 : i32
    return %arg0, %c0_i32 : i32, i32
  }
}

module attributes {stable_mosaic.version = 14 : i64} {
  func.func @_stage_body(%arg0: i32, %arg1: memref<6400x128xi32, #tpu.memory_space<vmem>>, %arg2: memref<6400x16xf32, #tpu.memory_space<vmem>>, %arg3: memref<400x16xf32, #tpu.memory_space<vmem>>, %arg4: memref<400x256xf32, #tpu.memory_space<vmem>>, %arg5: memref<16x256xf32, #tpu.memory_space<vmem>>, %arg6: memref<16x256xf32, #tpu.memory_space<vmem>>, %arg7: memref<16x256xf32, #tpu.memory_space<vmem>>, %arg8: memref<1x256xf32, #tpu.memory_space<vmem>>, %arg9: memref<400x256xf32, #tpu.memory_space<vmem>>) attributes {dimension_semantics = [#tpu.dimension_semantics<arbitrary>], iteration_bounds = array<i64: 25>, scalar_prefetch = 0 : i64, scratch_operands = 0 : i64, tpu.core_type = #tpu.core_type<tc>, window_params = [{transform_indices = @transform_0, window_bounds = array<i64: 6400, 128>}, {transform_indices = @transform_1, window_bounds = array<i64: 6400, 16>}, {transform_indices = @transform_2, window_bounds = array<i64: 400, 16>}, {transform_indices = @transform_3, window_bounds = array<i64: 400, 256>}, {pipeline_mode = #tpu.pipeline_mode<synchronous>, transform_indices = @transform_4, window_bounds = array<i64: 16, 256>}, {pipeline_mode = #tpu.pipeline_mode<synchronous>, transform_indices = @transform_5, window_bounds = array<i64: 16, 256>}, {pipeline_mode = #tpu.pipeline_mode<synchronous>, transform_indices = @transform_6, window_bounds = array<i64: 16, 256>}, {pipeline_mode = #tpu.pipeline_mode<synchronous>, transform_indices = @transform_7, window_bounds = array<i64: 1, 256>}, {transform_indices = @transform_8, window_bounds = array<i64: 400, 256>}]} {
    %get3A = arith.constant 0 : index
    %get3A_0 = arith.constant 0 : index
    %get3A_1 = vector.load %arg2[%get3A, %get3A_0] : memref<6400x16xf32, #tpu.memory_space<vmem>>, vector<6400x16xf32>
    %get3A_2 = arith.constant 0 : index
    %get3A_3 = arith.constant 0 : index
    %get3A_4 = vector.load %arg3[%get3A_2, %get3A_3] : memref<400x16xf32, #tpu.memory_space<vmem>>, vector<400x16xf32>
    %reshape3A = vector.shape_cast %get3A_1 : vector<6400x16xf32> to vector<400x16x16xf32>
    %broadcast_in_dim3A = vector.shape_cast %get3A_4 : vector<400x16xf32> to vector<400x1x16xf32>
    %sub3A = vector.broadcast %broadcast_in_dim3A : vector<400x1x16xf32> to vector<400x16x16xf32>
    %sub3A_5 = arith.subf %reshape3A, %sub3A : vector<400x16x16xf32>
    %reshape3A_6 = vector.shape_cast %sub3A_5 : vector<400x16x16xf32> to vector<6400x16xf32>
    %abs3A = math.absf %reshape3A_6 : vector<6400x16xf32>
    %get3A_7 = arith.constant 0 : index
    %get3A_8 = arith.constant 0 : index
    %get3A_9 = vector.load %arg5[%get3A_7, %get3A_8] : memref<16x256xf32, #tpu.memory_space<vmem>>, vector<16x256xf32>
    %dot_general3A = arith.constant dense<0.000000e+00> : vector<6400x256xf32>
    %dot_general3A_10 = tpu.matmul %get3A_1, %get3A_9, %dot_general3A {dimension_numbers = #tpu.dot_dimension_numbers<[1], [0], [0], [1], [0, 0, 1, 1], [], []>, transpose_lhs_hint = false} : vector<6400x16xf32>, vector<16x256xf32>, vector<6400x256xf32> -> vector<6400x256xf32>
    %get3A_11 = arith.constant 0 : index
    %get3A_12 = arith.constant 0 : index
    %get3A_13 = vector.load %arg6[%get3A_11, %get3A_12] : memref<16x256xf32, #tpu.memory_space<vmem>>, vector<16x256xf32>
    %dot_general3A_14 = arith.constant dense<0.000000e+00> : vector<6400x256xf32>
    %dot_general3A_15 = tpu.matmul %reshape3A_6, %get3A_13, %dot_general3A_14 {dimension_numbers = #tpu.dot_dimension_numbers<[1], [0], [0], [1], [0, 0, 1, 1], [], []>, transpose_lhs_hint = false} : vector<6400x16xf32>, vector<16x256xf32>, vector<6400x256xf32> -> vector<6400x256xf32>
    %add3A = arith.addf %dot_general3A_10, %dot_general3A_15 : vector<6400x256xf32>
    %get3A_16 = arith.constant 0 : index
    %get3A_17 = arith.constant 0 : index
    %get3A_18 = vector.load %arg7[%get3A_16, %get3A_17] : memref<16x256xf32, #tpu.memory_space<vmem>>, vector<16x256xf32>
    %dot_general3A_19 = arith.constant dense<0.000000e+00> : vector<6400x256xf32>
    %dot_general3A_20 = tpu.matmul %abs3A, %get3A_18, %dot_general3A_19 {dimension_numbers = #tpu.dot_dimension_numbers<[1], [0], [0], [1], [0, 0, 1, 1], [], []>, transpose_lhs_hint = false} : vector<6400x16xf32>, vector<16x256xf32>, vector<6400x256xf32> -> vector<6400x256xf32>
    %add3A_21 = arith.addf %add3A, %dot_general3A_20 : vector<6400x256xf32>
    %get3A_22 = arith.constant 0 : index
    %get3A_23 = arith.constant 0 : index
    %get3A_24 = vector.load %arg8[%get3A_22, %get3A_23] : memref<1x256xf32, #tpu.memory_space<vmem>>, vector<1x256xf32>
    %add3A_25 = vector.broadcast %get3A_24 : vector<1x256xf32> to vector<6400x256xf32>
    %add3A_26 = arith.addf %add3A_21, %add3A_25 : vector<6400x256xf32>
    %get3A_27 = arith.constant 0 : index
    %get3A_28 = arith.constant 0 : index
    %get3A_29 = vector.load %arg1[%get3A_27, %get3A_28] : memref<6400x128xi32, #tpu.memory_space<vmem>>, vector<6400x128xi32>
    %shift_left3A = arith.constant 16 : i32
    %shift_left3A_30 = vector.broadcast %shift_left3A : i32 to vector<6400x128xi32>
    %shift_left3A_31 = arith.shli %get3A_29, %shift_left3A_30 : vector<6400x128xi32>
    %bitcast_convert_type3A = tpu.bitcast %shift_left3A_31 : vector<6400x128xi32> -> vector<6400x128xf32>
    %and3A = arith.constant -65536 : i32
    %and3A_32 = vector.broadcast %and3A : i32 to vector<6400x128xi32>
    %and3A_33 = arith.andi %get3A_29, %and3A_32 : vector<6400x128xi32>
    %bitcast_convert_type3A_34 = tpu.bitcast %and3A_33 : vector<6400x128xi32> -> vector<6400x128xf32>
    %slice3A = vector.extract_strided_slice %add3A_26 {offsets = [0, 0], sizes = [6400, 128], strides = [1, 1]} : vector<6400x256xf32> to vector<6400x128xf32>
    %add3A_35 = arith.addf %bitcast_convert_type3A, %slice3A : vector<6400x128xf32>
    %max3A = arith.constant 0.000000e+00 : f32
    %max3A_36 = vector.broadcast %max3A : f32 to vector<6400x128xf32>
    %max3A_37 = arith.maximumf %add3A_35, %max3A_36 : vector<6400x128xf32>
    %slice3A_38 = vector.extract_strided_slice %add3A_26 {offsets = [0, 128], sizes = [6400, 128], strides = [1, 1]} : vector<6400x256xf32> to vector<6400x128xf32>
    %add3A_39 = arith.addf %bitcast_convert_type3A_34, %slice3A_38 : vector<6400x128xf32>
    %max3A_40 = arith.constant 0.000000e+00 : f32
    %max3A_41 = vector.broadcast %max3A_40 : f32 to vector<6400x128xf32>
    %max3A_42 = arith.maximumf %add3A_39, %max3A_41 : vector<6400x128xf32>
    %reshape3A_43 = vector.shape_cast %max3A_37 : vector<6400x128xf32> to vector<400x16x128xf32>
    %reduce_sum3A = arith.constant dense<0.000000e+00> : vector<400x128xf32>
    %reduce_sum3A_44 = vector.multi_reduction <add>, %reshape3A_43, %reduce_sum3A [1] : vector<400x16x128xf32> to vector<400x128xf32>
    %reshape3A_45 = vector.shape_cast %max3A_42 : vector<6400x128xf32> to vector<400x16x128xf32>
    %reduce_sum3A_46 = arith.constant dense<0.000000e+00> : vector<400x128xf32>
    %reduce_sum3A_47 = vector.multi_reduction <add>, %reshape3A_45, %reduce_sum3A_46 [1] : vector<400x16x128xf32> to vector<400x128xf32>
    %concatenate3A = tpu.concatenate %reduce_sum3A_44, %reduce_sum3A_47 in 1 : vector<400x128xf32>, vector<400x128xf32> -> vector<400x256xf32>
    %gt3A = arith.constant 0.000000e+00 : f32
    %gt3A_48 = vector.broadcast %gt3A : f32 to vector<400x256xf32>
    %gt3A_49 = arith.cmpf ogt, %concatenate3A, %gt3A_48 : vector<400x256xf32>
    %min3A = arith.constant 0.000000e+00 : f32
    %min3A_50 = vector.broadcast %min3A : f32 to vector<400x256xf32>
    %min3A_51 = arith.minimumf %concatenate3A, %min3A_50 : vector<400x256xf32>
    %exp3A = math.exp %min3A_51 : vector<400x256xf32>
    %sub3A_52 = arith.constant 1.000000e+00 : f32
    %sub3A_53 = vector.broadcast %sub3A_52 : f32 to vector<400x256xf32>
    %sub3A_54 = arith.subf %exp3A, %sub3A_53 : vector<400x256xf32>
    %select_n3A = arith.select %gt3A_49, %concatenate3A, %sub3A_54 : vector<400x256xi1>, vector<400x256xf32>
    %get3A_55 = arith.constant 0 : index
    %get3A_56 = arith.constant 0 : index
    %get3A_57 = vector.load %arg4[%get3A_55, %get3A_56] : memref<400x256xf32, #tpu.memory_space<vmem>>, vector<400x256xf32>
    %add3A_58 = arith.addf %select_n3A, %get3A_57 : vector<400x256xf32>
    %swap3A = arith.constant 0 : index
    %swap3A_59 = arith.constant 0 : index
    %swap3A_60 = vector.load %arg9[%swap3A, %swap3A_59] : memref<400x256xf32, #tpu.memory_space<vmem>>, vector<400x256xf32>
    tpu.vector_store %arg9[%swap3A, %swap3A_59], %add3A_58 {strides = array<i32>} : memref<400x256xf32, #tpu.memory_space<vmem>>, vector<400x256xf32>,
    return
  }
  func.func @transform_0(%arg0: i32) -> (i32, i32) {
    %c0_i32 = arith.constant 0 : i32
    %c0_i32_0 = arith.constant 0 : i32
    return %arg0, %c0_i32 : i32, i32
  }
  func.func @transform_1(%arg0: i32) -> (i32, i32) {
    %c0_i32 = arith.constant 0 : i32
    %c0_i32_0 = arith.constant 0 : i32
    return %arg0, %c0_i32 : i32, i32
  }
  func.func @transform_2(%arg0: i32) -> (i32, i32) {
    %c0_i32 = arith.constant 0 : i32
    %c0_i32_0 = arith.constant 0 : i32
    return %arg0, %c0_i32 : i32, i32
  }
  func.func @transform_3(%arg0: i32) -> (i32, i32) {
    %c0_i32 = arith.constant 0 : i32
    %c0_i32_0 = arith.constant 0 : i32
    return %arg0, %c0_i32 : i32, i32
  }
  func.func @transform_4(%arg0: i32) -> (i32, i32) {
    %c0_i32 = arith.constant 0 : i32
    %c0_i32_0 = arith.constant 0 : i32
    %c0_i32_1 = arith.constant 0 : i32
    return %c0_i32, %c0_i32_0 : i32, i32
  }
  func.func @transform_5(%arg0: i32) -> (i32, i32) {
    %c0_i32 = arith.constant 0 : i32
    %c0_i32_0 = arith.constant 0 : i32
    %c0_i32_1 = arith.constant 0 : i32
    return %c0_i32, %c0_i32_0 : i32, i32
  }
  func.func @transform_6(%arg0: i32) -> (i32, i32) {
    %c0_i32 = arith.constant 0 : i32
    %c0_i32_0 = arith.constant 0 : i32
    %c0_i32_1 = arith.constant 0 : i32
    return %c0_i32, %c0_i32_0 : i32, i32
  }
  func.func @transform_7(%arg0: i32) -> (i32, i32) {
    %c0_i32 = arith.constant 0 : i32
    %c0_i32_0 = arith.constant 0 : i32
    %c0_i32_1 = arith.constant 0 : i32
    return %c0_i32, %c0_i32_0 : i32, i32
  }
  func.func @transform_8(%arg0: i32) -> (i32, i32) {
    %c0_i32 = arith.constant 0 : i32
    %c0_i32_0 = arith.constant 0 : i32
    return %arg0, %c0_i32 : i32, i32
  }
}

module attributes {stable_mosaic.version = 14 : i64} {
  func.func @_stage_body(%arg0: i32, %arg1: memref<6400x128xi32, #tpu.memory_space<vmem>>, %arg2: memref<6400x16xf32, #tpu.memory_space<vmem>>, %arg3: memref<400x16xf32, #tpu.memory_space<vmem>>, %arg4: memref<400x256xf32, #tpu.memory_space<vmem>>, %arg5: memref<16x256xf32, #tpu.memory_space<vmem>>, %arg6: memref<16x256xf32, #tpu.memory_space<vmem>>, %arg7: memref<16x256xf32, #tpu.memory_space<vmem>>, %arg8: memref<1x256xf32, #tpu.memory_space<vmem>>, %arg9: memref<256x256xf32, #tpu.memory_space<vmem>>, %arg10: memref<400x256xf32, #tpu.memory_space<vmem>>, %arg11: memref<400x128xi32, #tpu.memory_space<vmem>>) attributes {dimension_semantics = [#tpu.dimension_semantics<arbitrary>], iteration_bounds = array<i64: 25>, scalar_prefetch = 0 : i64, scratch_operands = 0 : i64, tpu.core_type = #tpu.core_type<tc>, window_params = [{transform_indices = @transform_0, window_bounds = array<i64: 6400, 128>}, {transform_indices = @transform_1, window_bounds = array<i64: 6400, 16>}, {transform_indices = @transform_2, window_bounds = array<i64: 400, 16>}, {transform_indices = @transform_3, window_bounds = array<i64: 400, 256>}, {pipeline_mode = #tpu.pipeline_mode<synchronous>, transform_indices = @transform_4, window_bounds = array<i64: 16, 256>}, {pipeline_mode = #tpu.pipeline_mode<synchronous>, transform_indices = @transform_5, window_bounds = array<i64: 16, 256>}, {pipeline_mode = #tpu.pipeline_mode<synchronous>, transform_indices = @transform_6, window_bounds = array<i64: 16, 256>}, {pipeline_mode = #tpu.pipeline_mode<synchronous>, transform_indices = @transform_7, window_bounds = array<i64: 1, 256>}, {pipeline_mode = #tpu.pipeline_mode<synchronous>, transform_indices = @transform_8, window_bounds = array<i64: 256, 256>}, {transform_indices = @transform_9, window_bounds = array<i64: 400, 256>}, {transform_indices = @transform_10, window_bounds = array<i64: 400, 128>}]} {
    %get3A = arith.constant 0 : index
    %get3A_0 = arith.constant 0 : index
    %get3A_1 = vector.load %arg2[%get3A, %get3A_0] : memref<6400x16xf32, #tpu.memory_space<vmem>>, vector<6400x16xf32>
    %get3A_2 = arith.constant 0 : index
    %get3A_3 = arith.constant 0 : index
    %get3A_4 = vector.load %arg3[%get3A_2, %get3A_3] : memref<400x16xf32, #tpu.memory_space<vmem>>, vector<400x16xf32>
    %reshape3A = vector.shape_cast %get3A_1 : vector<6400x16xf32> to vector<400x16x16xf32>
    %broadcast_in_dim3A = vector.shape_cast %get3A_4 : vector<400x16xf32> to vector<400x1x16xf32>
    %sub3A = vector.broadcast %broadcast_in_dim3A : vector<400x1x16xf32> to vector<400x16x16xf32>
    %sub3A_5 = arith.subf %reshape3A, %sub3A : vector<400x16x16xf32>
    %reshape3A_6 = vector.shape_cast %sub3A_5 : vector<400x16x16xf32> to vector<6400x16xf32>
    %abs3A = math.absf %reshape3A_6 : vector<6400x16xf32>
    %get3A_7 = arith.constant 0 : index
    %get3A_8 = arith.constant 0 : index
    %get3A_9 = vector.load %arg5[%get3A_7, %get3A_8] : memref<16x256xf32, #tpu.memory_space<vmem>>, vector<16x256xf32>
    %dot_general3A = arith.constant dense<0.000000e+00> : vector<6400x256xf32>
    %dot_general3A_10 = tpu.matmul %get3A_1, %get3A_9, %dot_general3A {dimension_numbers = #tpu.dot_dimension_numbers<[1], [0], [0], [1], [0, 0, 1, 1], [], []>, transpose_lhs_hint = false} : vector<6400x16xf32>, vector<16x256xf32>, vector<6400x256xf32> -> vector<6400x256xf32>
    %get3A_11 = arith.constant 0 : index
    %get3A_12 = arith.constant 0 : index
    %get3A_13 = vector.load %arg6[%get3A_11, %get3A_12] : memref<16x256xf32, #tpu.memory_space<vmem>>, vector<16x256xf32>
    %dot_general3A_14 = arith.constant dense<0.000000e+00> : vector<6400x256xf32>
    %dot_general3A_15 = tpu.matmul %reshape3A_6, %get3A_13, %dot_general3A_14 {dimension_numbers = #tpu.dot_dimension_numbers<[1], [0], [0], [1], [0, 0, 1, 1], [], []>, transpose_lhs_hint = false} : vector<6400x16xf32>, vector<16x256xf32>, vector<6400x256xf32> -> vector<6400x256xf32>
    %add3A = arith.addf %dot_general3A_10, %dot_general3A_15 : vector<6400x256xf32>
    %get3A_16 = arith.constant 0 : index
    %get3A_17 = arith.constant 0 : index
    %get3A_18 = vector.load %arg7[%get3A_16, %get3A_17] : memref<16x256xf32, #tpu.memory_space<vmem>>, vector<16x256xf32>
    %dot_general3A_19 = arith.constant dense<0.000000e+00> : vector<6400x256xf32>
    %dot_general3A_20 = tpu.matmul %abs3A, %get3A_18, %dot_general3A_19 {dimension_numbers = #tpu.dot_dimension_numbers<[1], [0], [0], [1], [0, 0, 1, 1], [], []>, transpose_lhs_hint = false} : vector<6400x16xf32>, vector<16x256xf32>, vector<6400x256xf32> -> vector<6400x256xf32>
    %add3A_21 = arith.addf %add3A, %dot_general3A_20 : vector<6400x256xf32>
    %get3A_22 = arith.constant 0 : index
    %get3A_23 = arith.constant 0 : index
    %get3A_24 = vector.load %arg8[%get3A_22, %get3A_23] : memref<1x256xf32, #tpu.memory_space<vmem>>, vector<1x256xf32>
    %add3A_25 = vector.broadcast %get3A_24 : vector<1x256xf32> to vector<6400x256xf32>
    %add3A_26 = arith.addf %add3A_21, %add3A_25 : vector<6400x256xf32>
    %get3A_27 = arith.constant 0 : index
    %get3A_28 = arith.constant 0 : index
    %get3A_29 = vector.load %arg1[%get3A_27, %get3A_28] : memref<6400x128xi32, #tpu.memory_space<vmem>>, vector<6400x128xi32>
    %shift_left3A = arith.constant 16 : i32
    %shift_left3A_30 = vector.broadcast %shift_left3A : i32 to vector<6400x128xi32>
    %shift_left3A_31 = arith.shli %get3A_29, %shift_left3A_30 : vector<6400x128xi32>
    %bitcast_convert_type3A = tpu.bitcast %shift_left3A_31 : vector<6400x128xi32> -> vector<6400x128xf32>
    %and3A = arith.constant -65536 : i32
    %and3A_32 = vector.broadcast %and3A : i32 to vector<6400x128xi32>
    %and3A_33 = arith.andi %get3A_29, %and3A_32 : vector<6400x128xi32>
    %bitcast_convert_type3A_34 = tpu.bitcast %and3A_33 : vector<6400x128xi32> -> vector<6400x128xf32>
    %slice3A = vector.extract_strided_slice %add3A_26 {offsets = [0, 0], sizes = [6400, 128], strides = [1, 1]} : vector<6400x256xf32> to vector<6400x128xf32>
    %add3A_35 = arith.addf %bitcast_convert_type3A, %slice3A : vector<6400x128xf32>
    %max3A = arith.constant 0.000000e+00 : f32
    %max3A_36 = vector.broadcast %max3A : f32 to vector<6400x128xf32>
    %max3A_37 = arith.maximumf %add3A_35, %max3A_36 : vector<6400x128xf32>
    %slice3A_38 = vector.extract_strided_slice %add3A_26 {offsets = [0, 128], sizes = [6400, 128], strides = [1, 1]} : vector<6400x256xf32> to vector<6400x128xf32>
    %add3A_39 = arith.addf %bitcast_convert_type3A_34, %slice3A_38 : vector<6400x128xf32>
    %max3A_40 = arith.constant 0.000000e+00 : f32
    %max3A_41 = vector.broadcast %max3A_40 : f32 to vector<6400x128xf32>
    %max3A_42 = arith.maximumf %add3A_39, %max3A_41 : vector<6400x128xf32>
    %reshape3A_43 = vector.shape_cast %max3A_37 : vector<6400x128xf32> to vector<400x16x128xf32>
    %reduce_sum3A = arith.constant dense<0.000000e+00> : vector<400x128xf32>
    %reduce_sum3A_44 = vector.multi_reduction <add>, %reshape3A_43, %reduce_sum3A [1] : vector<400x16x128xf32> to vector<400x128xf32>
    %reshape3A_45 = vector.shape_cast %max3A_42 : vector<6400x128xf32> to vector<400x16x128xf32>
    %reduce_sum3A_46 = arith.constant dense<0.000000e+00> : vector<400x128xf32>
    %reduce_sum3A_47 = vector.multi_reduction <add>, %reshape3A_45, %reduce_sum3A_46 [1] : vector<400x16x128xf32> to vector<400x128xf32>
    %concatenate3A = tpu.concatenate %reduce_sum3A_44, %reduce_sum3A_47 in 1 : vector<400x128xf32>, vector<400x128xf32> -> vector<400x256xf32>
    %gt3A = arith.constant 0.000000e+00 : f32
    %gt3A_48 = vector.broadcast %gt3A : f32 to vector<400x256xf32>
    %gt3A_49 = arith.cmpf ogt, %concatenate3A, %gt3A_48 : vector<400x256xf32>
    %min3A = arith.constant 0.000000e+00 : f32
    %min3A_50 = vector.broadcast %min3A : f32 to vector<400x256xf32>
    %min3A_51 = arith.minimumf %concatenate3A, %min3A_50 : vector<400x256xf32>
    %exp3A = math.exp %min3A_51 : vector<400x256xf32>
    %sub3A_52 = arith.constant 1.000000e+00 : f32
    %sub3A_53 = vector.broadcast %sub3A_52 : f32 to vector<400x256xf32>
    %sub3A_54 = arith.subf %exp3A, %sub3A_53 : vector<400x256xf32>
    %select_n3A = arith.select %gt3A_49, %concatenate3A, %sub3A_54 : vector<400x256xi1>, vector<400x256xf32>
    %get3A_55 = arith.constant 0 : index
    %get3A_56 = arith.constant 0 : index
    %get3A_57 = vector.load %arg4[%get3A_55, %get3A_56] : memref<400x256xf32, #tpu.memory_space<vmem>>, vector<400x256xf32>
    %add3A_58 = arith.addf %select_n3A, %get3A_57 : vector<400x256xf32>
    %swap3A = arith.constant 0 : index
    %swap3A_59 = arith.constant 0 : index
    %swap3A_60 = vector.load %arg10[%swap3A, %swap3A_59] : memref<400x256xf32, #tpu.memory_space<vmem>>, vector<400x256xf32>
    tpu.vector_store %arg10[%swap3A, %swap3A_59], %add3A_58 {strides = array<i32>} : memref<400x256xf32, #tpu.memory_space<vmem>>, vector<400x256xf32>,
    %get3A_61 = arith.constant 0 : index
    %get3A_62 = arith.constant 0 : index
    %get3A_63 = vector.load %arg9[%get3A_61, %get3A_62] : memref<256x256xf32, #tpu.memory_space<vmem>>, vector<256x256xf32>
    %dot_general3A_64 = arith.constant dense<0.000000e+00> : vector<400x256xf32>
    %dot_general3A_65 = tpu.matmul %add3A_58, %get3A_63, %dot_general3A_64 {dimension_numbers = #tpu.dot_dimension_numbers<[1], [0], [0], [1], [0, 0, 1, 1], [], []>, transpose_lhs_hint = false} : vector<400x256xf32>, vector<256x256xf32>, vector<400x256xf32> -> vector<400x256xf32>
    %slice3A_66 = vector.extract_strided_slice %dot_general3A_65 {offsets = [0, 0], sizes = [400, 128], strides = [1, 1]} : vector<400x256xf32> to vector<400x128xf32>
    %bitcast_convert_type3A_67 = tpu.bitcast %slice3A_66 : vector<400x128xf32> -> vector<400x128xi32>
    %shift_right_logical3A = arith.constant 16 : i32
    %shift_right_logical3A_68 = vector.broadcast %shift_right_logical3A : i32 to vector<400x128xi32>
    %shift_right_logical3A_69 = arith.shrui %bitcast_convert_type3A_67, %shift_right_logical3A_68 : vector<400x128xi32>
    %and3A_70 = arith.constant 1 : i32
    %and3A_71 = vector.broadcast %and3A_70 : i32 to vector<400x128xi32>
    %and3A_72 = arith.andi %shift_right_logical3A_69, %and3A_71 : vector<400x128xi32>
    %add3A_73 = arith.constant 32767 : i32
    %add3A_74 = vector.broadcast %add3A_73 : i32 to vector<400x128xi32>
    %add3A_75 = arith.addi %bitcast_convert_type3A_67, %add3A_74 : vector<400x128xi32>
    %add3A_76 = arith.addi %add3A_75, %and3A_72 : vector<400x128xi32>
    %shift_right_logical3A_77 = arith.constant 16 : i32
    %shift_right_logical3A_78 = vector.broadcast %shift_right_logical3A_77 : i32 to vector<400x128xi32>
    %shift_right_logical3A_79 = arith.shrui %add3A_76, %shift_right_logical3A_78 : vector<400x128xi32>
    %slice3A_80 = vector.extract_strided_slice %dot_general3A_65 {offsets = [0, 128], sizes = [400, 128], strides = [1, 1]} : vector<400x256xf32> to vector<400x128xf32>
    %bitcast_convert_type3A_81 = tpu.bitcast %slice3A_80 : vector<400x128xf32> -> vector<400x128xi32>
    %shift_right_logical3A_82 = arith.constant 16 : i32
    %shift_right_logical3A_83 = vector.broadcast %shift_right_logical3A_82 : i32 to vector<400x128xi32>
    %shift_right_logical3A_84 = arith.shrui %bitcast_convert_type3A_81, %shift_right_logical3A_83 : vector<400x128xi32>
    %and3A_85 = arith.constant 1 : i32
    %and3A_86 = vector.broadcast %and3A_85 : i32 to vector<400x128xi32>
    %and3A_87 = arith.andi %shift_right_logical3A_84, %and3A_86 : vector<400x128xi32>
    %add3A_88 = arith.constant 32767 : i32
    %add3A_89 = vector.broadcast %add3A_88 : i32 to vector<400x128xi32>
    %add3A_90 = arith.addi %bitcast_convert_type3A_81, %add3A_89 : vector<400x128xi32>
    %add3A_91 = arith.addi %add3A_90, %and3A_87 : vector<400x128xi32>
    %shift_right_logical3A_92 = arith.constant 16 : i32
    %shift_right_logical3A_93 = vector.broadcast %shift_right_logical3A_92 : i32 to vector<400x128xi32>
    %shift_right_logical3A_94 = arith.shrui %add3A_91, %shift_right_logical3A_93 : vector<400x128xi32>
    %shift_left3A_95 = arith.constant 16 : i32
    %shift_left3A_96 = vector.broadcast %shift_left3A_95 : i32 to vector<400x128xi32>
    %shift_left3A_97 = arith.shli %shift_right_logical3A_94, %shift_left3A_96 : vector<400x128xi32>
    %or3A = arith.ori %shift_right_logical3A_79, %shift_left3A_97 : vector<400x128xi32>
    %swap3A_98 = arith.constant 0 : index
    %swap3A_99 = arith.constant 0 : index
    %swap3A_100 = vector.load %arg11[%swap3A_98, %swap3A_99] : memref<400x128xi32, #tpu.memory_space<vmem>>, vector<400x128xi32>
    tpu.vector_store %arg11[%swap3A_98, %swap3A_99], %or3A {strides = array<i32>} : memref<400x128xi32, #tpu.memory_space<vmem>>, vector<400x128xi32>,
    return
  }
  func.func @transform_0(%arg0: i32) -> (i32, i32) {
    %c0_i32 = arith.constant 0 : i32
    %c0_i32_0 = arith.constant 0 : i32
    return %arg0, %c0_i32 : i32, i32
  }
  func.func @transform_1(%arg0: i32) -> (i32, i32) {
    %c0_i32 = arith.constant 0 : i32
    %c0_i32_0 = arith.constant 0 : i32
    return %arg0, %c0_i32 : i32, i32
  }
  func.func @transform_2(%arg0: i32) -> (i32, i32) {
    %c0_i32 = arith.constant 0 : i32
    %c0_i32_0 = arith.constant 0 : i32
    return %arg0, %c0_i32 : i32, i32
  }
  func.func @transform_3(%arg0: i32) -> (i32, i32) {
    %c0_i32 = arith.constant 0 : i32
    %c0_i32_0 = arith.constant 0 : i32
    return %arg0, %c0_i32 : i32, i32
  }
  func.func @transform_4(%arg0: i32) -> (i32, i32) {
    %c0_i32 = arith.constant 0 : i32
    %c0_i32_0 = arith.constant 0 : i32
    %c0_i32_1 = arith.constant 0 : i32
    return %c0_i32, %c0_i32_0 : i32, i32
  }
  func.func @transform_5(%arg0: i32) -> (i32, i32) {
    %c0_i32 = arith.constant 0 : i32
    %c0_i32_0 = arith.constant 0 : i32
    %c0_i32_1 = arith.constant 0 : i32
    return %c0_i32, %c0_i32_0 : i32, i32
  }
  func.func @transform_6(%arg0: i32) -> (i32, i32) {
    %c0_i32 = arith.constant 0 : i32
    %c0_i32_0 = arith.constant 0 : i32
    %c0_i32_1 = arith.constant 0 : i32
    return %c0_i32, %c0_i32_0 : i32, i32
  }
  func.func @transform_7(%arg0: i32) -> (i32, i32) {
    %c0_i32 = arith.constant 0 : i32
    %c0_i32_0 = arith.constant 0 : i32
    %c0_i32_1 = arith.constant 0 : i32
    return %c0_i32, %c0_i32_0 : i32, i32
  }
  func.func @transform_8(%arg0: i32) -> (i32, i32) {
    %c0_i32 = arith.constant 0 : i32
    %c0_i32_0 = arith.constant 0 : i32
    %c0_i32_1 = arith.constant 0 : i32
    return %c0_i32, %c0_i32_0 : i32, i32
  }
  func.func @transform_9(%arg0: i32) -> (i32, i32) {
    %c0_i32 = arith.constant 0 : i32
    %c0_i32_0 = arith.constant 0 : i32
    return %arg0, %c0_i32 : i32, i32
  }
  func.func @transform_10(%arg0: i32) -> (i32, i32) {
    %c0_i32 = arith.constant 0 : i32
    %c0_i32_0 = arith.constant 0 : i32
    return %arg0, %c0_i32 : i32, i32
  }
}

module attributes {stable_mosaic.version = 14 : i64} {
  func.func @_final_body(%arg0: i32, %arg1: memref<400x256xf32, #tpu.memory_space<vmem>>, %arg2: memref<400x256xf32, #tpu.memory_space<vmem>>, %arg3: memref<400x256xf32, #tpu.memory_space<vmem>>, %arg4: memref<400x256xf32, #tpu.memory_space<vmem>>, %arg5: memref<256x256xf32, #tpu.memory_space<vmem>>, %arg6: memref<256x256xf32, #tpu.memory_space<vmem>>, %arg7: memref<256x256xf32, #tpu.memory_space<vmem>>, %arg8: memref<256x256xf32, #tpu.memory_space<vmem>>, %arg9: memref<1x256xf32, #tpu.memory_space<vmem>>, %arg10: memref<256x256xf32, #tpu.memory_space<vmem>>, %arg11: memref<1x256xf32, #tpu.memory_space<vmem>>, %arg12: memref<256x256xf32, #tpu.memory_space<vmem>>, %arg13: memref<1x256xf32, #tpu.memory_space<vmem>>, %arg14: memref<400x256xf32, #tpu.memory_space<vmem>>) attributes {dimension_semantics = [#tpu.dimension_semantics<arbitrary>], iteration_bounds = array<i64: 25>, scalar_prefetch = 0 : i64, scratch_operands = 0 : i64, tpu.core_type = #tpu.core_type<tc>, window_params = [{transform_indices = @transform_0, window_bounds = array<i64: 400, 256>}, {transform_indices = @transform_1, window_bounds = array<i64: 400, 256>}, {transform_indices = @transform_2, window_bounds = array<i64: 400, 256>}, {transform_indices = @transform_3, window_bounds = array<i64: 400, 256>}, {pipeline_mode = #tpu.pipeline_mode<synchronous>, transform_indices = @transform_4, window_bounds = array<i64: 256, 256>}, {pipeline_mode = #tpu.pipeline_mode<synchronous>, transform_indices = @transform_5, window_bounds = array<i64: 256, 256>}, {pipeline_mode = #tpu.pipeline_mode<synchronous>, transform_indices = @transform_6, window_bounds = array<i64: 256, 256>}, {pipeline_mode = #tpu.pipeline_mode<synchronous>, transform_indices = @transform_7, window_bounds = array<i64: 256, 256>}, {pipeline_mode = #tpu.pipeline_mode<synchronous>, transform_indices = @transform_8, window_bounds = array<i64: 1, 256>}, {pipeline_mode = #tpu.pipeline_mode<synchronous>, transform_indices = @transform_9, window_bounds = array<i64: 256, 256>}, {pipeline_mode = #tpu.pipeline_mode<synchronous>, transform_indices = @transform_10, window_bounds = array<i64: 1, 256>}, {pipeline_mode = #tpu.pipeline_mode<synchronous>, transform_indices = @transform_11, window_bounds = array<i64: 256, 256>}, {pipeline_mode = #tpu.pipeline_mode<synchronous>, transform_indices = @transform_12, window_bounds = array<i64: 1, 256>}, {transform_indices = @transform_13, window_bounds = array<i64: 400, 256>}]} {
    %get3A = arith.constant 0 : index
    %get3A_0 = arith.constant 0 : index
    %get3A_1 = vector.load %arg1[%get3A, %get3A_0] : memref<400x256xf32, #tpu.memory_space<vmem>>, vector<400x256xf32>
    %get3A_2 = arith.constant 0 : index
    %get3A_3 = arith.constant 0 : index
    %get3A_4 = vector.load %arg5[%get3A_2, %get3A_3] : memref<256x256xf32, #tpu.memory_space<vmem>>, vector<256x256xf32>
    %dot_general3A = arith.constant dense<0.000000e+00> : vector<400x256xf32>
    %dot_general3A_5 = tpu.matmul %get3A_1, %get3A_4, %dot_general3A {dimension_numbers = #tpu.dot_dimension_numbers<[1], [0], [0], [1], [0, 0, 1, 1], [], []>, transpose_lhs_hint = false} : vector<400x256xf32>, vector<256x256xf32>, vector<400x256xf32> -> vector<400x256xf32>
    %get3A_6 = arith.constant 0 : index
    %get3A_7 = arith.constant 0 : index
    %get3A_8 = vector.load %arg2[%get3A_6, %get3A_7] : memref<400x256xf32, #tpu.memory_space<vmem>>, vector<400x256xf32>
    %get3A_9 = arith.constant 0 : index
    %get3A_10 = arith.constant 0 : index
    %get3A_11 = vector.load %arg6[%get3A_9, %get3A_10] : memref<256x256xf32, #tpu.memory_space<vmem>>, vector<256x256xf32>
    %dot_general3A_12 = arith.constant dense<0.000000e+00> : vector<400x256xf32>
    %dot_general3A_13 = tpu.matmul %get3A_8, %get3A_11, %dot_general3A_12 {dimension_numbers = #tpu.dot_dimension_numbers<[1], [0], [0], [1], [0, 0, 1, 1], [], []>, transpose_lhs_hint = false} : vector<400x256xf32>, vector<256x256xf32>, vector<400x256xf32> -> vector<400x256xf32>
    %add3A = arith.addf %dot_general3A_5, %dot_general3A_13 : vector<400x256xf32>
    %get3A_14 = arith.constant 0 : index
    %get3A_15 = arith.constant 0 : index
    %get3A_16 = vector.load %arg3[%get3A_14, %get3A_15] : memref<400x256xf32, #tpu.memory_space<vmem>>, vector<400x256xf32>
    %get3A_17 = arith.constant 0 : index
    %get3A_18 = arith.constant 0 : index
    %get3A_19 = vector.load %arg7[%get3A_17, %get3A_18] : memref<256x256xf32, #tpu.memory_space<vmem>>, vector<256x256xf32>
    %dot_general3A_20 = arith.constant dense<0.000000e+00> : vector<400x256xf32>
    %dot_general3A_21 = tpu.matmul %get3A_16, %get3A_19, %dot_general3A_20 {dimension_numbers = #tpu.dot_dimension_numbers<[1], [0], [0], [1], [0, 0, 1, 1], [], []>, transpose_lhs_hint = false} : vector<400x256xf32>, vector<256x256xf32>, vector<400x256xf32> -> vector<400x256xf32>
    %add3A_22 = arith.addf %add3A, %dot_general3A_21 : vector<400x256xf32>
    %get3A_23 = arith.constant 0 : index
    %get3A_24 = arith.constant 0 : index
    %get3A_25 = vector.load %arg4[%get3A_23, %get3A_24] : memref<400x256xf32, #tpu.memory_space<vmem>>, vector<400x256xf32>
    %get3A_26 = arith.constant 0 : index
    %get3A_27 = arith.constant 0 : index
    %get3A_28 = vector.load %arg8[%get3A_26, %get3A_27] : memref<256x256xf32, #tpu.memory_space<vmem>>, vector<256x256xf32>
    %dot_general3A_29 = arith.constant dense<0.000000e+00> : vector<400x256xf32>
    %dot_general3A_30 = tpu.matmul %get3A_25, %get3A_28, %dot_general3A_29 {dimension_numbers = #tpu.dot_dimension_numbers<[1], [0], [0], [1], [0, 0, 1, 1], [], []>, transpose_lhs_hint = false} : vector<400x256xf32>, vector<256x256xf32>, vector<400x256xf32> -> vector<400x256xf32>
    %add3A_31 = arith.addf %add3A_22, %dot_general3A_30 : vector<400x256xf32>
    %get3A_32 = arith.constant 0 : index
    %get3A_33 = arith.constant 0 : index
    %get3A_34 = vector.load %arg9[%get3A_32, %get3A_33] : memref<1x256xf32, #tpu.memory_space<vmem>>, vector<1x256xf32>
    %add3A_35 = vector.broadcast %get3A_34 : vector<1x256xf32> to vector<400x256xf32>
    %add3A_36 = arith.addf %add3A_31, %add3A_35 : vector<400x256xf32>
    %max3A = arith.constant 0.000000e+00 : f32
    %max3A_37 = vector.broadcast %max3A : f32 to vector<400x256xf32>
    %max3A_38 = arith.maximumf %add3A_36, %max3A_37 : vector<400x256xf32>
    %get3A_39 = arith.constant 0 : index
    %get3A_40 = arith.constant 0 : index
    %get3A_41 = vector.load %arg10[%get3A_39, %get3A_40] : memref<256x256xf32, #tpu.memory_space<vmem>>, vector<256x256xf32>
    %dot_general3A_42 = arith.constant dense<0.000000e+00> : vector<400x256xf32>
    %dot_general3A_43 = tpu.matmul %max3A_38, %get3A_41, %dot_general3A_42 {dimension_numbers = #tpu.dot_dimension_numbers<[1], [0], [0], [1], [0, 0, 1, 1], [], []>, transpose_lhs_hint = false} : vector<400x256xf32>, vector<256x256xf32>, vector<400x256xf32> -> vector<400x256xf32>
    %get3A_44 = arith.constant 0 : index
    %get3A_45 = arith.constant 0 : index
    %get3A_46 = vector.load %arg11[%get3A_44, %get3A_45] : memref<1x256xf32, #tpu.memory_space<vmem>>, vector<1x256xf32>
    %add3A_47 = vector.broadcast %get3A_46 : vector<1x256xf32> to vector<400x256xf32>
    %add3A_48 = arith.addf %dot_general3A_43, %add3A_47 : vector<400x256xf32>
    %max3A_49 = arith.constant 0.000000e+00 : f32
    %max3A_50 = vector.broadcast %max3A_49 : f32 to vector<400x256xf32>
    %max3A_51 = arith.maximumf %add3A_48, %max3A_50 : vector<400x256xf32>
    %get3A_52 = arith.constant 0 : index
    %get3A_53 = arith.constant 0 : index
    %get3A_54 = vector.load %arg12[%get3A_52, %get3A_53] : memref<256x256xf32, #tpu.memory_space<vmem>>, vector<256x256xf32>
    %dot_general3A_55 = arith.constant dense<0.000000e+00> : vector<400x256xf32>
    %dot_general3A_56 = tpu.matmul %max3A_51, %get3A_54, %dot_general3A_55 {dimension_numbers = #tpu.dot_dimension_numbers<[1], [0], [0], [1], [0, 0, 1, 1], [], []>, transpose_lhs_hint = false} : vector<400x256xf32>, vector<256x256xf32>, vector<400x256xf32> -> vector<400x256xf32>
    %get3A_57 = arith.constant 0 : index
    %get3A_58 = arith.constant 0 : index
    %get3A_59 = vector.load %arg13[%get3A_57, %get3A_58] : memref<1x256xf32, #tpu.memory_space<vmem>>, vector<1x256xf32>
    %add3A_60 = vector.broadcast %get3A_59 : vector<1x256xf32> to vector<400x256xf32>
    %add3A_61 = arith.addf %dot_general3A_56, %add3A_60 : vector<400x256xf32>
    %swap3A = arith.constant 0 : index
    %swap3A_62 = arith.constant 0 : index
    %swap3A_63 = vector.load %arg14[%swap3A, %swap3A_62] : memref<400x256xf32, #tpu.memory_space<vmem>>, vector<400x256xf32>
    tpu.vector_store %arg14[%swap3A, %swap3A_62], %add3A_61 {strides = array<i32>} : memref<400x256xf32, #tpu.memory_space<vmem>>, vector<400x256xf32>,
    return
  }
  func.func @transform_0(%arg0: i32) -> (i32, i32) {
    %c0_i32 = arith.constant 0 : i32
    %c0_i32_0 = arith.constant 0 : i32
    return %arg0, %c0_i32 : i32, i32
  }
  func.func @transform_1(%arg0: i32) -> (i32, i32) {
    %c0_i32 = arith.constant 0 : i32
    %c0_i32_0 = arith.constant 0 : i32
    return %arg0, %c0_i32 : i32, i32
  }
  func.func @transform_2(%arg0: i32) -> (i32, i32) {
    %c0_i32 = arith.constant 0 : i32
    %c0_i32_0 = arith.constant 0 : i32
    return %arg0, %c0_i32 : i32, i32
  }
  func.func @transform_3(%arg0: i32) -> (i32, i32) {
    %c0_i32 = arith.constant 0 : i32
    %c0_i32_0 = arith.constant 0 : i32
    return %arg0, %c0_i32 : i32, i32
  }
  func.func @transform_4(%arg0: i32) -> (i32, i32) {
    %c0_i32 = arith.constant 0 : i32
    %c0_i32_0 = arith.constant 0 : i32
    %c0_i32_1 = arith.constant 0 : i32
    return %c0_i32, %c0_i32_0 : i32, i32
  }
  func.func @transform_5(%arg0: i32) -> (i32, i32) {
    %c0_i32 = arith.constant 0 : i32
    %c0_i32_0 = arith.constant 0 : i32
    %c0_i32_1 = arith.constant 0 : i32
    return %c0_i32, %c0_i32_0 : i32, i32
  }
  func.func @transform_6(%arg0: i32) -> (i32, i32) {
    %c0_i32 = arith.constant 0 : i32
    %c0_i32_0 = arith.constant 0 : i32
    %c0_i32_1 = arith.constant 0 : i32
    return %c0_i32, %c0_i32_0 : i32, i32
  }
  func.func @transform_7(%arg0: i32) -> (i32, i32) {
    %c0_i32 = arith.constant 0 : i32
    %c0_i32_0 = arith.constant 0 : i32
    %c0_i32_1 = arith.constant 0 : i32
    return %c0_i32, %c0_i32_0 : i32, i32
  }
  func.func @transform_8(%arg0: i32) -> (i32, i32) {
    %c0_i32 = arith.constant 0 : i32
    %c0_i32_0 = arith.constant 0 : i32
    %c0_i32_1 = arith.constant 0 : i32
    return %c0_i32, %c0_i32_0 : i32, i32
  }
  func.func @transform_9(%arg0: i32) -> (i32, i32) {
    %c0_i32 = arith.constant 0 : i32
    %c0_i32_0 = arith.constant 0 : i32
    %c0_i32_1 = arith.constant 0 : i32
    return %c0_i32, %c0_i32_0 : i32, i32
  }
  func.func @transform_10(%arg0: i32) -> (i32, i32) {
    %c0_i32 = arith.constant 0 : i32
    %c0_i32_0 = arith.constant 0 : i32
    %c0_i32_1 = arith.constant 0 : i32
    return %c0_i32, %c0_i32_0 : i32, i32
  }
  func.func @transform_11(%arg0: i32) -> (i32, i32) {
    %c0_i32 = arith.constant 0 : i32
    %c0_i32_0 = arith.constant 0 : i32
    %c0_i32_1 = arith.constant 0 : i32
    return %c0_i32, %c0_i32_0 : i32, i32
  }
  func.func @transform_12(%arg0: i32) -> (i32, i32) {
    %c0_i32 = arith.constant 0 : i32
    %c0_i32_0 = arith.constant 0 : i32
    %c0_i32_1 = arith.constant 0 : i32
    return %c0_i32, %c0_i32_0 : i32, i32
  }
  func.func @transform_13(%arg0: i32) -> (i32, i32) {
    %c0_i32 = arith.constant 0 : i32
    %c0_i32_0 = arith.constant 0 : i32
    return %arg0, %c0_i32 : i32, i32
  }
}

</mosaic_0001>

<sc_bundles>
// kernel: kernel.11.cloned.1.call-start
scs
__scs_entry_jumppad:
0x0: {  	(pc) =	sbr.rel $0x88, $3  }
0x1: {  	(tag) =	ssettag $0x0;
	lr =	simm.s32 $0x1  }
0x2: {  	[smem:$0x3F8D] =	sst lr;
	_ =	strace $0xD0000000  }
0x3: {  	_ = 	snop  }
0x4: {  	_ = 	snop  }
0x5: {  	_ = 	snop  }
0x6: {  	_ = 	snop  }
0x7: {  	_ = 	snop  }
__scs_overlays_trampoline_lowered:
0x8: {  	[smem:$0x3F9C] =	sst s0  }
0x9: {  	[smem:$0x3F9D] =	sst s1  }
0xa: {  	[smem:$0x3F9E] =	sst s2  }
0xb: {  	[smem:$0x3F9F] =	sst s3  }
0xc: {  	[smem:$0x3FA0] =	sst s4  }
0xd: {  	[smem:$0x3FA1] =	sst s5  }
0xe: {  	[smem:$0x3FA2] =	sst s6  }
0xf: {  	[smem:$0x3FA3] =	sst s7  }
0x10: {  	[smem:$0x3FA4] =	sst s8  }
0x11: {  	[smem:$0x3FA5] =	sst s9;
	s0 =	simm.s32 @!p0 $0x0  }
0x12: {  	s1 =	sld [smem:$0x3F8B];
	s0 =	simm.s32 @p0 $0x1  }
0x13: {  	[smem:$0x3FA6] =	sst s0;
	s0 =	simm.s32 @!p1 $0x0  }
0x14: {  	s2 =	sld [smem:$0x3F8A];
	s0 =	simm.s32 @p1 $0x1  }
0x15: {  	[smem:$0x3FA7] =	sst s0;
	s0 =	simm.s32 @!p2 $0x0  }
0x16: {  	s3 =	sld [smem:$0x3FDB];
	s0 =	simm.s32 @p2 $0x1  }
0x17: {  	s4 =	simm.s32 $0x1BF5;
	[smem:$0x3FA9] =	sst s0  }
0x18: {  	s0 =	sld [smem:$0x3F8C];
	_ =	swait.ge [sflag:s4], $0x0  }
0x19: {  	s7 =	sld [smem:$0x3F8D]  }
0x1a: {  	s8 =	sadd.s32 $0xFFFFE003, lr  }
0x1b: {  	s9 =	sadd.s32 $0xFFFFFEF7, lr;
	s5 =	simm.s32 $0xFFFFFFFF;
	p2 =	slt.u32 s8, $0xFFFFF086  }
0x1c: {  	p1 =	slt.u32 s9, $0xF7A;
	s5 =	simm.s32 @!p2 $0x0  }
0x1d: {  	s5 =	simm.s32 @p1 $0x1;
	p0 =	seq.s32 s7, s2  }
0x1e: {  	s7 =	smul.u32 @!p0 $0xF7A, s2;
	p2 =	seq.s32 @!p0 s5, $0x0  }
0x1f: {  	s9 =	smul.u32 $0xF7A, s1;
	s8 =	simm.s32 @!p0 $0x1BF5;
	p2 =	por !p2, p0  }
0x20: {  	[sflag:s8] =	ssyncset.s32 @!p0 $0xFFFFF086;
	s6 =	sadd.s32 @!p0 s3, s7;
	s7 =	simm.s32 @!p0 $0x108  }
0x21: {  	s3 =	sadd.s32 s3, s9;
	s6 =	sadd.s32 @!p0 $0x88, s6;
	s7 =	simm.s32 @p2 $0x1082  }
0x22: {  	[simem:s7], [sflag:s8] =	dma.local @!p0 [hbm:s6], $0xF7A  }
0x23: {  	s9 =	sor.u32 $0xD0000000, s2;
	s6 =	simm.s32 $0x108;
	_ =	swait.ge @!p0 [sflag:s8], $0x0  }
0x24: {  	s3 =	sadd.s32 $0x88, s3;
	s6 =	simm.s32 @!p1 $0x1082;
	[sflag:s4] =	ssyncset.s32 $0xFFFFF086  }
0x25: {  	[simem:s6], [sflag:s4] =	dma.local [hbm:s3], $0xF7A  }
0x26: {  	[smem:$0x3F8D] =	sst s1;
	(tag) =	ssettag s2;
	_ =	strace s9  }
0x27: {  	s1 =	sld [smem:$0x3F9D]  }
0x28: {  	s2 =	sld [smem:$0x3F9E]  }
0x29: {  	s4 =	sld [smem:$0x3FA0]  }
0x2a: {  	p0 =	seq.s32 s5, $0x0;
	s5 =	sld [smem:$0x3FA1]  }
0x2b: {  	s6 =	sld [smem:$0x3FA2]  }
0x2c: {  	s7 =	sld [smem:$0x3FA3]  }
0x2d: {  	s3 =	simm.s32 $0x108;
	s8 =	sld [smem:$0x3FA4]  }
0x2e: {  	s3 =	simm.s32 @!p0 $0x1082;
	s9 =	sld [smem:$0x3FA5]  }
0x2f: {  	lr =	sadd.s32 s0, s3;
	s0 =	sld [smem:$0x3F9C]  }
0x30: {  	s3 =	sld [smem:$0x3F9F]  }
0x31: {  	[smem:$0x3FA8] =	sst s10  }
0x32: {  	s10 =	sld [smem:$0x3FA6];
	_ =	sdelay $0x3  }
0x33: {  	p0 =	seq.s32 s10, $0x1;
	s10 =	sld [smem:$0x3FA8];
	_ =	sdelay $0x3  }
0x34: {  	[smem:$0x3FA8] =	sst s10  }
0x35: {  	s10 =	sld [smem:$0x3FA7];
	_ =	sdelay $0x3  }
0x36: {  	p1 =	seq.s32 s10, $0x1;
	s10 =	sld [smem:$0x3FA8];
	_ =	sdelay $0x3  }
0x37: {  	[smem:$0x3FA8] =	sst s10  }
0x38: {  	s10 =	sld [smem:$0x3FA9]  }
0x39: {  	_ = 	snop;
	(pc) =	sbr.ind lr, $3  }
0x3a: {  	_ = 	snop  }
0x3b: {  	_ = 	snop  }
0x3c: {  	p2 =	seq.s32 s10, $0x1;
	s10 =	sld [smem:$0x3FA8]  }
0x3d: {  	_ =	shalt  }
0x3e: {  	_ =	shalt  }
0x3f: {  	_ =	shalt  }
0x40: {  	_ =	shalt  }
0x41: {  	_ =	shalt  }
0x42: {  	_ =	shalt  }
0x43: {  	_ =	shalt  }
0x44: {  	_ =	shalt  }
0x45: {  	_ =	shalt  }
0x46: {  	_ =	shalt  }
0x47: {  	_ =	shalt  }
0x48: {  	_ =	shalt  }
0x49: {  	_ =	shalt  }
0x4a: {  	_ =	shalt  }
0x4b: {  	_ =	shalt  }
0x4c: {  	_ =	shalt  }
0x4d: {  	_ =	shalt  }
0x4e: {  	_ =	shalt  }
0x4f: {  	_ =	shalt  }
0x50: {  	_ =	shalt  }
0x51: {  	_ =	shalt  }
0x52: {  	_ =	shalt  }
0x53: {  	_ =	shalt  }
0x54: {  	_ =	shalt  }
0x55: {  	_ =	shalt  }
0x56: {  	_ =	shalt  }
0x57: {  	_ =	shalt  }
0x58: {  	_ =	shalt  }
0x59: {  	_ =	shalt  }
0x5a: {  	_ =	shalt  }
0x5b: {  	_ =	shalt  }
0x5c: {  	_ =	shalt  }
0x5d: {  	_ =	shalt  }
0x5e: {  	_ =	shalt  }
0x5f: {  	_ =	shalt  }
0x60: {  	_ =	shalt  }
0x61: {  	_ =	shalt  }
0x62: {  	_ =	shalt  }
0x63: {  	_ =	shalt  }
0x64: {  	_ =	shalt  }
0x65: {  	_ =	shalt  }
0x66: {  	_ =	shalt  }
0x67: {  	_ =	shalt  }
0x68: {  	_ =	shalt  }
0x69: {  	_ =	shalt  }
0x6a: {  	_ =	shalt  }
0x6b: {  	_ =	shalt  }
0x6c: {  	_ =	shalt  }
0x6d: {  	_ =	shalt  }
0x6e: {  	_ =	shalt  }
0x6f: {  	_ =	shalt  }
0x70: {  	_ =	shalt  }
0x71: {  	_ =	shalt  }
0x72: {  	_ =	shalt  }
0x73: {  	_ =	shalt  }
0x74: {  	_ =	shalt  }
0x75: {  	_ =	shalt  }
0x76: {  	_ =	shalt  }
0x77: {  	_ =	shalt  }
0x78: {  	_ =	shalt  }
0x79: {  	_ =	shalt  }
0x7a: {  	_ =	shalt  }
0x7b: {  	_ =	shalt  }
0x7c: {  	_ =	shalt  }
0x7d: {  	_ =	shalt  }
0x7e: {  	_ =	shalt  }
0x7f: {  	_ =	shalt  }
0x80: {  	_ =	shalt  }
0x81: {  	_ =	shalt  }
0x82: {  	_ =	shalt  }
0x83: {  	_ =	shalt  }
0x84: {  	_ =	shalt  }
0x85: {  	_ =	shalt  }
0x86: {  	_ =	shalt  }
0x87: {  	_ =	shalt  }
.Lfunc_end0:
.L_simem_size_0:
called_computation_lowered:
.L_overlay_start_0:
0x88: {  	s2 =	sld [smem:$0x3FD9]  }
0x89: {  	s3 =	sld [smem:$0x3FFE];
	_ =	sdelay $0x1  }
0x8a: {  	s1 =	srdreg.scid  }
0x8b: {  	s0 =	sand.u32 $0x1, s1  }
0x8c: {  	s17 =	sshll.u32 s0, $0xA;
	s2 =	sadd.s32 s3, s2  }
0x8d: {  	s2 =	sadd.s32 s2, s17  }
0x8e: {  	[smem:$0x3FB4] =	sst s2  }
0x8f: {  	_ = 	snop  }
0x90: {  	s2 =	sld [smem:$0x3FD0];
	(tm) =	ssettm $0x1  }
0x91: {  	s18 =	sld [smem:$0x3FFB];
	_ =	sdelay $0x3  }
0x92: {  	_ =	strace s18  }
0x93: {  	s3 =	sld [smem:$0x3FFC];
	_ =	sdelay $0x3  }
0x94: {  	_ =	strace s3  }
0x95: {  	s3 =	sld [smem:$0x3FFD];
	_ =	sdelay $0x3  }
0x96: {  	_ =	strace s3  }
0x97: {  	_ =	strace $0x8FFFFFFF  }
0x98: {  	s19 =	sld [smem:$0x3FDB];
	_ =	sdelay $0x1  }
0x99: {  	s4 =	simm.s32 $_scs_section_size  }
0x9a: {  	s5 =	simm.s32 $_size__tile_overlayer_lowered;
	s6 =	simm.s32 $_tile_overlayer_lowered  }
0x9b: {  	s22 =	simm.s32 $0x1BFF;
	s21 =	sshll.u32 s6, $0x1;
	s3 =	sadd.s32 s4, s19  }
0x9c: {  	s7 =	simm.s32 $0x0;
	s20 =	sshll.u32 s5, $0x1;
	s5 =	sadd.s32 s21, s3  }
0x9d: {  	[timem:s7], [sflag:s22] =	dma.local [hbm:s5], s20  }
0x9e: {  	_ =	swait.ge [sflag:s22], s20  }
0x9f: {  	s4 =	ssub.s32 $0x0, s20;
	[sflag:s22] =	ssyncset.done $0x0  }
0xa0: {  	[sflag:s22] =	ssyncadd.s32 s4;
	_ =	sdelay $0x1  }
0xa1: {  	s23 =	simm.s32 $0x1B8B  }
0xa2: {  	_ =	swait.ge [sflag:s23], $0x1  }
0xa3: {  	[sflag:s23] =	ssyncset.done $0x0  }
0xa4: {  	s25 =	simm.s32 $0x1B8E;
	s24 =	sld [smem:$0x3FFE];
	[sflag:s23] =	ssyncadd.s32 $0xFFFFFFFF  }
0xa5: {  	s26 =	simm.s32 $execute0_lowered;
	[smem:$0x3FD2] =	sst s25  }
0xa6: {  	s5 =	sshll.u32 s26, $0x1;
	_ =	strace $0x80000046;
	[dreg:$0x1] =	wrdreg $0xFFFFFFFF  }
0xa7: {  	s28 =	simm.s32 $_size_execute0_lowered;
	s3 =	sadd.s32 s3, s5;
	[dreg:$0x0] =	wrdreg $0x0  }
0xa8: {  	s5 =	sshll.u32 s28, $0x1;
	[dreg:$0x2] =	wrdreg s3  }
0xa9: {  	[dreg:$0x3] =	wrdreg s5  }
0xaa: {  	[dreg:$0x4] =	wrdreg $0xC0  }
0xab: {  	_ =	task [dreg:s7], $0x5FFFF  }
0xac: {  	[dreg:$0x1] =	wrdreg $0xFFFFFFFF  }
0xad: {  	[dreg:$0x0] =	wrdreg $0x60  }
0xae: {  	[dreg:$0x2] =	wrdreg s2  }
0xaf: {  	[dreg:$0x3] =	wrdreg s24  }
0xb0: {  	[dreg:$0x4] =	wrdreg $0x9  }
0xb1: {  	_ =	task.clear_ibuf [dreg:s7], $0x5FFFF;
	_ =	strace $0x90000046  }
0xb2: {  	s29 =	simm.s32 $0x9;
	_ =	strace $0x80000048  }
0xb3: {  	_ =	swait.ge [sflag:s29], $0x1  }
0xb4: {  	[sflag:s29] =	ssyncadd.s32 $0xFFFFFFFF  }
0xb5: {  	_ =	strace $0x90000048  }
0xb6: {  	_ =	sfence  }
0xb7: {  	s30 =	sld [smem:$0x0];
	_ =	sdelay $0x2  }
0xb8: {  	s31 =	sshll.u32 s1, $0xD;
	s1 =	sshrl.u32 s1, $0x2  }
0xb9: {  	s3 =	sand.u32 $0x4000, s31;
	s1 =	sadd.s32 s1, s30  }
0xba: {  	s0 =	sor.u32 s3, s0;
	s1 =	sshll.u32 s1, $0x11  }
0xbb: {  	s0 =	sor.u32 s1, s0  }
0xbc: {  	s0 =	sadd.s32 $0x8F2B, s0  }
0xbd: {  	[sflag:s0] =	ssyncadd.remote.s32 $0x1  }
0xbe: {  	_ =	sfence.sel $0xFFFF  }
0xbf: {  	[dreg:$0x0] =	wrdreg $0xFFFFFFFF;
	(pc) =	sbr.abs _section_cstart, $3  }
0xc0: {  	[dreg:$0x1] =	wrdreg $0xFFFFFFFF  }
0xc1: {  	_ =	task.clear_ibuf [dreg:s7], $0x2FFFF;
	_ =	strace $0x9FFFFFFF  }
0xc2: {  	(tm) =	ssettm $0x7FFFFFFF  }
0xc3: {  	_ =	shalt  }
tec
execute0_lowered:
.L_overlay_start_1:
0x0: {  	(tag) =	ssettag $0x1  }
0x1: {  	s2 =	rddreg [dreg:$0x0];
	s1 =	srdreg.scid  }
0x2: {  	s0 =	stileid.u32;
	s4 =	rddreg [dreg:$0x1]  }
0x3: {  	s3 =	simm.s32 $0x0;
	s14 =	simm.s32 $0x5400;
	s15 =	simm.s32 $0x100  }
0x4: {  	s16 =	simm.s32 $0x9400;
	s17 =	simm.s32 $0x1;
	s18 =	simm.s32 $0x4  }
0x5: {  	s19 =	simm.s32 $0x2;
	s20 =	simm.s32 $0x5;
	s21 =	simm.s32 $0x3  }
0x6: {  	s22 =	simm.s32 $0x6;
	s8 =	sand.u32 $0x1, s1;
	s5 =	sshll.u32 s0, $0x1  }
0x7: {  	s23 =	simm.s32 $0x1380;
	s12 =	smul.u32 $0x27100, s0;
	s5 =	sor.u32 s8, s5  }
0x8: {  	s24 =	simm.s32 $0x0;
	s1 =	rddreg [dreg:$0x2];
	s6 =	smul.u32 $0x280, s5  }
0x9: {  	[smem:$0x7FF] =	sst s3;
	s30 =	ssub.s32 $0x2, s8;
	s7 =	smul.u32 $0x9C400, s5  }
0xa: {  	s10 =	sadd.s32 $0xA800, s4;
	s9 =	sshrl.u32 s30, $0x1;
	s11 =	smul.u32 $0x13880, s5  }
0xb: {  	_ =	strace $0x80000047;
	s13 =	smul.u32 $0x13880, s8;
	s9 =	ssub.s32 s30, s9  }
0xc: {  	s6 =	sadd.s32 s6, s4;
	s7 =	sshrl.u32 s7, $0x3;
	s11 =	sadd.s32 s10, s11  }
0xd: {  	s4 =	sadd.s32 $0x5800, s6;
	s31 =	sadd.s32 s10, s7;
	s6 =	smax.u32 s9, $0x1  }
0xe: {  	s7 =	sadd.s32 $0x12000, s11;
	s8 =	sadd.s32 $0x12800, s11;
	s9 =	sadd.s32 $0x13000, s11  }
0xf: {  	s10 =	sadd.s32 s12, s10;
	s11 =	simm.s32 $0x7;
	s12 =	simm.s32 $0x80  }
0x10: {  	s5 =	sadd.s32 $0x13800, s31;
	s10 =	sadd.s32 s13, s10;
	s13 =	simm.s32 $0x1400  }
.LBB2_1:
0x11: {  	[tilespmem:s3], [sflag:$0x7] =	stream.linear.gather [hbm4b:s4+s3], $0x1400, $0x38;
	[tilespmem:$0xD400] =	vst v63  }
0x12: {  	_ =	swait.ge [sflag:s11], $0x1400  }
0x13: {  	[sflag:s11] =	ssyncset.done $0x0  }
0x14: {  	[sflag:s11] =	ssyncadd.s32 $0xFFFFEC00  }
0x15: {  	[tilespmem:s13], [sflag:$0x1] =	stream.indirect.gather [hbm4b:s2+s12], $0x80, s3, s12, $0xb8;
	[tilespmem:$0xD400] =	vst v63  }
0x16: {  	_ = 	snop  }
0x17: {  	[tilespmem:s14], [sflag:$0x2] =	stream.indirect.gather [hbm4b:s2+s12], $0x80, s12, s12, $0xb8;
	[tilespmem:$0xD400] =	vst v63  }
0x18: {  	_ = 	snop  }
0x19: {  	[tilespmem:s16], [sflag:$0x3] =	stream.indirect.gather [hbm4b:s2+s12], $0x80, s15, s12, $0xb8;
	[tilespmem:$0xD400] =	vst v63  }
0x1a: {  	_ =	swait.ge [sflag:s17], $0x4000  }
0x1b: {  	[sflag:s17] =	ssyncset.done $0x0  }
0x1c: {  	s25 =	sadd.s32 $0x0, s10;
	[sflag:s17] =	ssyncadd.s32 $0xFFFFC000  }
0x1d: {  	[hbm4b:s25+s3] =	stream.linear.scatter [tilespmem:s13], [sflag:$0x4], $0x4000, $0x38;
	[tilespmem:$0xD400] =	vst v63  }
0x1e: {  	_ =	swait.ge [sflag:s18], $0x4000  }
0x1f: {  	[sflag:s18] =	ssyncset.done $0x0  }
0x20: {  	s26 =	simm.s32 $0x180;
	[sflag:s18] =	ssyncadd.s32 $0xFFFFC000  }
0x21: {  	[tilespmem:s13], [sflag:$0x1] =	stream.indirect.gather [hbm4b:s2+s12], $0x80, s26, s12, $0xb8;
	[tilespmem:$0xD400] =	vst v63  }
0x22: {  	_ =	swait.ge [sflag:s19], $0x4000  }
0x23: {  	[sflag:s19] =	ssyncset.done $0x0  }
0x24: {  	s30 =	sadd.s32 $0x800, s25;
	[sflag:s19] =	ssyncadd.s32 $0xFFFFC000  }
0x25: {  	[hbm4b:s30+s3] =	stream.linear.scatter [tilespmem:s14], [sflag:$0x5], $0x4000, $0x38;
	[tilespmem:$0xD400] =	vst v63  }
0x26: {  	_ =	swait.ge [sflag:s20], $0x4000  }
0x27: {  	[sflag:s20] =	ssyncset.done $0x0  }
0x28: {  	s31 =	simm.s32 $0x200;
	[sflag:s20] =	ssyncadd.s32 $0xFFFFC000  }
0x29: {  	[tilespmem:s14], [sflag:$0x2] =	stream.indirect.gather [hbm4b:s2+s12], $0x80, s31, s12, $0xb8;
	[tilespmem:$0xD400] =	vst v63  }
0x2a: {  	_ =	swait.ge [sflag:s21], $0x4000  }
0x2b: {  	[sflag:s21] =	ssyncset.done $0x0  }
0x2c: {  	s25 =	sadd.s32 $0x1000, s25;
	[sflag:s21] =	ssyncadd.s32 $0xFFFFC000  }
0x2d: {  	[hbm4b:s25+s3] =	stream.linear.scatter [tilespmem:s16], [sflag:$0x6], $0x4000, $0x38;
	[tilespmem:$0xD400] =	vst v63  }
0x2e: {  	_ =	swait.ge [sflag:s22], $0x4000  }
0x2f: {  	s28 =	simm.s32 $0x400;
	[sflag:s22] =	ssyncset.done $0x0  }
0x30: {  	s26 =	simm.s32 $0x1800;
	s25 =	simm.s32 $0x280;
	[sflag:s22] =	ssyncadd.s32 $0xFFFFC000  }
.LBB2_2:
0x31: {  	[tilespmem:s16], [sflag:$0x3] =	stream.indirect.gather [hbm4b:s2+s12], $0x80, s25, s12, $0xb8;
	[tilespmem:$0xD400] =	vst v63  }
0x32: {  	s29 =	smov.u32 s26;
	s25 =	smov.u32 s28  }
0x33: {  	p0 =	sne.s32 s26, $0x10800;
	s26 =	sadd.s32 $0x1800, s26;
	_ =	swait.ge [sflag:s17], $0x4000  }
0x34: {  	[sflag:s17] =	ssyncset.done $0x0  }
0x35: {  	s29 =	sadd.s32 s29, s10;
	[sflag:s17] =	ssyncadd.s32 $0xFFFFC000  }
0x36: {  	[hbm4b:s29+s3] =	stream.linear.scatter [tilespmem:s13], [sflag:$0x4], $0x4000, $0x38;
	[tilespmem:$0xD400] =	vst v63  }
0x37: {  	_ =	swait.ge [sflag:s18], $0x4000  }
0x38: {  	[sflag:s18] =	ssyncset.done $0x0  }
0x39: {  	s30 =	sadd.s32 $0xFFFFFF00, s28;
	[sflag:s18] =	ssyncadd.s32 $0xFFFFC000  }
0x3a: {  	[tilespmem:s13], [sflag:$0x1] =	stream.indirect.gather [hbm4b:s2+s12], $0x80, s30, s12, $0xb8;
	[tilespmem:$0xD400] =	vst v63  }
0x3b: {  	_ =	swait.ge [sflag:s19], $0x4000  }
0x3c: {  	[sflag:s19] =	ssyncset.done $0x0  }
0x3d: {  	s30 =	sadd.s32 $0x800, s29;
	[sflag:s19] =	ssyncadd.s32 $0xFFFFC000  }
0x3e: {  	[hbm4b:s30+s3] =	stream.linear.scatter [tilespmem:s14], [sflag:$0x5], $0x4000, $0x38;
	[tilespmem:$0xD400] =	vst v63  }
0x3f: {  	_ =	swait.ge [sflag:s20], $0x4000  }
0x40: {  	[sflag:s20] =	ssyncset.done $0x0  }
0x41: {  	s30 =	sadd.s32 $0xFFFFFF80, s28;
	[sflag:s20] =	ssyncadd.s32 $0xFFFFC000  }
0x42: {  	[tilespmem:s14], [sflag:$0x2] =	stream.indirect.gather [hbm4b:s2+s12], $0x80, s30, s12, $0xb8;
	[tilespmem:$0xD400] =	vst v63  }
0x43: {  	_ =	swait.ge [sflag:s21], $0x4000  }
0x44: {  	[sflag:s21] =	ssyncset.done $0x0  }
.Ltmp0:
0x45: {  	s29 =	sadd.s32 $0x1000, s29;
	[sflag:s21] =	ssyncadd.s32 $0xFFFFC000;
	(pc) =	sbr.rel @p0 .LBB2_2-.Ltmp0, $4  }
0x46: {  	[hbm4b:s29+s3] =	stream.linear.scatter [tilespmem:s16], [sflag:$0x6], $0x4000, $0x38;
	[tilespmem:$0xD400] =	vst v63  }
0x47: {  	_ =	swait.ge [sflag:s22], $0x4000  }
0x48: {  	[sflag:s22] =	ssyncset.done $0x0  }
0x49: {  	s28 =	sadd.s32 $0x180, s28;
	[sflag:s22] =	ssyncadd.s32 $0xFFFFC000  }
0x4a: {  	[tilespmem:s16], [sflag:$0x3] =	stream.indirect.gather [hbm4b:s2+s12], $0x80, s25, s12, $0xb8;
	[tilespmem:$0xD400] =	vst v63  }
0x4b: {  	_ =	swait.ge [sflag:s17], $0x4000  }
0x4c: {  	[sflag:s17] =	ssyncset.done $0x0  }
0x4d: {  	[sflag:s17] =	ssyncadd.s32 $0xFFFFC000  }
0x4e: {  	[hbm4b:s7+s3] =	stream.linear.scatter [tilespmem:s13], [sflag:$0x4], $0x4000, $0x38;
	[tilespmem:$0xD400] =	vst v63  }
0x4f: {  	_ =	swait.ge [sflag:s18], $0x4000  }
0x50: {  	[sflag:s18] =	ssyncset.done $0x0  }
0x51: {  	[sflag:s18] =	ssyncadd.s32 $0xFFFFC000  }
0x52: {  	[tilespmem:s13], [sflag:$0x1] =	stream.indirect.gather [hbm4b:s2+s12], $0x80, s23, s12, $0xb8;
	[tilespmem:$0xD400] =	vst v63  }
0x53: {  	_ =	swait.ge [sflag:s19], $0x4000  }
0x54: {  	[sflag:s19] =	ssyncset.done $0x0  }
0x55: {  	[sflag:s19] =	ssyncadd.s32 $0xFFFFC000  }
0x56: {  	[hbm4b:s8+s3] =	stream.linear.scatter [tilespmem:s14], [sflag:$0x5], $0x4000, $0x38;
	[tilespmem:$0xD400] =	vst v63  }
0x57: {  	_ =	swait.ge [sflag:s20], $0x4000  }
0x58: {  	[sflag:s20] =	ssyncset.done $0x0  }
0x59: {  	[sflag:s20] =	ssyncadd.s32 $0xFFFFC000  }
0x5a: {  	_ =	swait.ge [sflag:s21], $0x4000  }
0x5b: {  	[sflag:s21] =	ssyncset.done $0x0  }
0x5c: {  	[sflag:s21] =	ssyncadd.s32 $0xFFFFC000  }
0x5d: {  	[hbm4b:s9+s3] =	stream.linear.scatter [tilespmem:s16], [sflag:$0x6], $0x4000, $0x38;
	[tilespmem:$0xD400] =	vst v63  }
0x5e: {  	_ =	swait.ge [sflag:s22], $0x4000  }
0x5f: {  	[sflag:s22] =	ssyncset.done $0x0  }
0x60: {  	[sflag:s22] =	ssyncadd.s32 $0xFFFFC000  }
0x61: {  	s24 =	sadd.s32 $0x1, s24;
	_ =	swait.ge [sflag:s17], $0x4000  }
0x62: {  	p0 =	sne.s32 s24, s6;
	[sflag:s17] =	ssyncset.done $0x0  }
.Ltmp1:
0x63: {  	[sflag:s17] =	ssyncadd.s32 $0xFFFFC000;
	(pc) =	sbr.rel @p0 .LBB2_1-.Ltmp1, $4  }
0x64: {  	[hbm4b:s5+s3] =	stream.linear.scatter [tilespmem:s13], [sflag:$0x4], $0x400, $0x38;
	[tilespmem:$0xD400] =	vst v63  }
0x65: {  	_ =	swait.ge [sflag:s18], $0x400  }
0x66: {  	[sflag:s18] =	ssyncset.done $0x0  }
0x67: {  	[sflag:s18] =	ssyncadd.s32 $0xFFFFFC00  }
0x68: {  	_ =	sfence.sel $0x180000  }
0x69: {  	[bflag:$0x0] =	sbarrier.arrive $0xFFFF  }
0x6a: {  	p0 =	sne.s32 s0, $0x0;
	_ =	strace $0x90000047  }
0x6b: {  	s0 =	sadd.s32 @!p0 $0x100000, s1;
	[bflag:$0x2] =	sbarrier.arrive $0xFFFF  }
0x6c: {  	[sflag:s0] =	ssyncadd.tile.s32 @!p0 $0x1;
	_ =	shalt  }
.Lfunc_end2:
_tile_overlayer_lowered:
.L_overlay_start_2:
0x6d: {  	(tag) =	ssettag $0x2  }
0x6e: {  	s0 =	rddreg [dreg:$0x0];
	s2 =	stileid.u32  }
0x6f: {  	s1 =	rddreg [dreg:$0x1];
	p0 =	sne.s32 s2, $0x0  }
0x70: {  	s3 =	rddreg [dreg:$0x2];
	[bflag:$0x3] =	sbarrier.arrive $0xFFFF;
	s2 =	simm.s32 @!p0 $0x1C07  }
0x71: {  	[timem:s3], [sflag:s2] =	dma.local @!p0 [hbm:s0], s1  }
0x72: {  	s0 =	simm.s32 @!p0 $0x7  }
0x73: {  	_ =	swait.ge @!p0 [sflag:s0], s1  }
0x74: {  	s1 =	ssub.s32 @!p0 $0x0, s1;
	[sflag:s0] =	ssyncset.done @!p0 $0x0  }
0x75: {  	[sflag:s0] =	ssyncadd.s32 @!p0 s1  }
0x76: {  	[bflag:$0x3] =	sbarrier.arrive $0xFFFF  }
0x77: {  	_ =	shalt  }

// kernel: kernel.14.cloned.1.call-start
scs
__scs_entry_jumppad:
0x0: {  	(pc) =	sbr.rel $0x88, $3  }
0x1: {  	(tag) =	ssettag $0x0;
	lr =	simm.s32 $0x1  }
0x2: {  	[smem:$0x3F8D] =	sst lr;
	_ =	strace $0xD0000000  }
0x3: {  	_ = 	snop  }
0x4: {  	_ = 	snop  }
0x5: {  	_ = 	snop  }
0x6: {  	_ = 	snop  }
0x7: {  	_ = 	snop  }
__scs_overlays_trampoline_lowered:
0x8: {  	[smem:$0x3F9C] =	sst s0  }
0x9: {  	[smem:$0x3F9D] =	sst s1  }
0xa: {  	[smem:$0x3F9E] =	sst s2  }
0xb: {  	[smem:$0x3F9F] =	sst s3  }
0xc: {  	[smem:$0x3FA0] =	sst s4  }
0xd: {  	[smem:$0x3FA1] =	sst s5  }
0xe: {  	[smem:$0x3FA2] =	sst s6  }
0xf: {  	[smem:$0x3FA3] =	sst s7  }
0x10: {  	[smem:$0x3FA4] =	sst s8  }
0x11: {  	[smem:$0x3FA5] =	sst s9;
	s0 =	simm.s32 @!p0 $0x0  }
0x12: {  	s1 =	sld [smem:$0x3F8B];
	s0 =	simm.s32 @p0 $0x1  }
0x13: {  	[smem:$0x3FA6] =	sst s0;
	s0 =	simm.s32 @!p1 $0x0  }
0x14: {  	s2 =	sld [smem:$0x3F8A];
	s0 =	simm.s32 @p1 $0x1  }
0x15: {  	[smem:$0x3FA7] =	sst s0;
	s0 =	simm.s32 @!p2 $0x0  }
0x16: {  	s3 =	sld [smem:$0x3FDB];
	s0 =	simm.s32 @p2 $0x1  }
0x17: {  	s4 =	simm.s32 $0x1BF5;
	[smem:$0x3FA9] =	sst s0  }
0x18: {  	s0 =	sld [smem:$0x3F8C];
	_ =	swait.ge [sflag:s4], $0x0  }
0x19: {  	s7 =	sld [smem:$0x3F8D]  }
0x1a: {  	s8 =	sadd.s32 $0xFFFFE003, lr  }
0x1b: {  	s9 =	sadd.s32 $0xFFFFFEF7, lr;
	s5 =	simm.s32 $0xFFFFFFFF;
	p2 =	slt.u32 s8, $0xFFFFF086  }
0x1c: {  	p1 =	slt.u32 s9, $0xF7A;
	s5 =	simm.s32 @!p2 $0x0  }
0x1d: {  	s5 =	simm.s32 @p1 $0x1;
	p0 =	seq.s32 s7, s2  }
0x1e: {  	s7 =	smul.u32 @!p0 $0xF7A, s2;
	p2 =	seq.s32 @!p0 s5, $0x0  }
0x1f: {  	s9 =	smul.u32 $0xF7A, s1;
	s8 =	simm.s32 @!p0 $0x1BF5;
	p2 =	por !p2, p0  }
0x20: {  	[sflag:s8] =	ssyncset.s32 @!p0 $0xFFFFF086;
	s6 =	sadd.s32 @!p0 s3, s7;
	s7 =	simm.s32 @!p0 $0x108  }
0x21: {  	s3 =	sadd.s32 s3, s9;
	s6 =	sadd.s32 @!p0 $0x88, s6;
	s7 =	simm.s32 @p2 $0x1082  }
0x22: {  	[simem:s7], [sflag:s8] =	dma.local @!p0 [hbm:s6], $0xF7A  }
0x23: {  	s9 =	sor.u32 $0xD0000000, s2;
	s6 =	simm.s32 $0x108;
	_ =	swait.ge @!p0 [sflag:s8], $0x0  }
0x24: {  	s3 =	sadd.s32 $0x88, s3;
	s6 =	simm.s32 @!p1 $0x1082;
	[sflag:s4] =	ssyncset.s32 $0xFFFFF086  }
0x25: {  	[simem:s6], [sflag:s4] =	dma.local [hbm:s3], $0xF7A  }
0x26: {  	[smem:$0x3F8D] =	sst s1;
	(tag) =	ssettag s2;
	_ =	strace s9  }
0x27: {  	s1 =	sld [smem:$0x3F9D]  }
0x28: {  	s2 =	sld [smem:$0x3F9E]  }
0x29: {  	s4 =	sld [smem:$0x3FA0]  }
0x2a: {  	p0 =	seq.s32 s5, $0x0;
	s5 =	sld [smem:$0x3FA1]  }
0x2b: {  	s6 =	sld [smem:$0x3FA2]  }
0x2c: {  	s7 =	sld [smem:$0x3FA3]  }
0x2d: {  	s3 =	simm.s32 $0x108;
	s8 =	sld [smem:$0x3FA4]  }
0x2e: {  	s3 =	simm.s32 @!p0 $0x1082;
	s9 =	sld [smem:$0x3FA5]  }
0x2f: {  	lr =	sadd.s32 s0, s3;
	s0 =	sld [smem:$0x3F9C]  }
0x30: {  	s3 =	sld [smem:$0x3F9F]  }
0x31: {  	[smem:$0x3FA8] =	sst s10  }
0x32: {  	s10 =	sld [smem:$0x3FA6];
	_ =	sdelay $0x3  }
0x33: {  	p0 =	seq.s32 s10, $0x1;
	s10 =	sld [smem:$0x3FA8];
	_ =	sdelay $0x3  }
0x34: {  	[smem:$0x3FA8] =	sst s10  }
0x35: {  	s10 =	sld [smem:$0x3FA7];
	_ =	sdelay $0x3  }
0x36: {  	p1 =	seq.s32 s10, $0x1;
	s10 =	sld [smem:$0x3FA8];
	_ =	sdelay $0x3  }
0x37: {  	[smem:$0x3FA8] =	sst s10  }
0x38: {  	s10 =	sld [smem:$0x3FA9]  }
0x39: {  	_ = 	snop;
	(pc) =	sbr.ind lr, $3  }
0x3a: {  	_ = 	snop  }
0x3b: {  	_ = 	snop  }
0x3c: {  	p2 =	seq.s32 s10, $0x1;
	s10 =	sld [smem:$0x3FA8]  }
0x3d: {  	_ =	shalt  }
0x3e: {  	_ =	shalt  }
0x3f: {  	_ =	shalt  }
0x40: {  	_ =	shalt  }
0x41: {  	_ =	shalt  }
0x42: {  	_ =	shalt  }
0x43: {  	_ =	shalt  }
0x44: {  	_ =	shalt  }
0x45: {  	_ =	shalt  }
0x46: {  	_ =	shalt  }
0x47: {  	_ =	shalt  }
0x48: {  	_ =	shalt  }
0x49: {  	_ =	shalt  }
0x4a: {  	_ =	shalt  }
0x4b: {  	_ =	shalt  }
0x4c: {  	_ =	shalt  }
0x4d: {  	_ =	shalt  }
0x4e: {  	_ =	shalt  }
0x4f: {  	_ =	shalt  }
0x50: {  	_ =	shalt  }
0x51: {  	_ =	shalt  }
0x52: {  	_ =	shalt  }
0x53: {  	_ =	shalt  }
0x54: {  	_ =	shalt  }
0x55: {  	_ =	shalt  }
0x56: {  	_ =	shalt  }
0x57: {  	_ =	shalt  }
0x58: {  	_ =	shalt  }
0x59: {  	_ =	shalt  }
0x5a: {  	_ =	shalt  }
0x5b: {  	_ =	shalt  }
0x5c: {  	_ =	shalt  }
0x5d: {  	_ =	shalt  }
0x5e: {  	_ =	shalt  }
0x5f: {  	_ =	shalt  }
0x60: {  	_ =	shalt  }
0x61: {  	_ =	shalt  }
0x62: {  	_ =	shalt  }
0x63: {  	_ =	shalt  }
0x64: {  	_ =	shalt  }
0x65: {  	_ =	shalt  }
0x66: {  	_ =	shalt  }
0x67: {  	_ =	shalt  }
0x68: {  	_ =	shalt  }
0x69: {  	_ =	shalt  }
0x6a: {  	_ =	shalt  }
0x6b: {  	_ =	shalt  }
0x6c: {  	_ =	shalt  }
0x6d: {  	_ =	shalt  }
0x6e: {  	_ =	shalt  }
0x6f: {  	_ =	shalt  }
0x70: {  	_ =	shalt  }
0x71: {  	_ =	shalt  }
0x72: {  	_ =	shalt  }
0x73: {  	_ =	shalt  }
0x74: {  	_ =	shalt  }
0x75: {  	_ =	shalt  }
0x76: {  	_ =	shalt  }
0x77: {  	_ =	shalt  }
0x78: {  	_ =	shalt  }
0x79: {  	_ =	shalt  }
0x7a: {  	_ =	shalt  }
0x7b: {  	_ =	shalt  }
0x7c: {  	_ =	shalt  }
0x7d: {  	_ =	shalt  }
0x7e: {  	_ =	shalt  }
0x7f: {  	_ =	shalt  }
0x80: {  	_ =	shalt  }
0x81: {  	_ =	shalt  }
0x82: {  	_ =	shalt  }
0x83: {  	_ =	shalt  }
0x84: {  	_ =	shalt  }
0x85: {  	_ =	shalt  }
0x86: {  	_ =	shalt  }
0x87: {  	_ =	shalt  }
.Lfunc_end0:
.L_simem_size_0:
called_computation.1_lowered:
.L_overlay_start_0:
0x88: {  	s2 =	sld [smem:$0x3FD9]  }
0x89: {  	s3 =	sld [smem:$0x3FFE];
	_ =	sdelay $0x1  }
0x8a: {  	s1 =	srdreg.scid  }
0x8b: {  	s0 =	sand.u32 $0x1, s1  }
0x8c: {  	s16 =	sshll.u32 s0, $0xA;
	s2 =	sadd.s32 s3, s2  }
0x8d: {  	s2 =	sadd.s32 s2, s16  }
0x8e: {  	[smem:$0x3FB4] =	sst s2  }
0x8f: {  	_ = 	snop  }
0x90: {  	(tm) =	ssettm $0x1  }
0x91: {  	s17 =	sld [smem:$0x3FFB];
	_ =	sdelay $0x3  }
0x92: {  	_ =	strace s17  }
0x93: {  	s2 =	sld [smem:$0x3FFC];
	_ =	sdelay $0x3  }
0x94: {  	_ =	strace s2  }
0x95: {  	s2 =	sld [smem:$0x3FFD];
	_ =	sdelay $0x3  }
0x96: {  	_ =	strace s2  }
0x97: {  	_ =	strace $0x8FFFFFFF  }
0x98: {  	s18 =	sld [smem:$0x3FDB];
	_ =	sdelay $0x1  }
0x99: {  	s19 =	simm.s32 $_scs_section_size  }
0x9a: {  	s4 =	simm.s32 $_size__tile_overlayer_lowered;
	s5 =	simm.s32 $_tile_overlayer_lowered  }
0x9b: {  	s22 =	simm.s32 $0x1BFF;
	s21 =	sshll.u32 s5, $0x1;
	s2 =	sadd.s32 s19, s18  }
0x9c: {  	s6 =	simm.s32 $0x0;
	s20 =	sshll.u32 s4, $0x1;
	s4 =	sadd.s32 s21, s2  }
0x9d: {  	[timem:s6], [sflag:s22] =	dma.local [hbm:s4], s20  }
0x9e: {  	_ =	swait.ge [sflag:s22], s20  }
0x9f: {  	s3 =	ssub.s32 $0x0, s20;
	[sflag:s22] =	ssyncset.done $0x0  }
0xa0: {  	[sflag:s22] =	ssyncadd.s32 s3;
	_ =	sdelay $0x1  }
0xa1: {  	s23 =	simm.s32 $0x1B8B  }
0xa2: {  	_ =	swait.ge [sflag:s23], $0x1  }
0xa3: {  	[sflag:s23] =	ssyncset.done $0x0  }
0xa4: {  	s25 =	simm.s32 $0x1B8E;
	s24 =	sld [smem:$0x3FFE];
	[sflag:s23] =	ssyncadd.s32 $0xFFFFFFFF  }
0xa5: {  	s26 =	simm.s32 $execute0_lowered;
	[smem:$0x3FD2] =	sst s25  }
0xa6: {  	s4 =	sshll.u32 s26, $0x1;
	_ =	strace $0x80000049;
	[dreg:$0x1] =	wrdreg $0xFFFFFFFF  }
0xa7: {  	s28 =	simm.s32 $_size_execute0_lowered;
	s2 =	sadd.s32 s2, s4;
	[dreg:$0x0] =	wrdreg $0x0  }
0xa8: {  	s4 =	sshll.u32 s28, $0x1;
	[dreg:$0x2] =	wrdreg s2  }
0xa9: {  	[dreg:$0x3] =	wrdreg s4  }
0xaa: {  	[dreg:$0x4] =	wrdreg $0xC0  }
0xab: {  	_ =	task [dreg:s6], $0x5FFFF  }
0xac: {  	[dreg:$0x1] =	wrdreg $0xFFFFFFFF  }
0xad: {  	[dreg:$0x0] =	wrdreg $0x60  }
0xae: {  	[dreg:$0x2] =	wrdreg s24  }
0xaf: {  	[dreg:$0x3] =	wrdreg $0x9  }
0xb0: {  	_ =	task.clear_ibuf [dreg:s6], $0x4FFFF;
	_ =	strace $0x90000049  }
0xb1: {  	s29 =	simm.s32 $0x9;
	_ =	strace $0x8000004B  }
0xb2: {  	_ =	swait.ge [sflag:s29], $0x1  }
0xb3: {  	[sflag:s29] =	ssyncadd.s32 $0xFFFFFFFF  }
0xb4: {  	_ =	strace $0x9000004B  }
0xb5: {  	_ =	sfence  }
0xb6: {  	s30 =	sld [smem:$0x0];
	_ =	sdelay $0x2  }
0xb7: {  	s31 =	sshll.u32 s1, $0xD;
	s1 =	sshrl.u32 s1, $0x2  }
0xb8: {  	s3 =	sand.u32 $0x4000, s31;
	s1 =	sadd.s32 s1, s30  }
0xb9: {  	s0 =	sor.u32 s3, s0;
	s1 =	sshll.u32 s1, $0x11  }
0xba: {  	s0 =	sor.u32 s1, s0  }
0xbb: {  	s0 =	sadd.s32 $0x8F2B, s0  }
0xbc: {  	[sflag:s0] =	ssyncadd.remote.s32 $0x1  }
0xbd: {  	_ =	sfence.sel $0xFFFF  }
0xbe: {  	[dreg:$0x0] =	wrdreg $0xFFFFFFFF;
	(pc) =	sbr.abs _section_cstart, $3  }
0xbf: {  	[dreg:$0x1] =	wrdreg $0xFFFFFFFF  }
0xc0: {  	_ =	task.clear_ibuf [dreg:s6], $0x2FFFF;
	_ =	strace $0x9FFFFFFF  }
0xc1: {  	(tm) =	ssettm $0x7FFFFFFF  }
tec
execute0_lowered:
.L_overlay_start_1:
0x0: {  	(tag) =	ssettag $0x1  }
0x1: {  	s1 =	srdreg.scid  }
0x2: {  	s0 =	stileid.u32;
	s4 =	rddreg [dreg:$0x0];
	s2 =	simm.s32 $0x0  }
0x3: {  	s14 =	simm.s32 $0x5400;
	s15 =	simm.s32 $0x100;
	s16 =	simm.s32 $0x9400  }
0x4: {  	s17 =	simm.s32 $0x1;
	s18 =	simm.s32 $0x4;
	s19 =	simm.s32 $0x2  }
0x5: {  	s20 =	simm.s32 $0x5;
	s21 =	simm.s32 $0x3;
	s22 =	simm.s32 $0x6  }
0x6: {  	s23 =	simm.s32 $0x1380;
	s8 =	sand.u32 $0x1, s1;
	s3 =	sshll.u32 s0, $0x1  }
0x7: {  	s1 =	rddreg [dreg:$0x1];
	s12 =	smul.u32 $0x27100, s0;
	s5 =	sor.u32 s8, s3  }
0x8: {  	s24 =	simm.s32 $0x0;
	[smem:$0x7FF] =	sst s2;
	s6 =	smul.u32 $0x280, s5  }
0x9: {  	s10 =	sadd.s32 $0x4EC800, s4;
	s30 =	ssub.s32 $0x2, s8;
	s7 =	smul.u32 $0x9C400, s5  }
0xa: {  	_ =	strace $0x8000004A;
	s9 =	sshrl.u32 s30, $0x1;
	s11 =	smul.u32 $0x13880, s5  }
0xb: {  	s3 =	sadd.s32 $0xA800, s4;
	s13 =	smul.u32 $0x13880, s8;
	s9 =	ssub.s32 s30, s9  }
0xc: {  	s6 =	sadd.s32 s6, s4;
	s7 =	sshrl.u32 s7, $0x3;
	s11 =	sadd.s32 s10, s11  }
0xd: {  	s4 =	sadd.s32 $0x5800, s6;
	s31 =	sadd.s32 s10, s7;
	s6 =	smax.u32 s9, $0x1  }
0xe: {  	s7 =	sadd.s32 $0x12000, s11;
	s8 =	sadd.s32 $0x12800, s11;
	s9 =	sadd.s32 $0x13000, s11  }
0xf: {  	s10 =	sadd.s32 s12, s10;
	s11 =	simm.s32 $0x7;
	s12 =	simm.s32 $0x80  }
0x10: {  	s5 =	sadd.s32 $0x13800, s31;
	s10 =	sadd.s32 s13, s10;
	s13 =	simm.s32 $0x1400  }
.LBB2_1:
0x11: {  	[tilespmem:s2], [sflag:$0x7] =	stream.linear.gather [hbm4b:s4+s2], $0x1400, $0x38;
	[tilespmem:$0xD400] =	vst v63  }
0x12: {  	_ =	swait.ge [sflag:s11], $0x1400  }
0x13: {  	[sflag:s11] =	ssyncset.done $0x0  }
0x14: {  	[sflag:s11] =	ssyncadd.s32 $0xFFFFEC00  }
0x15: {  	[tilespmem:s13], [sflag:$0x1] =	stream.indirect.gather [hbm4b:s3+s12], $0x80, s2, s12, $0xb8;
	[tilespmem:$0xD400] =	vst v63  }
0x16: {  	_ = 	snop  }
0x17: {  	[tilespmem:s14], [sflag:$0x2] =	stream.indirect.gather [hbm4b:s3+s12], $0x80, s12, s12, $0xb8;
	[tilespmem:$0xD400] =	vst v63  }
0x18: {  	_ = 	snop  }
0x19: {  	[tilespmem:s16], [sflag:$0x3] =	stream.indirect.gather [hbm4b:s3+s12], $0x80, s15, s12, $0xb8;
	[tilespmem:$0xD400] =	vst v63  }
0x1a: {  	_ =	swait.ge [sflag:s17], $0x4000  }
0x1b: {  	[sflag:s17] =	ssyncset.done $0x0  }
0x1c: {  	s25 =	sadd.s32 $0x0, s10;
	[sflag:s17] =	ssyncadd.s32 $0xFFFFC000  }
0x1d: {  	[hbm4b:s25+s2] =	stream.linear.scatter [tilespmem:s13], [sflag:$0x4], $0x4000, $0x38;
	[tilespmem:$0xD400] =	vst v63  }
0x1e: {  	_ =	swait.ge [sflag:s18], $0x4000  }
0x1f: {  	[sflag:s18] =	ssyncset.done $0x0  }
0x20: {  	s26 =	simm.s32 $0x180;
	[sflag:s18] =	ssyncadd.s32 $0xFFFFC000  }
0x21: {  	[tilespmem:s13], [sflag:$0x1] =	stream.indirect.gather [hbm4b:s3+s12], $0x80, s26, s12, $0xb8;
	[tilespmem:$0xD400] =	vst v63  }
0x22: {  	_ =	swait.ge [sflag:s19], $0x4000  }
0x23: {  	[sflag:s19] =	ssyncset.done $0x0  }
0x24: {  	s30 =	sadd.s32 $0x800, s25;
	[sflag:s19] =	ssyncadd.s32 $0xFFFFC000  }
0x25: {  	[hbm4b:s30+s2] =	stream.linear.scatter [tilespmem:s14], [sflag:$0x5], $0x4000, $0x38;
	[tilespmem:$0xD400] =	vst v63  }
0x26: {  	_ =	swait.ge [sflag:s20], $0x4000  }
0x27: {  	[sflag:s20] =	ssyncset.done $0x0  }
0x28: {  	s31 =	simm.s32 $0x200;
	[sflag:s20] =	ssyncadd.s32 $0xFFFFC000  }
0x29: {  	[tilespmem:s14], [sflag:$0x2] =	stream.indirect.gather [hbm4b:s3+s12], $0x80, s31, s12, $0xb8;
	[tilespmem:$0xD400] =	vst v63  }
0x2a: {  	_ =	swait.ge [sflag:s21], $0x4000  }
0x2b: {  	[sflag:s21] =	ssyncset.done $0x0  }
0x2c: {  	s25 =	sadd.s32 $0x1000, s25;
	[sflag:s21] =	ssyncadd.s32 $0xFFFFC000  }
0x2d: {  	[hbm4b:s25+s2] =	stream.linear.scatter [tilespmem:s16], [sflag:$0x6], $0x4000, $0x38;
	[tilespmem:$0xD400] =	vst v63  }
0x2e: {  	_ =	swait.ge [sflag:s22], $0x4000  }
0x2f: {  	s28 =	simm.s32 $0x400;
	[sflag:s22] =	ssyncset.done $0x0  }
0x30: {  	s26 =	simm.s32 $0x1800;
	s25 =	simm.s32 $0x280;
	[sflag:s22] =	ssyncadd.s32 $0xFFFFC000  }
.LBB2_2:
0x31: {  	[tilespmem:s16], [sflag:$0x3] =	stream.indirect.gather [hbm4b:s3+s12], $0x80, s25, s12, $0xb8;
	[tilespmem:$0xD400] =	vst v63  }
0x32: {  	s29 =	smov.u32 s26;
	s25 =	smov.u32 s28  }
0x33: {  	p0 =	sne.s32 s26, $0x10800;
	s26 =	sadd.s32 $0x1800, s26;
	_ =	swait.ge [sflag:s17], $0x4000  }
0x34: {  	[sflag:s17] =	ssyncset.done $0x0  }
0x35: {  	s29 =	sadd.s32 s29, s10;
	[sflag:s17] =	ssyncadd.s32 $0xFFFFC000  }
0x36: {  	[hbm4b:s29+s2] =	stream.linear.scatter [tilespmem:s13], [sflag:$0x4], $0x4000, $0x38;
	[tilespmem:$0xD400] =	vst v63  }
0x37: {  	_ =	swait.ge [sflag:s18], $0x4000  }
0x38: {  	[sflag:s18] =	ssyncset.done $0x0  }
0x39: {  	s30 =	sadd.s32 $0xFFFFFF00, s28;
	[sflag:s18] =	ssyncadd.s32 $0xFFFFC000  }
0x3a: {  	[tilespmem:s13], [sflag:$0x1] =	stream.indirect.gather [hbm4b:s3+s12], $0x80, s30, s12, $0xb8;
	[tilespmem:$0xD400] =	vst v63  }
0x3b: {  	_ =	swait.ge [sflag:s19], $0x4000  }
0x3c: {  	[sflag:s19] =	ssyncset.done $0x0  }
0x3d: {  	s30 =	sadd.s32 $0x800, s29;
	[sflag:s19] =	ssyncadd.s32 $0xFFFFC000  }
0x3e: {  	[hbm4b:s30+s2] =	stream.linear.scatter [tilespmem:s14], [sflag:$0x5], $0x4000, $0x38;
	[tilespmem:$0xD400] =	vst v63  }
0x3f: {  	_ =	swait.ge [sflag:s20], $0x4000  }
0x40: {  	[sflag:s20] =	ssyncset.done $0x0  }
0x41: {  	s30 =	sadd.s32 $0xFFFFFF80, s28;
	[sflag:s20] =	ssyncadd.s32 $0xFFFFC000  }
0x42: {  	[tilespmem:s14], [sflag:$0x2] =	stream.indirect.gather [hbm4b:s3+s12], $0x80, s30, s12, $0xb8;
	[tilespmem:$0xD400] =	vst v63  }
0x43: {  	_ =	swait.ge [sflag:s21], $0x4000  }
0x44: {  	[sflag:s21] =	ssyncset.done $0x0  }
.Ltmp0:
0x45: {  	s29 =	sadd.s32 $0x1000, s29;
	[sflag:s21] =	ssyncadd.s32 $0xFFFFC000;
	(pc) =	sbr.rel @p0 .LBB2_2-.Ltmp0, $4  }
0x46: {  	[hbm4b:s29+s2] =	stream.linear.scatter [tilespmem:s16], [sflag:$0x6], $0x4000, $0x38;
	[tilespmem:$0xD400] =	vst v63  }
0x47: {  	_ =	swait.ge [sflag:s22], $0x4000  }
0x48: {  	[sflag:s22] =	ssyncset.done $0x0  }
0x49: {  	s28 =	sadd.s32 $0x180, s28;
	[sflag:s22] =	ssyncadd.s32 $0xFFFFC000  }
0x4a: {  	[tilespmem:s16], [sflag:$0x3] =	stream.indirect.gather [hbm4b:s3+s12], $0x80, s25, s12, $0xb8;
	[tilespmem:$0xD400] =	vst v63  }
0x4b: {  	_ =	swait.ge [sflag:s17], $0x4000  }
0x4c: {  	[sflag:s17] =	ssyncset.done $0x0  }
0x4d: {  	[sflag:s17] =	ssyncadd.s32 $0xFFFFC000  }
0x4e: {  	[hbm4b:s7+s2] =	stream.linear.scatter [tilespmem:s13], [sflag:$0x4], $0x4000, $0x38;
	[tilespmem:$0xD400] =	vst v63  }
0x4f: {  	_ =	swait.ge [sflag:s18], $0x4000  }
0x50: {  	[sflag:s18] =	ssyncset.done $0x0  }
0x51: {  	[sflag:s18] =	ssyncadd.s32 $0xFFFFC000  }
0x52: {  	[tilespmem:s13], [sflag:$0x1] =	stream.indirect.gather [hbm4b:s3+s12], $0x80, s23, s12, $0xb8;
	[tilespmem:$0xD400] =	vst v63  }
0x53: {  	_ =	swait.ge [sflag:s19], $0x4000  }
0x54: {  	[sflag:s19] =	ssyncset.done $0x0  }
0x55: {  	[sflag:s19] =	ssyncadd.s32 $0xFFFFC000  }
0x56: {  	[hbm4b:s8+s2] =	stream.linear.scatter [tilespmem:s14], [sflag:$0x5], $0x4000, $0x38;
	[tilespmem:$0xD400] =	vst v63  }
0x57: {  	_ =	swait.ge [sflag:s20], $0x4000  }
0x58: {  	[sflag:s20] =	ssyncset.done $0x0  }
0x59: {  	[sflag:s20] =	ssyncadd.s32 $0xFFFFC000  }
0x5a: {  	_ =	swait.ge [sflag:s21], $0x4000  }
0x5b: {  	[sflag:s21] =	ssyncset.done $0x0  }
0x5c: {  	[sflag:s21] =	ssyncadd.s32 $0xFFFFC000  }
0x5d: {  	[hbm4b:s9+s2] =	stream.linear.scatter [tilespmem:s16], [sflag:$0x6], $0x4000, $0x38;
	[tilespmem:$0xD400] =	vst v63  }
0x5e: {  	_ =	swait.ge [sflag:s22], $0x4000  }
0x5f: {  	[sflag:s22] =	ssyncset.done $0x0  }
0x60: {  	[sflag:s22] =	ssyncadd.s32 $0xFFFFC000  }
0x61: {  	s24 =	sadd.s32 $0x1, s24;
	_ =	swait.ge [sflag:s17], $0x4000  }
0x62: {  	p0 =	sne.s32 s24, s6;
	[sflag:s17] =	ssyncset.done $0x0  }
.Ltmp1:
0x63: {  	[sflag:s17] =	ssyncadd.s32 $0xFFFFC000;
	(pc) =	sbr.rel @p0 .LBB2_1-.Ltmp1, $4  }
0x64: {  	[hbm4b:s5+s2] =	stream.linear.scatter [tilespmem:s13], [sflag:$0x4], $0x400, $0x38;
	[tilespmem:$0xD400] =	vst v63  }
0x65: {  	_ =	swait.ge [sflag:s18], $0x400  }
0x66: {  	[sflag:s18] =	ssyncset.done $0x0  }
0x67: {  	[sflag:s18] =	ssyncadd.s32 $0xFFFFFC00  }
0x68: {  	_ =	sfence.sel $0x180000  }
0x69: {  	[bflag:$0x0] =	sbarrier.arrive $0xFFFF  }
0x6a: {  	p0 =	sne.s32 s0, $0x0;
	_ =	strace $0x9000004A  }
0x6b: {  	s0 =	sadd.s32 @!p0 $0x100000, s1;
	[bflag:$0x2] =	sbarrier.arrive $0xFFFF  }
0x6c: {  	[sflag:s0] =	ssyncadd.tile.s32 @!p0 $0x1;
	_ =	shalt  }
.Lfunc_end2:
_tile_overlayer_lowered:
.L_overlay_start_2:
0x6d: {  	(tag) =	ssettag $0x2  }
0x6e: {  	s0 =	rddreg [dreg:$0x0];
	s2 =	stileid.u32  }
0x6f: {  	s1 =	rddreg [dreg:$0x1];
	p0 =	sne.s32 s2, $0x0  }
0x70: {  	s3 =	rddreg [dreg:$0x2];
	[bflag:$0x3] =	sbarrier.arrive $0xFFFF;
	s2 =	simm.s32 @!p0 $0x1C07  }
0x71: {  	[timem:s3], [sflag:s2] =	dma.local @!p0 [hbm:s0], s1  }
0x72: {  	s0 =	simm.s32 @!p0 $0x7  }
0x73: {  	_ =	swait.ge @!p0 [sflag:s0], s1  }
0x74: {  	s1 =	ssub.s32 @!p0 $0x0, s1;
	[sflag:s0] =	ssyncset.done @!p0 $0x0  }
0x75: {  	[sflag:s0] =	ssyncadd.s32 @!p0 s1  }
0x76: {  	[bflag:$0x3] =	sbarrier.arrive $0xFFFF  }
0x77: {  	_ =	shalt  }

// kernel: kernel.17.cloned.1.call-start
scs
__scs_entry_jumppad:
0x0: {  	(pc) =	sbr.rel $0x88, $3  }
0x1: {  	(tag) =	ssettag $0x0;
	lr =	simm.s32 $0x1  }
0x2: {  	[smem:$0x3F8D] =	sst lr;
	_ =	strace $0xD0000000  }
0x3: {  	_ = 	snop  }
0x4: {  	_ = 	snop  }
0x5: {  	_ = 	snop  }
0x6: {  	_ = 	snop  }
0x7: {  	_ = 	snop  }
__scs_overlays_trampoline_lowered:
0x8: {  	[smem:$0x3F9C] =	sst s0  }
0x9: {  	[smem:$0x3F9D] =	sst s1  }
0xa: {  	[smem:$0x3F9E] =	sst s2  }
0xb: {  	[smem:$0x3F9F] =	sst s3  }
0xc: {  	[smem:$0x3FA0] =	sst s4  }
0xd: {  	[smem:$0x3FA1] =	sst s5  }
0xe: {  	[smem:$0x3FA2] =	sst s6  }
0xf: {  	[smem:$0x3FA3] =	sst s7  }
0x10: {  	[smem:$0x3FA4] =	sst s8  }
0x11: {  	[smem:$0x3FA5] =	sst s9;
	s0 =	simm.s32 @!p0 $0x0  }
0x12: {  	s1 =	sld [smem:$0x3F8B];
	s0 =	simm.s32 @p0 $0x1  }
0x13: {  	[smem:$0x3FA6] =	sst s0;
	s0 =	simm.s32 @!p1 $0x0  }
0x14: {  	s2 =	sld [smem:$0x3F8A];
	s0 =	simm.s32 @p1 $0x1  }
0x15: {  	[smem:$0x3FA7] =	sst s0;
	s0 =	simm.s32 @!p2 $0x0  }
0x16: {  	s3 =	sld [smem:$0x3FDB];
	s0 =	simm.s32 @p2 $0x1  }
0x17: {  	s4 =	simm.s32 $0x1BF5;
	[smem:$0x3FA9] =	sst s0  }
0x18: {  	s0 =	sld [smem:$0x3F8C];
	_ =	swait.ge [sflag:s4], $0x0  }
0x19: {  	s7 =	sld [smem:$0x3F8D]  }
0x1a: {  	s8 =	sadd.s32 $0xFFFFE003, lr  }
0x1b: {  	s9 =	sadd.s32 $0xFFFFFEF7, lr;
	s5 =	simm.s32 $0xFFFFFFFF;
	p2 =	slt.u32 s8, $0xFFFFF086  }
0x1c: {  	p1 =	slt.u32 s9, $0xF7A;
	s5 =	simm.s32 @!p2 $0x0  }
0x1d: {  	s5 =	simm.s32 @p1 $0x1;
	p0 =	seq.s32 s7, s2  }
0x1e: {  	s7 =	smul.u32 @!p0 $0xF7A, s2;
	p2 =	seq.s32 @!p0 s5, $0x0  }
0x1f: {  	s9 =	smul.u32 $0xF7A, s1;
	s8 =	simm.s32 @!p0 $0x1BF5;
	p2 =	por !p2, p0  }
0x20: {  	[sflag:s8] =	ssyncset.s32 @!p0 $0xFFFFF086;
	s6 =	sadd.s32 @!p0 s3, s7;
	s7 =	simm.s32 @!p0 $0x108  }
0x21: {  	s3 =	sadd.s32 s3, s9;
	s6 =	sadd.s32 @!p0 $0x88, s6;
	s7 =	simm.s32 @p2 $0x1082  }
0x22: {  	[simem:s7], [sflag:s8] =	dma.local @!p0 [hbm:s6], $0xF7A  }
0x23: {  	s9 =	sor.u32 $0xD0000000, s2;
	s6 =	simm.s32 $0x108;
	_ =	swait.ge @!p0 [sflag:s8], $0x0  }
0x24: {  	s3 =	sadd.s32 $0x88, s3;
	s6 =	simm.s32 @!p1 $0x1082;
	[sflag:s4] =	ssyncset.s32 $0xFFFFF086  }
0x25: {  	[simem:s6], [sflag:s4] =	dma.local [hbm:s3], $0xF7A  }
0x26: {  	[smem:$0x3F8D] =	sst s1;
	(tag) =	ssettag s2;
	_ =	strace s9  }
0x27: {  	s1 =	sld [smem:$0x3F9D]  }
0x28: {  	s2 =	sld [smem:$0x3F9E]  }
0x29: {  	s4 =	sld [smem:$0x3FA0]  }
0x2a: {  	p0 =	seq.s32 s5, $0x0;
	s5 =	sld [smem:$0x3FA1]  }
0x2b: {  	s6 =	sld [smem:$0x3FA2]  }
0x2c: {  	s7 =	sld [smem:$0x3FA3]  }
0x2d: {  	s3 =	simm.s32 $0x108;
	s8 =	sld [smem:$0x3FA4]  }
0x2e: {  	s3 =	simm.s32 @!p0 $0x1082;
	s9 =	sld [smem:$0x3FA5]  }
0x2f: {  	lr =	sadd.s32 s0, s3;
	s0 =	sld [smem:$0x3F9C]  }
0x30: {  	s3 =	sld [smem:$0x3F9F]  }
0x31: {  	[smem:$0x3FA8] =	sst s10  }
0x32: {  	s10 =	sld [smem:$0x3FA6];
	_ =	sdelay $0x3  }
0x33: {  	p0 =	seq.s32 s10, $0x1;
	s10 =	sld [smem:$0x3FA8];
	_ =	sdelay $0x3  }
0x34: {  	[smem:$0x3FA8] =	sst s10  }
0x35: {  	s10 =	sld [smem:$0x3FA7];
	_ =	sdelay $0x3  }
0x36: {  	p1 =	seq.s32 s10, $0x1;
	s10 =	sld [smem:$0x3FA8];
	_ =	sdelay $0x3  }
0x37: {  	[smem:$0x3FA8] =	sst s10  }
0x38: {  	s10 =	sld [smem:$0x3FA9]  }
0x39: {  	_ = 	snop;
	(pc) =	sbr.ind lr, $3  }
0x3a: {  	_ = 	snop  }
0x3b: {  	_ = 	snop  }
0x3c: {  	p2 =	seq.s32 s10, $0x1;
	s10 =	sld [smem:$0x3FA8]  }
0x3d: {  	_ =	shalt  }
0x3e: {  	_ =	shalt  }
0x3f: {  	_ =	shalt  }
0x40: {  	_ =	shalt  }
0x41: {  	_ =	shalt  }
0x42: {  	_ =	shalt  }
0x43: {  	_ =	shalt  }
0x44: {  	_ =	shalt  }
0x45: {  	_ =	shalt  }
0x46: {  	_ =	shalt  }
0x47: {  	_ =	shalt  }
0x48: {  	_ =	shalt  }
0x49: {  	_ =	shalt  }
0x4a: {  	_ =	shalt  }
0x4b: {  	_ =	shalt  }
0x4c: {  	_ =	shalt  }
0x4d: {  	_ =	shalt  }
0x4e: {  	_ =	shalt  }
0x4f: {  	_ =	shalt  }
0x50: {  	_ =	shalt  }
0x51: {  	_ =	shalt  }
0x52: {  	_ =	shalt  }
0x53: {  	_ =	shalt  }
0x54: {  	_ =	shalt  }
0x55: {  	_ =	shalt  }
0x56: {  	_ =	shalt  }
0x57: {  	_ =	shalt  }
0x58: {  	_ =	shalt  }
0x59: {  	_ =	shalt  }
0x5a: {  	_ =	shalt  }
0x5b: {  	_ =	shalt  }
0x5c: {  	_ =	shalt  }
0x5d: {  	_ =	shalt  }
0x5e: {  	_ =	shalt  }
0x5f: {  	_ =	shalt  }
0x60: {  	_ =	shalt  }
0x61: {  	_ =	shalt  }
0x62: {  	_ =	shalt  }
0x63: {  	_ =	shalt  }
0x64: {  	_ =	shalt  }
0x65: {  	_ =	shalt  }
0x66: {  	_ =	shalt  }
0x67: {  	_ =	shalt  }
0x68: {  	_ =	shalt  }
0x69: {  	_ =	shalt  }
0x6a: {  	_ =	shalt  }
0x6b: {  	_ =	shalt  }
0x6c: {  	_ =	shalt  }
0x6d: {  	_ =	shalt  }
0x6e: {  	_ =	shalt  }
0x6f: {  	_ =	shalt  }
0x70: {  	_ =	shalt  }
0x71: {  	_ =	shalt  }
0x72: {  	_ =	shalt  }
0x73: {  	_ =	shalt  }
0x74: {  	_ =	shalt  }
0x75: {  	_ =	shalt  }
0x76: {  	_ =	shalt  }
0x77: {  	_ =	shalt  }
0x78: {  	_ =	shalt  }
0x79: {  	_ =	shalt  }
0x7a: {  	_ =	shalt  }
0x7b: {  	_ =	shalt  }
0x7c: {  	_ =	shalt  }
0x7d: {  	_ =	shalt  }
0x7e: {  	_ =	shalt  }
0x7f: {  	_ =	shalt  }
0x80: {  	_ =	shalt  }
0x81: {  	_ =	shalt  }
0x82: {  	_ =	shalt  }
0x83: {  	_ =	shalt  }
0x84: {  	_ =	shalt  }
0x85: {  	_ =	shalt  }
0x86: {  	_ =	shalt  }
0x87: {  	_ =	shalt  }
.Lfunc_end0:
.L_simem_size_0:
called_computation.2_lowered:
.L_overlay_start_0:
0x88: {  	s2 =	sld [smem:$0x3FD9]  }
0x89: {  	s3 =	sld [smem:$0x3FFE];
	_ =	sdelay $0x1  }
0x8a: {  	s1 =	srdreg.scid  }
0x8b: {  	s0 =	sand.u32 $0x1, s1  }
0x8c: {  	s16 =	sshll.u32 s0, $0xA;
	s2 =	sadd.s32 s3, s2  }
0x8d: {  	s2 =	sadd.s32 s2, s16  }
0x8e: {  	[smem:$0x3FB4] =	sst s2  }
0x8f: {  	_ = 	snop  }
0x90: {  	(tm) =	ssettm $0x1  }
0x91: {  	s17 =	sld [smem:$0x3FFB];
	_ =	sdelay $0x3  }
0x92: {  	_ =	strace s17  }
0x93: {  	s2 =	sld [smem:$0x3FFC];
	_ =	sdelay $0x3  }
0x94: {  	_ =	strace s2  }
0x95: {  	s2 =	sld [smem:$0x3FFD];
	_ =	sdelay $0x3  }
0x96: {  	_ =	strace s2  }
0x97: {  	_ =	strace $0x8FFFFFFF  }
0x98: {  	s18 =	sld [smem:$0x3FDB];
	_ =	sdelay $0x1  }
0x99: {  	s19 =	simm.s32 $_scs_section_size  }
0x9a: {  	s4 =	simm.s32 $_size__tile_overlayer_lowered;
	s5 =	simm.s32 $_tile_overlayer_lowered  }
0x9b: {  	s22 =	simm.s32 $0x1BFF;
	s21 =	sshll.u32 s5, $0x1;
	s2 =	sadd.s32 s19, s18  }
0x9c: {  	s6 =	simm.s32 $0x0;
	s20 =	sshll.u32 s4, $0x1;
	s4 =	sadd.s32 s21, s2  }
0x9d: {  	[timem:s6], [sflag:s22] =	dma.local [hbm:s4], s20  }
0x9e: {  	_ =	swait.ge [sflag:s22], s20  }
0x9f: {  	s3 =	ssub.s32 $0x0, s20;
	[sflag:s22] =	ssyncset.done $0x0  }
0xa0: {  	[sflag:s22] =	ssyncadd.s32 s3;
	_ =	sdelay $0x1  }
0xa1: {  	s23 =	simm.s32 $0x1B8B  }
0xa2: {  	_ =	swait.ge [sflag:s23], $0x1  }
0xa3: {  	[sflag:s23] =	ssyncset.done $0x0  }
0xa4: {  	s25 =	simm.s32 $0x1B8E;
	s24 =	sld [smem:$0x3FFE];
	[sflag:s23] =	ssyncadd.s32 $0xFFFFFFFF  }
0xa5: {  	s26 =	simm.s32 $execute0_lowered;
	[smem:$0x3FD2] =	sst s25  }
0xa6: {  	s4 =	sshll.u32 s26, $0x1;
	_ =	strace $0x8000004C;
	[dreg:$0x1] =	wrdreg $0xFFFFFFFF  }
0xa7: {  	s28 =	simm.s32 $_size_execute0_lowered;
	s2 =	sadd.s32 s2, s4;
	[dreg:$0x0] =	wrdreg $0x0  }
0xa8: {  	s4 =	sshll.u32 s28, $0x1;
	[dreg:$0x2] =	wrdreg s2  }
0xa9: {  	[dreg:$0x3] =	wrdreg s4  }
0xaa: {  	[dreg:$0x4] =	wrdreg $0xC0  }
0xab: {  	_ =	task [dreg:s6], $0x5FFFF  }
0xac: {  	[dreg:$0x1] =	wrdreg $0xFFFFFFFF  }
0xad: {  	[dreg:$0x0] =	wrdreg $0x60  }
0xae: {  	[dreg:$0x2] =	wrdreg s24  }
0xaf: {  	[dreg:$0x3] =	wrdreg $0x9  }
0xb0: {  	_ =	task.clear_ibuf [dreg:s6], $0x4FFFF;
	_ =	strace $0x9000004C  }
0xb1: {  	s29 =	simm.s32 $0x9;
	_ =	strace $0x8000004E  }
0xb2: {  	_ =	swait.ge [sflag:s29], $0x1  }
0xb3: {  	[sflag:s29] =	ssyncadd.s32 $0xFFFFFFFF  }
0xb4: {  	_ =	strace $0x9000004E  }
0xb5: {  	_ =	sfence  }
0xb6: {  	s30 =	sld [smem:$0x0];
	_ =	sdelay $0x2  }
0xb7: {  	s31 =	sshll.u32 s1, $0xD;
	s1 =	sshrl.u32 s1, $0x2  }
0xb8: {  	s3 =	sand.u32 $0x4000, s31;
	s1 =	sadd.s32 s1, s30  }
0xb9: {  	s0 =	sor.u32 s3, s0;
	s1 =	sshll.u32 s1, $0x11  }
0xba: {  	s0 =	sor.u32 s1, s0  }
0xbb: {  	s0 =	sadd.s32 $0x8F2B, s0  }
0xbc: {  	[sflag:s0] =	ssyncadd.remote.s32 $0x1  }
0xbd: {  	_ =	sfence.sel $0xFFFF  }
0xbe: {  	[dreg:$0x0] =	wrdreg $0xFFFFFFFF;
	(pc) =	sbr.abs _section_cstart, $3  }
0xbf: {  	[dreg:$0x1] =	wrdreg $0xFFFFFFFF  }
0xc0: {  	_ =	task.clear_ibuf [dreg:s6], $0x2FFFF;
	_ =	strace $0x9FFFFFFF  }
0xc1: {  	(tm) =	ssettm $0x7FFFFFFF  }
tec
execute0_lowered:
.L_overlay_start_1:
0x0: {  	(tag) =	ssettag $0x1  }
0x1: {  	s1 =	srdreg.scid  }
0x2: {  	s0 =	stileid.u32;
	s4 =	rddreg [dreg:$0x0];
	s2 =	simm.s32 $0x0  }
0x3: {  	s14 =	simm.s32 $0x5400;
	s15 =	simm.s32 $0x100;
	s16 =	simm.s32 $0x9400  }
0x4: {  	s17 =	simm.s32 $0x1;
	s18 =	simm.s32 $0x4;
	s19 =	simm.s32 $0x2  }
0x5: {  	s20 =	simm.s32 $0x5;
	s21 =	simm.s32 $0x3;
	s22 =	simm.s32 $0x6  }
0x6: {  	s23 =	simm.s32 $0x1380;
	s8 =	sand.u32 $0x1, s1;
	s3 =	sshll.u32 s0, $0x1  }
0x7: {  	s1 =	rddreg [dreg:$0x1];
	s12 =	smul.u32 $0x27100, s0;
	s5 =	sor.u32 s8, s3  }
0x8: {  	s24 =	simm.s32 $0x0;
	[smem:$0x7FF] =	sst s2;
	s6 =	smul.u32 $0x280, s5  }
0x9: {  	s10 =	sadd.s32 $0x4EC800, s4;
	s30 =	ssub.s32 $0x2, s8;
	s7 =	smul.u32 $0x9C400, s5  }
0xa: {  	_ =	strace $0x8000004D;
	s9 =	sshrl.u32 s30, $0x1;
	s11 =	smul.u32 $0x13880, s5  }
0xb: {  	s3 =	sadd.s32 $0xA800, s4;
	s13 =	smul.u32 $0x13880, s8;
	s9 =	ssub.s32 s30, s9  }
0xc: {  	s6 =	sadd.s32 s6, s4;
	s7 =	sshrl.u32 s7, $0x3;
	s11 =	sadd.s32 s10, s11  }
0xd: {  	s4 =	sadd.s32 $0x5800, s6;
	s31 =	sadd.s32 s10, s7;
	s6 =	smax.u32 s9, $0x1  }
0xe: {  	s7 =	sadd.s32 $0x12000, s11;
	s8 =	sadd.s32 $0x12800, s11;
	s9 =	sadd.s32 $0x13000, s11  }
0xf: {  	s10 =	sadd.s32 s12, s10;
	s11 =	simm.s32 $0x7;
	s12 =	simm.s32 $0x80  }
0x10: {  	s5 =	sadd.s32 $0x13800, s31;
	s10 =	sadd.s32 s13, s10;
	s13 =	simm.s32 $0x1400  }
.LBB2_1:
0x11: {  	[tilespmem:s2], [sflag:$0x7] =	stream.linear.gather [hbm4b:s4+s2], $0x1400, $0x38;
	[tilespmem:$0xD400] =	vst v63  }
0x12: {  	_ =	swait.ge [sflag:s11], $0x1400  }
0x13: {  	[sflag:s11] =	ssyncset.done $0x0  }
0x14: {  	[sflag:s11] =	ssyncadd.s32 $0xFFFFEC00  }
0x15: {  	[tilespmem:s13], [sflag:$0x1] =	stream.indirect.gather [hbm4b:s3+s12], $0x80, s2, s12, $0xb8;
	[tilespmem:$0xD400] =	vst v63  }
0x16: {  	_ = 	snop  }
0x17: {  	[tilespmem:s14], [sflag:$0x2] =	stream.indirect.gather [hbm4b:s3+s12], $0x80, s12, s12, $0xb8;
	[tilespmem:$0xD400] =	vst v63  }
0x18: {  	_ = 	snop  }
0x19: {  	[tilespmem:s16], [sflag:$0x3] =	stream.indirect.gather [hbm4b:s3+s12], $0x80, s15, s12, $0xb8;
	[tilespmem:$0xD400] =	vst v63  }
0x1a: {  	_ =	swait.ge [sflag:s17], $0x4000  }
0x1b: {  	[sflag:s17] =	ssyncset.done $0x0  }
0x1c: {  	s25 =	sadd.s32 $0x0, s10;
	[sflag:s17] =	ssyncadd.s32 $0xFFFFC000  }
0x1d: {  	[hbm4b:s25+s2] =	stream.linear.scatter [tilespmem:s13], [sflag:$0x4], $0x4000, $0x38;
	[tilespmem:$0xD400] =	vst v63  }
0x1e: {  	_ =	swait.ge [sflag:s18], $0x4000  }
0x1f: {  	[sflag:s18] =	ssyncset.done $0x0  }
0x20: {  	s26 =	simm.s32 $0x180;
	[sflag:s18] =	ssyncadd.s32 $0xFFFFC000  }
0x21: {  	[tilespmem:s13], [sflag:$0x1] =	stream.indirect.gather [hbm4b:s3+s12], $0x80, s26, s12, $0xb8;
	[tilespmem:$0xD400] =	vst v63  }
0x22: {  	_ =	swait.ge [sflag:s19], $0x4000  }
0x23: {  	[sflag:s19] =	ssyncset.done $0x0  }
0x24: {  	s30 =	sadd.s32 $0x800, s25;
	[sflag:s19] =	ssyncadd.s32 $0xFFFFC000  }
0x25: {  	[hbm4b:s30+s2] =	stream.linear.scatter [tilespmem:s14], [sflag:$0x5], $0x4000, $0x38;
	[tilespmem:$0xD400] =	vst v63  }
0x26: {  	_ =	swait.ge [sflag:s20], $0x4000  }
0x27: {  	[sflag:s20] =	ssyncset.done $0x0  }
0x28: {  	s31 =	simm.s32 $0x200;
	[sflag:s20] =	ssyncadd.s32 $0xFFFFC000  }
0x29: {  	[tilespmem:s14], [sflag:$0x2] =	stream.indirect.gather [hbm4b:s3+s12], $0x80, s31, s12, $0xb8;
	[tilespmem:$0xD400] =	vst v63  }
0x2a: {  	_ =	swait.ge [sflag:s21], $0x4000  }
0x2b: {  	[sflag:s21] =	ssyncset.done $0x0  }
0x2c: {  	s25 =	sadd.s32 $0x1000, s25;
	[sflag:s21] =	ssyncadd.s32 $0xFFFFC000  }
0x2d: {  	[hbm4b:s25+s2] =	stream.linear.scatter [tilespmem:s16], [sflag:$0x6], $0x4000, $0x38;
	[tilespmem:$0xD400] =	vst v63  }
0x2e: {  	_ =	swait.ge [sflag:s22], $0x4000  }
0x2f: {  	s28 =	simm.s32 $0x400;
	[sflag:s22] =	ssyncset.done $0x0  }
0x30: {  	s26 =	simm.s32 $0x1800;
	s25 =	simm.s32 $0x280;
	[sflag:s22] =	ssyncadd.s32 $0xFFFFC000  }
.LBB2_2:
0x31: {  	[tilespmem:s16], [sflag:$0x3] =	stream.indirect.gather [hbm4b:s3+s12], $0x80, s25, s12, $0xb8;
	[tilespmem:$0xD400] =	vst v63  }
0x32: {  	s29 =	smov.u32 s26;
	s25 =	smov.u32 s28  }
0x33: {  	p0 =	sne.s32 s26, $0x10800;
	s26 =	sadd.s32 $0x1800, s26;
	_ =	swait.ge [sflag:s17], $0x4000  }
0x34: {  	[sflag:s17] =	ssyncset.done $0x0  }
0x35: {  	s29 =	sadd.s32 s29, s10;
	[sflag:s17] =	ssyncadd.s32 $0xFFFFC000  }
0x36: {  	[hbm4b:s29+s2] =	stream.linear.scatter [tilespmem:s13], [sflag:$0x4], $0x4000, $0x38;
	[tilespmem:$0xD400] =	vst v63  }
0x37: {  	_ =	swait.ge [sflag:s18], $0x4000  }
0x38: {  	[sflag:s18] =	ssyncset.done $0x0  }
0x39: {  	s30 =	sadd.s32 $0xFFFFFF00, s28;
	[sflag:s18] =	ssyncadd.s32 $0xFFFFC000  }
0x3a: {  	[tilespmem:s13], [sflag:$0x1] =	stream.indirect.gather [hbm4b:s3+s12], $0x80, s30, s12, $0xb8;
	[tilespmem:$0xD400] =	vst v63  }
0x3b: {  	_ =	swait.ge [sflag:s19], $0x4000  }
0x3c: {  	[sflag:s19] =	ssyncset.done $0x0  }
0x3d: {  	s30 =	sadd.s32 $0x800, s29;
	[sflag:s19] =	ssyncadd.s32 $0xFFFFC000  }
0x3e: {  	[hbm4b:s30+s2] =	stream.linear.scatter [tilespmem:s14], [sflag:$0x5], $0x4000, $0x38;
	[tilespmem:$0xD400] =	vst v63  }
0x3f: {  	_ =	swait.ge [sflag:s20], $0x4000  }
0x40: {  	[sflag:s20] =	ssyncset.done $0x0  }
0x41: {  	s30 =	sadd.s32 $0xFFFFFF80, s28;
	[sflag:s20] =	ssyncadd.s32 $0xFFFFC000  }
0x42: {  	[tilespmem:s14], [sflag:$0x2] =	stream.indirect.gather [hbm4b:s3+s12], $0x80, s30, s12, $0xb8;
	[tilespmem:$0xD400] =	vst v63  }
0x43: {  	_ =	swait.ge [sflag:s21], $0x4000  }
0x44: {  	[sflag:s21] =	ssyncset.done $0x0  }
.Ltmp0:
0x45: {  	s29 =	sadd.s32 $0x1000, s29;
	[sflag:s21] =	ssyncadd.s32 $0xFFFFC000;
	(pc) =	sbr.rel @p0 .LBB2_2-.Ltmp0, $4  }
0x46: {  	[hbm4b:s29+s2] =	stream.linear.scatter [tilespmem:s16], [sflag:$0x6], $0x4000, $0x38;
	[tilespmem:$0xD400] =	vst v63  }
0x47: {  	_ =	swait.ge [sflag:s22], $0x4000  }
0x48: {  	[sflag:s22] =	ssyncset.done $0x0  }
0x49: {  	s28 =	sadd.s32 $0x180, s28;
	[sflag:s22] =	ssyncadd.s32 $0xFFFFC000  }
0x4a: {  	[tilespmem:s16], [sflag:$0x3] =	stream.indirect.gather [hbm4b:s3+s12], $0x80, s25, s12, $0xb8;
	[tilespmem:$0xD400] =	vst v63  }
0x4b: {  	_ =	swait.ge [sflag:s17], $0x4000  }
0x4c: {  	[sflag:s17] =	ssyncset.done $0x0  }
0x4d: {  	[sflag:s17] =	ssyncadd.s32 $0xFFFFC000  }
0x4e: {  	[hbm4b:s7+s2] =	stream.linear.scatter [tilespmem:s13], [sflag:$0x4], $0x4000, $0x38;
	[tilespmem:$0xD400] =	vst v63  }
0x4f: {  	_ =	swait.ge [sflag:s18], $0x4000  }
0x50: {  	[sflag:s18] =	ssyncset.done $0x0  }
0x51: {  	[sflag:s18] =	ssyncadd.s32 $0xFFFFC000  }
0x52: {  	[tilespmem:s13], [sflag:$0x1] =	stream.indirect.gather [hbm4b:s3+s12], $0x80, s23, s12, $0xb8;
	[tilespmem:$0xD400] =	vst v63  }
0x53: {  	_ =	swait.ge [sflag:s19], $0x4000  }
0x54: {  	[sflag:s19] =	ssyncset.done $0x0  }
0x55: {  	[sflag:s19] =	ssyncadd.s32 $0xFFFFC000  }
0x56: {  	[hbm4b:s8+s2] =	stream.linear.scatter [tilespmem:s14], [sflag:$0x5], $0x4000, $0x38;
	[tilespmem:$0xD400] =	vst v63  }
0x57: {  	_ =	swait.ge [sflag:s20], $0x4000  }
0x58: {  	[sflag:s20] =	ssyncset.done $0x0  }
0x59: {  	[sflag:s20] =	ssyncadd.s32 $0xFFFFC000  }
0x5a: {  	_ =	swait.ge [sflag:s21], $0x4000  }
0x5b: {  	[sflag:s21] =	ssyncset.done $0x0  }
0x5c: {  	[sflag:s21] =	ssyncadd.s32 $0xFFFFC000  }
0x5d: {  	[hbm4b:s9+s2] =	stream.linear.scatter [tilespmem:s16], [sflag:$0x6], $0x4000, $0x38;
	[tilespmem:$0xD400] =	vst v63  }
0x5e: {  	_ =	swait.ge [sflag:s22], $0x4000  }
0x5f: {  	[sflag:s22] =	ssyncset.done $0x0  }
0x60: {  	[sflag:s22] =	ssyncadd.s32 $0xFFFFC000  }
0x61: {  	s24 =	sadd.s32 $0x1, s24;
	_ =	swait.ge [sflag:s17], $0x4000  }
0x62: {  	p0 =	sne.s32 s24, s6;
	[sflag:s17] =	ssyncset.done $0x0  }
.Ltmp1:
0x63: {  	[sflag:s17] =	ssyncadd.s32 $0xFFFFC000;
	(pc) =	sbr.rel @p0 .LBB2_1-.Ltmp1, $4  }
0x64: {  	[hbm4b:s5+s2] =	stream.linear.scatter [tilespmem:s13], [sflag:$0x4], $0x400, $0x38;
	[tilespmem:$0xD400] =	vst v63  }
0x65: {  	_ =	swait.ge [sflag:s18], $0x400  }
0x66: {  	[sflag:s18] =	ssyncset.done $0x0  }
0x67: {  	[sflag:s18] =	ssyncadd.s32 $0xFFFFFC00  }
0x68: {  	_ =	sfence.sel $0x180000  }
0x69: {  	[bflag:$0x0] =	sbarrier.arrive $0xFFFF  }
0x6a: {  	p0 =	sne.s32 s0, $0x0;
	_ =	strace $0x9000004D  }
0x6b: {  	s0 =	sadd.s32 @!p0 $0x100000, s1;
	[bflag:$0x2] =	sbarrier.arrive $0xFFFF  }
0x6c: {  	[sflag:s0] =	ssyncadd.tile.s32 @!p0 $0x1;
	_ =	shalt  }
.Lfunc_end2:
_tile_overlayer_lowered:
.L_overlay_start_2:
0x6d: {  	(tag) =	ssettag $0x2  }
0x6e: {  	s0 =	rddreg [dreg:$0x0];
	s2 =	stileid.u32  }
0x6f: {  	s1 =	rddreg [dreg:$0x1];
	p0 =	sne.s32 s2, $0x0  }
0x70: {  	s3 =	rddreg [dreg:$0x2];
	[bflag:$0x3] =	sbarrier.arrive $0xFFFF;
	s2 =	simm.s32 @!p0 $0x1C07  }
0x71: {  	[timem:s3], [sflag:s2] =	dma.local @!p0 [hbm:s0], s1  }
0x72: {  	s0 =	simm.s32 @!p0 $0x7  }
0x73: {  	_ =	swait.ge @!p0 [sflag:s0], s1  }
0x74: {  	s1 =	ssub.s32 @!p0 $0x0, s1;
	[sflag:s0] =	ssyncset.done @!p0 $0x0  }
0x75: {  	[sflag:s0] =	ssyncadd.s32 @!p0 s1  }
0x76: {  	[bflag:$0x3] =	sbarrier.arrive $0xFFFF  }
0x77: {  	_ =	shalt  }

// kernel: kernel.20.cloned.1.call-start
scs
__scs_entry_jumppad:
0x0: {  	(pc) =	sbr.rel $0x88, $3  }
0x1: {  	(tag) =	ssettag $0x0;
	lr =	simm.s32 $0x1  }
0x2: {  	[smem:$0x3F8D] =	sst lr;
	_ =	strace $0xD0000000  }
0x3: {  	_ = 	snop  }
0x4: {  	_ = 	snop  }
0x5: {  	_ = 	snop  }
0x6: {  	_ = 	snop  }
0x7: {  	_ = 	snop  }
__scs_overlays_trampoline_lowered:
0x8: {  	[smem:$0x3F9C] =	sst s0  }
0x9: {  	[smem:$0x3F9D] =	sst s1  }
0xa: {  	[smem:$0x3F9E] =	sst s2  }
0xb: {  	[smem:$0x3F9F] =	sst s3  }
0xc: {  	[smem:$0x3FA0] =	sst s4  }
0xd: {  	[smem:$0x3FA1] =	sst s5  }
0xe: {  	[smem:$0x3FA2] =	sst s6  }
0xf: {  	[smem:$0x3FA3] =	sst s7  }
0x10: {  	[smem:$0x3FA4] =	sst s8  }
0x11: {  	[smem:$0x3FA5] =	sst s9;
	s0 =	simm.s32 @!p0 $0x0  }
0x12: {  	s1 =	sld [smem:$0x3F8B];
	s0 =	simm.s32 @p0 $0x1  }
0x13: {  	[smem:$0x3FA6] =	sst s0;
	s0 =	simm.s32 @!p1 $0x0  }
0x14: {  	s2 =	sld [smem:$0x3F8A];
	s0 =	simm.s32 @p1 $0x1  }
0x15: {  	[smem:$0x3FA7] =	sst s0;
	s0 =	simm.s32 @!p2 $0x0  }
0x16: {  	s3 =	sld [smem:$0x3FDB];
	s0 =	simm.s32 @p2 $0x1  }
0x17: {  	s4 =	simm.s32 $0x1BF5;
	[smem:$0x3FA9] =	sst s0  }
0x18: {  	s0 =	sld [smem:$0x3F8C];
	_ =	swait.ge [sflag:s4], $0x0  }
0x19: {  	s7 =	sld [smem:$0x3F8D]  }
0x1a: {  	s8 =	sadd.s32 $0xFFFFE003, lr  }
0x1b: {  	s9 =	sadd.s32 $0xFFFFFEF7, lr;
	s5 =	simm.s32 $0xFFFFFFFF;
	p2 =	slt.u32 s8, $0xFFFFF086  }
0x1c: {  	p1 =	slt.u32 s9, $0xF7A;
	s5 =	simm.s32 @!p2 $0x0  }
0x1d: {  	s5 =	simm.s32 @p1 $0x1;
	p0 =	seq.s32 s7, s2  }
0x1e: {  	s7 =	smul.u32 @!p0 $0xF7A, s2;
	p2 =	seq.s32 @!p0 s5, $0x0  }
0x1f: {  	s9 =	smul.u32 $0xF7A, s1;
	s8 =	simm.s32 @!p0 $0x1BF5;
	p2 =	por !p2, p0  }
0x20: {  	[sflag:s8] =	ssyncset.s32 @!p0 $0xFFFFF086;
	s6 =	sadd.s32 @!p0 s3, s7;
	s7 =	simm.s32 @!p0 $0x108  }
0x21: {  	s3 =	sadd.s32 s3, s9;
	s6 =	sadd.s32 @!p0 $0x88, s6;
	s7 =	simm.s32 @p2 $0x1082  }
0x22: {  	[simem:s7], [sflag:s8] =	dma.local @!p0 [hbm:s6], $0xF7A  }
0x23: {  	s9 =	sor.u32 $0xD0000000, s2;
	s6 =	simm.s32 $0x108;
	_ =	swait.ge @!p0 [sflag:s8], $0x0  }
0x24: {  	s3 =	sadd.s32 $0x88, s3;
	s6 =	simm.s32 @!p1 $0x1082;
	[sflag:s4] =	ssyncset.s32 $0xFFFFF086  }
0x25: {  	[simem:s6], [sflag:s4] =	dma.local [hbm:s3], $0xF7A  }
0x26: {  	[smem:$0x3F8D] =	sst s1;
	(tag) =	ssettag s2;
	_ =	strace s9  }
0x27: {  	s1 =	sld [smem:$0x3F9D]  }
0x28: {  	s2 =	sld [smem:$0x3F9E]  }
0x29: {  	s4 =	sld [smem:$0x3FA0]  }
0x2a: {  	p0 =	seq.s32 s5, $0x0;
	s5 =	sld [smem:$0x3FA1]  }
0x2b: {  	s6 =	sld [smem:$0x3FA2]  }
0x2c: {  	s7 =	sld [smem:$0x3FA3]  }
0x2d: {  	s3 =	simm.s32 $0x108;
	s8 =	sld [smem:$0x3FA4]  }
0x2e: {  	s3 =	simm.s32 @!p0 $0x1082;
	s9 =	sld [smem:$0x3FA5]  }
0x2f: {  	lr =	sadd.s32 s0, s3;
	s0 =	sld [smem:$0x3F9C]  }
0x30: {  	s3 =	sld [smem:$0x3F9F]  }
0x31: {  	[smem:$0x3FA8] =	sst s10  }
0x32: {  	s10 =	sld [smem:$0x3FA6];
	_ =	sdelay $0x3  }
0x33: {  	p0 =	seq.s32 s10, $0x1;
	s10 =	sld [smem:$0x3FA8];
	_ =	sdelay $0x3  }
0x34: {  	[smem:$0x3FA8] =	sst s10  }
0x35: {  	s10 =	sld [smem:$0x3FA7];
	_ =	sdelay $0x3  }
0x36: {  	p1 =	seq.s32 s10, $0x1;
	s10 =	sld [smem:$0x3FA8];
	_ =	sdelay $0x3  }
0x37: {  	[smem:$0x3FA8] =	sst s10  }
0x38: {  	s10 =	sld [smem:$0x3FA9]  }
0x39: {  	_ = 	snop;
	(pc) =	sbr.ind lr, $3  }
0x3a: {  	_ = 	snop  }
0x3b: {  	_ = 	snop  }
0x3c: {  	p2 =	seq.s32 s10, $0x1;
	s10 =	sld [smem:$0x3FA8]  }
0x3d: {  	_ =	shalt  }
0x3e: {  	_ =	shalt  }
0x3f: {  	_ =	shalt  }
0x40: {  	_ =	shalt  }
0x41: {  	_ =	shalt  }
0x42: {  	_ =	shalt  }
0x43: {  	_ =	shalt  }
0x44: {  	_ =	shalt  }
0x45: {  	_ =	shalt  }
0x46: {  	_ =	shalt  }
0x47: {  	_ =	shalt  }
0x48: {  	_ =	shalt  }
0x49: {  	_ =	shalt  }
0x4a: {  	_ =	shalt  }
0x4b: {  	_ =	shalt  }
0x4c: {  	_ =	shalt  }
0x4d: {  	_ =	shalt  }
0x4e: {  	_ =	shalt  }
0x4f: {  	_ =	shalt  }
0x50: {  	_ =	shalt  }
0x51: {  	_ =	shalt  }
0x52: {  	_ =	shalt  }
0x53: {  	_ =	shalt  }
0x54: {  	_ =	shalt  }
0x55: {  	_ =	shalt  }
0x56: {  	_ =	shalt  }
0x57: {  	_ =	shalt  }
0x58: {  	_ =	shalt  }
0x59: {  	_ =	shalt  }
0x5a: {  	_ =	shalt  }
0x5b: {  	_ =	shalt  }
0x5c: {  	_ =	shalt  }
0x5d: {  	_ =	shalt  }
0x5e: {  	_ =	shalt  }
0x5f: {  	_ =	shalt  }
0x60: {  	_ =	shalt  }
0x61: {  	_ =	shalt  }
0x62: {  	_ =	shalt  }
0x63: {  	_ =	shalt  }
0x64: {  	_ =	shalt  }
0x65: {  	_ =	shalt  }
0x66: {  	_ =	shalt  }
0x67: {  	_ =	shalt  }
0x68: {  	_ =	shalt  }
0x69: {  	_ =	shalt  }
0x6a: {  	_ =	shalt  }
0x6b: {  	_ =	shalt  }
0x6c: {  	_ =	shalt  }
0x6d: {  	_ =	shalt  }
0x6e: {  	_ =	shalt  }
0x6f: {  	_ =	shalt  }
0x70: {  	_ =	shalt  }
0x71: {  	_ =	shalt  }
0x72: {  	_ =	shalt  }
0x73: {  	_ =	shalt  }
0x74: {  	_ =	shalt  }
0x75: {  	_ =	shalt  }
0x76: {  	_ =	shalt  }
0x77: {  	_ =	shalt  }
0x78: {  	_ =	shalt  }
0x79: {  	_ =	shalt  }
0x7a: {  	_ =	shalt  }
0x7b: {  	_ =	shalt  }
0x7c: {  	_ =	shalt  }
0x7d: {  	_ =	shalt  }
0x7e: {  	_ =	shalt  }
0x7f: {  	_ =	shalt  }
0x80: {  	_ =	shalt  }
0x81: {  	_ =	shalt  }
0x82: {  	_ =	shalt  }
0x83: {  	_ =	shalt  }
0x84: {  	_ =	shalt  }
0x85: {  	_ =	shalt  }
0x86: {  	_ =	shalt  }
0x87: {  	_ =	shalt  }
.Lfunc_end0:
.L_simem_size_0:
called_computation.3_lowered:
.L_overlay_start_0:
0x88: {  	s2 =	sld [smem:$0x3FD9]  }
0x89: {  	s3 =	sld [smem:$0x3FFE];
	_ =	sdelay $0x1  }
0x8a: {  	s1 =	srdreg.scid  }
0x8b: {  	s0 =	sand.u32 $0x1, s1  }
0x8c: {  	s16 =	sshll.u32 s0, $0xA;
	s2 =	sadd.s32 s3, s2  }
0x8d: {  	s2 =	sadd.s32 s2, s16  }
0x8e: {  	[smem:$0x3FB4] =	sst s2  }
0x8f: {  	_ = 	snop  }
0x90: {  	(tm) =	ssettm $0x1  }
0x91: {  	s17 =	sld [smem:$0x3FFB];
	_ =	sdelay $0x3  }
0x92: {  	_ =	strace s17  }
0x93: {  	s2 =	sld [smem:$0x3FFC];
	_ =	sdelay $0x3  }
0x94: {  	_ =	strace s2  }
0x95: {  	s2 =	sld [smem:$0x3FFD];
	_ =	sdelay $0x3  }
0x96: {  	_ =	strace s2  }
0x97: {  	_ =	strace $0x8FFFFFFF  }
0x98: {  	s18 =	sld [smem:$0x3FDB];
	_ =	sdelay $0x1  }
0x99: {  	s19 =	simm.s32 $_scs_section_size  }
0x9a: {  	s4 =	simm.s32 $_size__tile_overlayer_lowered;
	s5 =	simm.s32 $_tile_overlayer_lowered  }
0x9b: {  	s22 =	simm.s32 $0x1BFF;
	s21 =	sshll.u32 s5, $0x1;
	s2 =	sadd.s32 s19, s18  }
0x9c: {  	s6 =	simm.s32 $0x0;
	s20 =	sshll.u32 s4, $0x1;
	s4 =	sadd.s32 s21, s2  }
0x9d: {  	[timem:s6], [sflag:s22] =	dma.local [hbm:s4], s20  }
0x9e: {  	_ =	swait.ge [sflag:s22], s20  }
0x9f: {  	s3 =	ssub.s32 $0x0, s20;
	[sflag:s22] =	ssyncset.done $0x0  }
0xa0: {  	[sflag:s22] =	ssyncadd.s32 s3;
	_ =	sdelay $0x1  }
0xa1: {  	s23 =	simm.s32 $0x1B8B  }
0xa2: {  	_ =	swait.ge [sflag:s23], $0x1  }
0xa3: {  	[sflag:s23] =	ssyncset.done $0x0  }
0xa4: {  	s25 =	simm.s32 $0x1B8E;
	s24 =	sld [smem:$0x3FFE];
	[sflag:s23] =	ssyncadd.s32 $0xFFFFFFFF  }
0xa5: {  	s26 =	simm.s32 $execute0_lowered;
	[smem:$0x3FD2] =	sst s25  }
0xa6: {  	s4 =	sshll.u32 s26, $0x1;
	_ =	strace $0x8000004F;
	[dreg:$0x1] =	wrdreg $0xFFFFFFFF  }
0xa7: {  	s28 =	simm.s32 $_size_execute0_lowered;
	s2 =	sadd.s32 s2, s4;
	[dreg:$0x0] =	wrdreg $0x0  }
0xa8: {  	s4 =	sshll.u32 s28, $0x1;
	[dreg:$0x2] =	wrdreg s2  }
0xa9: {  	[dreg:$0x3] =	wrdreg s4  }
0xaa: {  	[dreg:$0x4] =	wrdreg $0xC0  }
0xab: {  	_ =	task [dreg:s6], $0x5FFFF  }
0xac: {  	[dreg:$0x1] =	wrdreg $0xFFFFFFFF  }
0xad: {  	[dreg:$0x0] =	wrdreg $0x60  }
0xae: {  	[dreg:$0x2] =	wrdreg s24  }
0xaf: {  	[dreg:$0x3] =	wrdreg $0x9  }
0xb0: {  	_ =	task.clear_ibuf [dreg:s6], $0x4FFFF;
	_ =	strace $0x9000004F  }
0xb1: {  	s29 =	simm.s32 $0x9;
	_ =	strace $0x80000051  }
0xb2: {  	_ =	swait.ge [sflag:s29], $0x1  }
0xb3: {  	[sflag:s29] =	ssyncadd.s32 $0xFFFFFFFF  }
0xb4: {  	_ =	strace $0x90000051  }
0xb5: {  	_ =	sfence  }
0xb6: {  	s30 =	sld [smem:$0x0];
	_ =	sdelay $0x2  }
0xb7: {  	s31 =	sshll.u32 s1, $0xD;
	s1 =	sshrl.u32 s1, $0x2  }
0xb8: {  	s3 =	sand.u32 $0x4000, s31;
	s1 =	sadd.s32 s1, s30  }
0xb9: {  	s0 =	sor.u32 s3, s0;
	s1 =	sshll.u32 s1, $0x11  }
0xba: {  	s0 =	sor.u32 s1, s0  }
0xbb: {  	s0 =	sadd.s32 $0x8F2B, s0  }
0xbc: {  	[sflag:s0] =	ssyncadd.remote.s32 $0x1  }
0xbd: {  	_ =	sfence.sel $0xFFFF  }
0xbe: {  	[dreg:$0x0] =	wrdreg $0xFFFFFFFF;
	(pc) =	sbr.abs _section_cstart, $3  }
0xbf: {  	[dreg:$0x1] =	wrdreg $0xFFFFFFFF  }
0xc0: {  	_ =	task.clear_ibuf [dreg:s6], $0x2FFFF;
	_ =	strace $0x9FFFFFFF  }
0xc1: {  	(tm) =	ssettm $0x7FFFFFFF  }
tec
execute0_lowered:
.L_overlay_start_1:
0x0: {  	(tag) =	ssettag $0x1  }
0x1: {  	s1 =	srdreg.scid  }
0x2: {  	s0 =	stileid.u32;
	s4 =	rddreg [dreg:$0x0];
	s2 =	simm.s32 $0x0  }
0x3: {  	s14 =	simm.s32 $0x5400;
	s15 =	simm.s32 $0x100;
	s16 =	simm.s32 $0x9400  }
0x4: {  	s17 =	simm.s32 $0x1;
	s18 =	simm.s32 $0x4;
	s19 =	simm.s32 $0x2  }
0x5: {  	s20 =	simm.s32 $0x5;
	s21 =	simm.s32 $0x3;
	s22 =	simm.s32 $0x6  }
0x6: {  	s23 =	simm.s32 $0x1380;
	s8 =	sand.u32 $0x1, s1;
	s3 =	sshll.u32 s0, $0x1  }
0x7: {  	s1 =	rddreg [dreg:$0x1];
	s12 =	smul.u32 $0x27100, s0;
	s5 =	sor.u32 s8, s3  }
0x8: {  	s24 =	simm.s32 $0x0;
	[smem:$0x7FF] =	sst s2;
	s6 =	smul.u32 $0x280, s5  }
0x9: {  	s10 =	sadd.s32 $0x4EC800, s4;
	s30 =	ssub.s32 $0x2, s8;
	s7 =	smul.u32 $0x9C400, s5  }
0xa: {  	_ =	strace $0x80000050;
	s9 =	sshrl.u32 s30, $0x1;
	s11 =	smul.u32 $0x13880, s5  }
0xb: {  	s3 =	sadd.s32 $0xA800, s4;
	s13 =	smul.u32 $0x13880, s8;
	s9 =	ssub.s32 s30, s9  }
0xc: {  	s6 =	sadd.s32 s6, s4;
	s7 =	sshrl.u32 s7, $0x3;
	s11 =	sadd.s32 s10, s11  }
0xd: {  	s4 =	sadd.s32 $0x5800, s6;
	s31 =	sadd.s32 s10, s7;
	s6 =	smax.u32 s9, $0x1  }
0xe: {  	s7 =	sadd.s32 $0x12000, s11;
	s8 =	sadd.s32 $0x12800, s11;
	s9 =	sadd.s32 $0x13000, s11  }
0xf: {  	s10 =	sadd.s32 s12, s10;
	s11 =	simm.s32 $0x7;
	s12 =	simm.s32 $0x80  }
0x10: {  	s5 =	sadd.s32 $0x13800, s31;
	s10 =	sadd.s32 s13, s10;
	s13 =	simm.s32 $0x1400  }
.LBB2_1:
0x11: {  	[tilespmem:s2], [sflag:$0x7] =	stream.linear.gather [hbm4b:s4+s2], $0x1400, $0x38;
	[tilespmem:$0xD400] =	vst v63  }
0x12: {  	_ =	swait.ge [sflag:s11], $0x1400  }
0x13: {  	[sflag:s11] =	ssyncset.done $0x0  }
0x14: {  	[sflag:s11] =	ssyncadd.s32 $0xFFFFEC00  }
0x15: {  	[tilespmem:s13], [sflag:$0x1] =	stream.indirect.gather [hbm4b:s3+s12], $0x80, s2, s12, $0xb8;
	[tilespmem:$0xD400] =	vst v63  }
0x16: {  	_ = 	snop  }
0x17: {  	[tilespmem:s14], [sflag:$0x2] =	stream.indirect.gather [hbm4b:s3+s12], $0x80, s12, s12, $0xb8;
	[tilespmem:$0xD400] =	vst v63  }
0x18: {  	_ = 	snop  }
0x19: {  	[tilespmem:s16], [sflag:$0x3] =	stream.indirect.gather [hbm4b:s3+s12], $0x80, s15, s12, $0xb8;
	[tilespmem:$0xD400] =	vst v63  }
0x1a: {  	_ =	swait.ge [sflag:s17], $0x4000  }
0x1b: {  	[sflag:s17] =	ssyncset.done $0x0  }
0x1c: {  	s25 =	sadd.s32 $0x0, s10;
	[sflag:s17] =	ssyncadd.s32 $0xFFFFC000  }
0x1d: {  	[hbm4b:s25+s2] =	stream.linear.scatter [tilespmem:s13], [sflag:$0x4], $0x4000, $0x38;
	[tilespmem:$0xD400] =	vst v63  }
0x1e: {  	_ =	swait.ge [sflag:s18], $0x4000  }
0x1f: {  	[sflag:s18] =	ssyncset.done $0x0  }
0x20: {  	s26 =	simm.s32 $0x180;
	[sflag:s18] =	ssyncadd.s32 $0xFFFFC000  }
0x21: {  	[tilespmem:s13], [sflag:$0x1] =	stream.indirect.gather [hbm4b:s3+s12], $0x80, s26, s12, $0xb8;
	[tilespmem:$0xD400] =	vst v63  }
0x22: {  	_ =	swait.ge [sflag:s19], $0x4000  }
0x23: {  	[sflag:s19] =	ssyncset.done $0x0  }
0x24: {  	s30 =	sadd.s32 $0x800, s25;
	[sflag:s19] =	ssyncadd.s32 $0xFFFFC000  }
0x25: {  	[hbm4b:s30+s2] =	stream.linear.scatter [tilespmem:s14], [sflag:$0x5], $0x4000, $0x38;
	[tilespmem:$0xD400] =	vst v63  }
0x26: {  	_ =	swait.ge [sflag:s20], $0x4000  }
0x27: {  	[sflag:s20] =	ssyncset.done $0x0  }
0x28: {  	s31 =	simm.s32 $0x200;
	[sflag:s20] =	ssyncadd.s32 $0xFFFFC000  }
0x29: {  	[tilespmem:s14], [sflag:$0x2] =	stream.indirect.gather [hbm4b:s3+s12], $0x80, s31, s12, $0xb8;
	[tilespmem:$0xD400] =	vst v63  }
0x2a: {  	_ =	swait.ge [sflag:s21], $0x4000  }
0x2b: {  	[sflag:s21] =	ssyncset.done $0x0  }
0x2c: {  	s25 =	sadd.s32 $0x1000, s25;
	[sflag:s21] =	ssyncadd.s32 $0xFFFFC000  }
0x2d: {  	[hbm4b:s25+s2] =	stream.linear.scatter [tilespmem:s16], [sflag:$0x6], $0x4000, $0x38;
	[tilespmem:$0xD400] =	vst v63  }
0x2e: {  	_ =	swait.ge [sflag:s22], $0x4000  }
0x2f: {  	s28 =	simm.s32 $0x400;
	[sflag:s22] =	ssyncset.done $0x0  }
0x30: {  	s26 =	simm.s32 $0x1800;
	s25 =	simm.s32 $0x280;
	[sflag:s22] =	ssyncadd.s32 $0xFFFFC000  }
.LBB2_2:
0x31: {  	[tilespmem:s16], [sflag:$0x3] =	stream.indirect.gather [hbm4b:s3+s12], $0x80, s25, s12, $0xb8;
	[tilespmem:$0xD400] =	vst v63  }
0x32: {  	s29 =	smov.u32 s26;
	s25 =	smov.u32 s28  }
0x33: {  	p0 =	sne.s32 s26, $0x10800;
	s26 =	sadd.s32 $0x1800, s26;
	_ =	swait.ge [sflag:s17], $0x4000  }
0x34: {  	[sflag:s17] =	ssyncset.done $0x0  }
0x35: {  	s29 =	sadd.s32 s29, s10;
	[sflag:s17] =	ssyncadd.s32 $0xFFFFC000  }
0x36: {  	[hbm4b:s29+s2] =	stream.linear.scatter [tilespmem:s13], [sflag:$0x4], $0x4000, $0x38;
	[tilespmem:$0xD400] =	vst v63  }
0x37: {  	_ =	swait.ge [sflag:s18], $0x4000  }
0x38: {  	[sflag:s18] =	ssyncset.done $0x0  }
0x39: {  	s30 =	sadd.s32 $0xFFFFFF00, s28;
	[sflag:s18] =	ssyncadd.s32 $0xFFFFC000  }
0x3a: {  	[tilespmem:s13], [sflag:$0x1] =	stream.indirect.gather [hbm4b:s3+s12], $0x80, s30, s12, $0xb8;
	[tilespmem:$0xD400] =	vst v63  }
0x3b: {  	_ =	swait.ge [sflag:s19], $0x4000  }
0x3c: {  	[sflag:s19] =	ssyncset.done $0x0  }
0x3d: {  	s30 =	sadd.s32 $0x800, s29;
	[sflag:s19] =	ssyncadd.s32 $0xFFFFC000  }
0x3e: {  	[hbm4b:s30+s2] =	stream.linear.scatter [tilespmem:s14], [sflag:$0x5], $0x4000, $0x38;
	[tilespmem:$0xD400] =	vst v63  }
0x3f: {  	_ =	swait.ge [sflag:s20], $0x4000  }
0x40: {  	[sflag:s20] =	ssyncset.done $0x0  }
0x41: {  	s30 =	sadd.s32 $0xFFFFFF80, s28;
	[sflag:s20] =	ssyncadd.s32 $0xFFFFC000  }
0x42: {  	[tilespmem:s14], [sflag:$0x2] =	stream.indirect.gather [hbm4b:s3+s12], $0x80, s30, s12, $0xb8;
	[tilespmem:$0xD400] =	vst v63  }
0x43: {  	_ =	swait.ge [sflag:s21], $0x4000  }
0x44: {  	[sflag:s21] =	ssyncset.done $0x0  }
.Ltmp0:
0x45: {  	s29 =	sadd.s32 $0x1000, s29;
	[sflag:s21] =	ssyncadd.s32 $0xFFFFC000;
	(pc) =	sbr.rel @p0 .LBB2_2-.Ltmp0, $4  }
0x46: {  	[hbm4b:s29+s2] =	stream.linear.scatter [tilespmem:s16], [sflag:$0x6], $0x4000, $0x38;
	[tilespmem:$0xD400] =	vst v63  }
0x47: {  	_ =	swait.ge [sflag:s22], $0x4000  }
0x48: {  	[sflag:s22] =	ssyncset.done $0x0  }
0x49: {  	s28 =	sadd.s32 $0x180, s28;
	[sflag:s22] =	ssyncadd.s32 $0xFFFFC000  }
0x4a: {  	[tilespmem:s16], [sflag:$0x3] =	stream.indirect.gather [hbm4b:s3+s12], $0x80, s25, s12, $0xb8;
	[tilespmem:$0xD400] =	vst v63  }
0x4b: {  	_ =	swait.ge [sflag:s17], $0x4000  }
0x4c: {  	[sflag:s17] =	ssyncset.done $0x0  }
0x4d: {  	[sflag:s17] =	ssyncadd.s32 $0xFFFFC000  }
0x4e: {  	[hbm4b:s7+s2] =	stream.linear.scatter [tilespmem:s13], [sflag:$0x4], $0x4000, $0x38;
	[tilespmem:$0xD400] =	vst v63  }
0x4f: {  	_ =	swait.ge [sflag:s18], $0x4000  }
0x50: {  	[sflag:s18] =	ssyncset.done $0x0  }
0x51: {  	[sflag:s18] =	ssyncadd.s32 $0xFFFFC000  }
0x52: {  	[tilespmem:s13], [sflag:$0x1] =	stream.indirect.gather [hbm4b:s3+s12], $0x80, s23, s12, $0xb8;
	[tilespmem:$0xD400] =	vst v63  }
0x53: {  	_ =	swait.ge [sflag:s19], $0x4000  }
0x54: {  	[sflag:s19] =	ssyncset.done $0x0  }
0x55: {  	[sflag:s19] =	ssyncadd.s32 $0xFFFFC000  }
0x56: {  	[hbm4b:s8+s2] =	stream.linear.scatter [tilespmem:s14], [sflag:$0x5], $0x4000, $0x38;
	[tilespmem:$0xD400] =	vst v63  }
0x57: {  	_ =	swait.ge [sflag:s20], $0x4000  }
0x58: {  	[sflag:s20] =	ssyncset.done $0x0  }
0x59: {  	[sflag:s20] =	ssyncadd.s32 $0xFFFFC000  }
0x5a: {  	_ =	swait.ge [sflag:s21], $0x4000  }
0x5b: {  	[sflag:s21] =	ssyncset.done $0x0  }
0x5c: {  	[sflag:s21] =	ssyncadd.s32 $0xFFFFC000  }
0x5d: {  	[hbm4b:s9+s2] =	stream.linear.scatter [tilespmem:s16], [sflag:$0x6], $0x4000, $0x38;
	[tilespmem:$0xD400] =	vst v63  }
0x5e: {  	_ =	swait.ge [sflag:s22], $0x4000  }
0x5f: {  	[sflag:s22] =	ssyncset.done $0x0  }
0x60: {  	[sflag:s22] =	ssyncadd.s32 $0xFFFFC000  }
0x61: {  	s24 =	sadd.s32 $0x1, s24;
	_ =	swait.ge [sflag:s17], $0x4000  }
0x62: {  	p0 =	sne.s32 s24, s6;
	[sflag:s17] =	ssyncset.done $0x0  }
.Ltmp1:
0x63: {  	[sflag:s17] =	ssyncadd.s32 $0xFFFFC000;
	(pc) =	sbr.rel @p0 .LBB2_1-.Ltmp1, $4  }
0x64: {  	[hbm4b:s5+s2] =	stream.linear.scatter [tilespmem:s13], [sflag:$0x4], $0x400, $0x38;
	[tilespmem:$0xD400] =	vst v63  }
0x65: {  	_ =	swait.ge [sflag:s18], $0x400  }
0x66: {  	[sflag:s18] =	ssyncset.done $0x0  }
0x67: {  	[sflag:s18] =	ssyncadd.s32 $0xFFFFFC00  }
0x68: {  	_ =	sfence.sel $0x180000  }
0x69: {  	[bflag:$0x0] =	sbarrier.arrive $0xFFFF  }
0x6a: {  	p0 =	sne.s32 s0, $0x0;
	_ =	strace $0x90000050  }
0x6b: {  	s0 =	sadd.s32 @!p0 $0x100000, s1;
	[bflag:$0x2] =	sbarrier.arrive $0xFFFF  }
0x6c: {  	[sflag:s0] =	ssyncadd.tile.s32 @!p0 $0x1;
	_ =	shalt  }
.Lfunc_end2:
_tile_overlayer_lowered:
.L_overlay_start_2:
0x6d: {  	(tag) =	ssettag $0x2  }
0x6e: {  	s0 =	rddreg [dreg:$0x0];
	s2 =	stileid.u32  }
0x6f: {  	s1 =	rddreg [dreg:$0x1];
	p0 =	sne.s32 s2, $0x0  }
0x70: {  	s3 =	rddreg [dreg:$0x2];
	[bflag:$0x3] =	sbarrier.arrive $0xFFFF;
	s2 =	simm.s32 @!p0 $0x1C07  }
0x71: {  	[timem:s3], [sflag:s2] =	dma.local @!p0 [hbm:s0], s1  }
0x72: {  	s0 =	simm.s32 @!p0 $0x7  }
0x73: {  	_ =	swait.ge @!p0 [sflag:s0], s1  }
0x74: {  	s1 =	ssub.s32 @!p0 $0x0, s1;
	[sflag:s0] =	ssyncset.done @!p0 $0x0  }
0x75: {  	[sflag:s0] =	ssyncadd.s32 @!p0 s1  }
0x76: {  	[bflag:$0x3] =	sbarrier.arrive $0xFFFF  }
0x77: {  	_ =	shalt  }

</sc_bundles>
